<compile_context>
chip_gen: v7x
topology: tpu7x:2x2x1
jax: 0.10.2.dev20260603
libtpu: 0.0.44.dev20260713+nightly
codegen_flags: <defaults>
</compile_context>

<pallas_src>
import functools

import jax
import jax.numpy as jnp
from jax import lax
from jax.experimental import pallas as pl
from jax.experimental.pallas import tpu as pltpu
from jax.experimental.pallas import tpu_sc as plsc

B = 16384
NV = 100
NVA = 48
NVB = NV - NVA
NG = 1000
NW = 32
RW = B // NW
PR = 2 * RW
CH = 256
NCH = PR // CH
L = 16


def _sc_body(gene_hbm, table_hbm, out_hbm,
             table_v, g0a_v, g1a_v, g0b_v, g1b_v, part_v, shared_s,
             sem_t, sem0, sem1, sem_x):
    cid = lax.axis_index("c")
    sid = lax.axis_index("s")
    wid = sid * 2 + cid
    sid_p = sid ^ 1
    wid_p = sid_p * 2 + cid
    base_own = wid * RW
    base_par = wid_p * RW

    fzero = jnp.zeros((L,), jnp.float32)

    def chunk_row(c):
        if c < NCH // 2:
            return base_par + c * CH
        return base_own + (c - NCH // 2) * CH

    def compute(v0, nv, ub, bufs, sems):
        tbl_cp = pltpu.make_async_copy(
            table_hbm.at[pl.ds(v0 * NG, nv * NG)],
            table_v.at[pl.ds(0, nv * NG)], sem_t)
        tbl_cp.start()

        def gene_copy(c):
            return pltpu.make_async_copy(
                gene_hbm.at[pl.ds(v0, nv), pl.ds(chunk_row(c), CH)],
                bufs[c % 2], sems[c % 2])

        cp = gene_copy(0)
        cp.start()
        tbl_cp.wait()

        for c in range(NCH):
            if c == NCH // 2:
                pltpu.sync_copy(part_v.at[pl.ds(0, RW)],
                                shared_s.at[pl.ds(sid_p * RW, RW)])
            cp.wait()
            if c + 1 < NCH:
                cp = gene_copy(c + 1)
                cp.start()
            gbuf = bufs[c % 2]

            def group_body(i0, _):
                col = i0 * L

                def blk(b, carry):
                    acc, prev = carry
                    new = []
                    for j in range(ub):
                        v = b * ub + j
                        g = gbuf[v, pl.ds(col, L)]
                        new.append(
                            plsc.load_gather(table_v, [g + v * NG]))
                    for x in prev:
                        acc = acc + x
                    return acc, tuple(new)

                acc, last = lax.fori_loop(0, nv // ub, blk,
                                          (fzero, (fzero,) * ub))
                for x in last:
                    acc = acc + x
                part_v[pl.ds(c * CH + col, L)] = acc
                return 0

            lax.fori_loop(0, CH // L, group_body, 0)

    @pl.when(sid % 2 == 0)
    def _even():
        compute(0, NVA, 8, (g0a_v, g1a_v), (sem0, sem1))

    @pl.when(sid % 2 == 1)
    def _odd():
        compute(NVA, NVB, 13, (g0b_v, g1b_v), (sem0, sem1))

    plsc.subcore_barrier()
    xcp = pltpu.make_async_copy(shared_s.at[pl.ds(sid * RW, RW)],
                                part_v.at[pl.ds(0, RW)], sem_x)
    xcp.start()
    xcp.wait()

    def add_body(i, _):
        off = i * L
        part_v[pl.ds(off, L)] = (part_v[pl.ds(off, L)]
                                 + part_v[pl.ds(RW + off, L)])
        return 0

    lax.fori_loop(0, RW // L, add_body, 0)

    pltpu.sync_copy(part_v.at[pl.ds(0, RW)],
                    out_hbm.at[pl.ds(base_own, RW)])


@jax.jit
def kernel(gene, genes):
    gene_t = gene.astype(jnp.int32).T
    table_flat = genes.reshape(-1).astype(jnp.float32)

    sc_call = functools.partial(
        pl.kernel,
        mesh=plsc.VectorSubcoreMesh(core_axis_name="c", subcore_axis_name="s"),
        out_type=jax.ShapeDtypeStruct((B,), jnp.float32),
        scratch_types=[
            pltpu.VMEM((NVB * NG,), jnp.float32),
            pltpu.VMEM((NVA, CH), jnp.int32),
            pltpu.VMEM((NVA, CH), jnp.int32),
            pltpu.VMEM((NVB, CH), jnp.int32),
            pltpu.VMEM((NVB, CH), jnp.int32),
            pltpu.VMEM((PR,), jnp.float32),
            pltpu.VMEM_SHARED((16 * RW,), jnp.float32),
            pltpu.SemaphoreType.DMA,
            pltpu.SemaphoreType.DMA,
            pltpu.SemaphoreType.DMA,
            pltpu.SemaphoreType.DMA,
        ],
        compiler_params=pltpu.CompilerParams(needs_layout_passes=False),
    )(_sc_body)

    fit = sc_call(gene_t, table_flat)
    return fit.reshape(B, 1)

# --- scband reference (transcript-rebuilt; emitter-appended) ---
"""Pipeline reference for scband-regression-2138893714174 (READ-ONLY COPY).

The authoritative reference and input builder live on the scoring server;
editing this copy changes nothing except your own understanding.
"""

import jax, jax.numpy as jnp
import numpy as np


def setup_inputs(seed: int = 0) -> dict:
    key = jax.random.key(seed)
    k1, k2 = jax.random.split(key)
    gene = jax.random.randint(k1, (16384, 100), 0, 1000)
    genes = jax.random.uniform(k2, (100, 1000, 1), dtype=jnp.float32)
    return {"gene": gene, "genes": genes}


def reference(gene, genes):
    # lat[b, v, :] = genes[v, gene[b, v], :] via advanced indexing
    nb_var = gene.shape[1]
    lat = genes[jnp.arange(nb_var), gene]  # [B, nb_var, 1]
    fit = lat.reshape(gene.shape[0], -1).sum(axis=-1).reshape(-1, 1)  # [B, 1]
    return fit

if __name__ == "__main__":
    import jax
    _d = setup_inputs()
    print(jax.jit(kernel)(*tuple(_d.values())))

</pallas_src>

<mosaic_0001>
#map = affine_map<(d0, d1) -> (0, 0)>
#map1 = affine_map<(d0, d1) -> (0)>
module attributes {stable_mosaic.version = 14 : i64} {
  func.func @_sc_body(%arg0: i32, %arg1: i32, %arg2: memref<100x16384xi32, #tpu.memory_space<hbm>>, %arg3: memref<100000xf32, #tpu.memory_space<hbm>>, %arg4: memref<16384xf32, #tpu.memory_space<hbm>>, %arg5: memref<52000xf32, #tpu.memory_space<vmem>>, %arg6: memref<48x256xi32, #tpu.memory_space<vmem>>, %arg7: memref<48x256xi32, #tpu.memory_space<vmem>>, %arg8: memref<52x256xi32, #tpu.memory_space<vmem>>, %arg9: memref<52x256xi32, #tpu.memory_space<vmem>>, %arg10: memref<1024xf32, #tpu.memory_space<vmem>>, %arg11: memref<8192xf32, #tpu.memory_space<vmem_shared>>, %arg12: memref<!tpu.dma_semaphore, #tpu.memory_space<semaphore_mem>>, %arg13: memref<!tpu.dma_semaphore, #tpu.memory_space<semaphore_mem>>, %arg14: memref<!tpu.dma_semaphore, #tpu.memory_space<semaphore_mem>>, %arg15: memref<!tpu.dma_semaphore, #tpu.memory_space<semaphore_mem>>) attributes {dimension_semantics = [#tpu.dimension_semantics<core_parallel>, #tpu.dimension_semantics<subcore_parallel>], iteration_bounds = array<i64: 2, 16>, scalar_prefetch = 0 : i64, scratch_operands = 11 : i64, tpu.core_type = #tpu.core_type<sc_vector_subcore>, window_params = [{transform_indices = #map}, {transform_indices = #map1}, {transform_indices = #map1}]} {
    %mul3A = arith.constant 2 : i32
    %mul3A_0 = arith.muli %arg1, %mul3A : i32
    %add3A = arith.addi %mul3A_0, %arg0 : i32
    %xor3A = arith.constant 1 : i32
    %xor3A_1 = arith.xori %arg1, %xor3A : i32
    %mul3A_2 = arith.constant 2 : i32
    %mul3A_3 = arith.muli %xor3A_1, %mul3A_2 : i32
    %add3A_4 = arith.addi %mul3A_3, %arg0 : i32
    %mul3A_5 = arith.constant 512 : i32
    %mul3A_6 = arith.muli %add3A, %mul3A_5 : i32
    %mul3A_7 = arith.constant 512 : i32
    %mul3A_8 = arith.muli %add3A_4, %mul3A_7 : i32
    %broadcast_in_dim3A = arith.constant 0.000000e+00 : f32
    %broadcast_in_dim3A_9 = vector.broadcast %broadcast_in_dim3A : f32 to vector<16xf32>
    %jit3A = arith.constant 2 : i32
    %eq3A = arith.constant 0 : i32
    %eq3A_10 = arith.cmpi eq, %jit3A, %eq3A : i32
    %jit3A_11 = arith.constant 1 : i32
    %select_n3A = arith.select %eq3A_10, %jit3A_11, %jit3A : i32
    %rem3A = arith.remsi %arg1, %select_n3A : i32
    %ne3A = arith.constant 0 : i32
    %ne3A_12 = arith.cmpi ne, %rem3A, %ne3A : i32
    %lt3A = arith.constant 0 : i32
    %lt3A_13 = arith.cmpi slt, %rem3A, %lt3A : i32
    %lt3A_14 = arith.constant 0 : i32
    %lt3A_15 = arith.cmpi slt, %select_n3A, %lt3A_14 : i32
    %ne3A_16 = arith.xori %lt3A_13, %lt3A_15 : i1
    %and3A = arith.andi %ne3A_16, %ne3A_12 : i1
    %add3A_17 = arith.addi %rem3A, %select_n3A : i32
    %select_n3A_18 = arith.select %and3A, %add3A_17, %rem3A : i32
    %eq3A_19 = arith.constant 0 : i32
    %eq3A_20 = arith.cmpi eq, %select_n3A_18, %eq3A_19 : i32
    %convert_element_type3A = arith.extui %eq3A_20 : i1 to i32
    %cond3A = arith.constant 0 : i32
    %cond3A_21 = arith.cmpi ne, %convert_element_type3A, %cond3A : i32
    scf.if %cond3A_21 {
      %dma_start3A_61 = arith.constant 0 : i32
      %dma_start3A_62 = tpu.memref_slice %arg5[%dma_start3A_61] : memref<52000xf32, #tpu.memory_space<vmem>> -> memref<48000xf32, #tpu.memory_space<vmem>>
      %dma_start3A_63 = arith.constant 0 : i32
      %dma_start3A_64 = tpu.memref_slice %arg3[%dma_start3A_63] : memref<100000xf32, #tpu.memory_space<hbm>> -> memref<48000xf32, #tpu.memory_space<hbm>>
      %dma_start3A_65 = arith.constant 0 : i32
      %dma_start3A_66 = tpu.memref_slice %arg5[%dma_start3A_65] : memref<52000xf32, #tpu.memory_space<vmem>> -> memref<48000xf32, #tpu.memory_space<vmem>>
      %dma_start3A_67 = arith.constant 0 : i32
      %dma_start3A_68 = tpu.memref_slice %arg3[%dma_start3A_67] : memref<100000xf32, #tpu.memory_space<hbm>> -> memref<48000xf32, #tpu.memory_space<hbm>>
      tpu.enqueue_dma source(%dma_start3A_68 : memref<48000xf32, #tpu.memory_space<hbm>>) target(%dma_start3A_66 : memref<48000xf32, #tpu.memory_space<vmem>>) target_semaphore(%arg12 : memref<!tpu.dma_semaphore, #tpu.memory_space<semaphore_mem>>)
      %add3A_69 = arith.constant 0 : i32
      %add3A_70 = arith.addi %mul3A_8, %add3A_69 : i32
      %dma_start3A_71 = arith.constant 0 : i32
      %dma_start3A_72 = tpu.memref_slice %arg2[%dma_start3A_71, %add3A_70] : memref<100x16384xi32, #tpu.memory_space<hbm>> -> memref<48x256xi32, #tpu.memory_space<hbm>>
      %dma_start3A_73 = arith.constant 0 : i32
      %dma_start3A_74 = tpu.memref_slice %arg2[%dma_start3A_73, %add3A_70] : memref<100x16384xi32, #tpu.memory_space<hbm>> -> memref<48x256xi32, #tpu.memory_space<hbm>>
      tpu.enqueue_dma source(%dma_start3A_74 : memref<48x256xi32, #tpu.memory_space<hbm>>) target(%arg6 : memref<48x256xi32, #tpu.memory_space<vmem>>) target_semaphore(%arg13 : memref<!tpu.dma_semaphore, #tpu.memory_space<semaphore_mem>>)
      %dma_wait3A_75 = arith.constant 0 : i32
      %dma_wait3A_76 = tpu.memref_slice %arg5[%dma_wait3A_75] : memref<52000xf32, #tpu.memory_space<vmem>> -> memref<48000xf32, #tpu.memory_space<vmem>>
      %dma_wait3A_77 = arith.constant 0 : i32
      %dma_wait3A_78 = tpu.memref_slice %arg3[%dma_wait3A_77] : memref<100000xf32, #tpu.memory_space<hbm>> -> memref<48000xf32, #tpu.memory_space<hbm>>
      %dma_wait3A_79 = arith.constant 0 : i32
      %dma_wait3A_80 = tpu.memref_slice %arg5[%dma_wait3A_79] : memref<52000xf32, #tpu.memory_space<vmem>> -> memref<48000xf32, #tpu.memory_space<vmem>>
      %dma_wait3A_81 = arith.constant 0 : i32
      %dma_wait3A_82 = tpu.memref_slice %arg3[%dma_wait3A_81] : memref<100000xf32, #tpu.memory_space<hbm>> -> memref<48000xf32, #tpu.memory_space<hbm>>
      tpu.wait_dma2 semaphore(%arg12 : memref<!tpu.dma_semaphore, #tpu.memory_space<semaphore_mem>>) src(%dma_wait3A_82 : memref<48000xf32, #tpu.memory_space<hbm>>) dst(%dma_wait3A_80 : memref<48000xf32, #tpu.memory_space<vmem>>)
      %dma_wait3A_83 = arith.constant 0 : i32
      %dma_wait3A_84 = tpu.memref_slice %arg2[%dma_wait3A_83, %add3A_70] : memref<100x16384xi32, #tpu.memory_space<hbm>> -> memref<48x256xi32, #tpu.memory_space<hbm>>
      %dma_wait3A_85 = arith.constant 0 : i32
      %dma_wait3A_86 = tpu.memref_slice %arg2[%dma_wait3A_85, %add3A_70] : memref<100x16384xi32, #tpu.memory_space<hbm>> -> memref<48x256xi32, #tpu.memory_space<hbm>>
      tpu.wait_dma2 semaphore(%arg13 : memref<!tpu.dma_semaphore, #tpu.memory_space<semaphore_mem>>) src(%dma_wait3A_86 : memref<48x256xi32, #tpu.memory_space<hbm>>) dst(%arg6 : memref<48x256xi32, #tpu.memory_space<vmem>>)
      %add3A_87 = arith.constant 256 : i32
      %add3A_88 = arith.addi %mul3A_8, %add3A_87 : i32
      %dma_start3A_89 = arith.constant 0 : i32
      %dma_start3A_90 = tpu.memref_slice %arg2[%dma_start3A_89, %add3A_88] : memref<100x16384xi32, #tpu.memory_space<hbm>> -> memref<48x256xi32, #tpu.memory_space<hbm>>
      %dma_start3A_91 = arith.constant 0 : i32
      %dma_start3A_92 = tpu.memref_slice %arg2[%dma_start3A_91, %add3A_88] : memref<100x16384xi32, #tpu.memory_space<hbm>> -> memref<48x256xi32, #tpu.memory_space<hbm>>
      tpu.enqueue_dma source(%dma_start3A_92 : memref<48x256xi32, #tpu.memory_space<hbm>>) target(%arg7 : memref<48x256xi32, #tpu.memory_space<vmem>>) target_semaphore(%arg14 : memref<!tpu.dma_semaphore, #tpu.memory_space<semaphore_mem>>)
      %scan3A_93 = arith.constant 0 : i32
      %scan3A_94 = arith.constant 0 : i32
      %scan3A_95 = arith.constant 16 : i32
      %scan3A_96 = arith.addi %scan3A_94, %scan3A_95 : i32
      %scan3A_97 = arith.constant 1 : i32
      %scan3A_98 = scf.for %scan3A_147 = %scan3A_94 to %scan3A_96 step %scan3A_97 iter_args(%scan3A_148 = %scan3A_93) -> (i32)  : i32 {
        %mul3A_149 = arith.constant 16 : i32
        %mul3A_150 = arith.muli %scan3A_147, %mul3A_149 : i32
        %scan3A_151 = arith.constant 0 : i32
        %scan3A_152 = arith.constant 6 : i32
        %scan3A_153 = arith.addi %scan3A_151, %scan3A_152 : i32
        %scan3A_154 = arith.constant 1 : i32
        %scan3A_155:9 = scf.for %scan3A_169 = %scan3A_151 to %scan3A_153 step %scan3A_154 iter_args(%scan3A_170 = %broadcast_in_dim3A_9, %scan3A_171 = %broadcast_in_dim3A_9, %scan3A_172 = %broadcast_in_dim3A_9, %scan3A_173 = %broadcast_in_dim3A_9, %scan3A_174 = %broadcast_in_dim3A_9, %scan3A_175 = %broadcast_in_dim3A_9, %scan3A_176 = %broadcast_in_dim3A_9, %scan3A_177 = %broadcast_in_dim3A_9, %scan3A_178 = %broadcast_in_dim3A_9) -> (vector<16xf32>, vector<16xf32>, vector<16xf32>, vector<16xf32>, vector<16xf32>, vector<16xf32>, vector<16xf32>, vector<16xf32>, vector<16xf32>)  : i32 {
          %mul3A_179 = arith.constant 8 : i32
          %mul3A_180 = arith.muli %scan3A_169, %mul3A_179 : i32
          %add3A_181 = arith.constant 0 : i32
          %add3A_182 = arith.addi %mul3A_180, %add3A_181 : i32
          %get3A = arith.index_cast %add3A_182 : i32 to index
          %get3A_183 = arith.index_cast %mul3A_150 : i32 to index
          %get3A_184 = tpu.vector_load %arg6[%get3A, %get3A_183] {strides = array<i32>} : memref<48x256xi32, #tpu.memory_space<vmem>>, vector<16xi32>,
          %mul3A_185 = arith.constant 1000 : i32
          %mul3A_186 = arith.muli %add3A_182, %mul3A_185 : i32
          %add3A_187 = vector.broadcast %mul3A_186 : i32 to vector<16xi32>
          %add3A_188 = arith.addi %get3A_184, %add3A_187 : vector<16xi32>
          %gather3A = tpu.vector_load_idx %arg5[%add3A_188] : memref<52000xf32, #tpu.memory_space<vmem>>[vector<16xi32>], vector<16xf32>,
          %mul3A_189 = arith.constant 8 : i32
          %mul3A_190 = arith.muli %scan3A_169, %mul3A_189 : i32
          %add3A_191 = arith.constant 1 : i32
          %add3A_192 = arith.addi %mul3A_190, %add3A_191 : i32
          %get3A_193 = arith.index_cast %add3A_192 : i32 to index
          %get3A_194 = arith.index_cast %mul3A_150 : i32 to index
          %get3A_195 = tpu.vector_load %arg6[%get3A_193, %get3A_194] {strides = array<i32>} : memref<48x256xi32, #tpu.memory_space<vmem>>, vector<16xi32>,
          %mul3A_196 = arith.constant 1000 : i32
          %mul3A_197 = arith.muli %add3A_192, %mul3A_196 : i32
          %add3A_198 = vector.broadcast %mul3A_197 : i32 to vector<16xi32>
          %add3A_199 = arith.addi %get3A_195, %add3A_198 : vector<16xi32>
          %gather3A_200 = tpu.vector_load_idx %arg5[%add3A_199] : memref<52000xf32, #tpu.memory_space<vmem>>[vector<16xi32>], vector<16xf32>,
          %mul3A_201 = arith.constant 8 : i32
          %mul3A_202 = arith.muli %scan3A_169, %mul3A_201 : i32
          %add3A_203 = arith.constant 2 : i32
          %add3A_204 = arith.addi %mul3A_202, %add3A_203 : i32
          %get3A_205 = arith.index_cast %add3A_204 : i32 to index
          %get3A_206 = arith.index_cast %mul3A_150 : i32 to index
          %get3A_207 = tpu.vector_load %arg6[%get3A_205, %get3A_206] {strides = array<i32>} : memref<48x256xi32, #tpu.memory_space<vmem>>, vector<16xi32>,
          %mul3A_208 = arith.constant 1000 : i32
          %mul3A_209 = arith.muli %add3A_204, %mul3A_208 : i32
          %add3A_210 = vector.broadcast %mul3A_209 : i32 to vector<16xi32>
          %add3A_211 = arith.addi %get3A_207, %add3A_210 : vector<16xi32>
          %gather3A_212 = tpu.vector_load_idx %arg5[%add3A_211] : memref<52000xf32, #tpu.memory_space<vmem>>[vector<16xi32>], vector<16xf32>,
          %mul3A_213 = arith.constant 8 : i32
          %mul3A_214 = arith.muli %scan3A_169, %mul3A_213 : i32
          %add3A_215 = arith.constant 3 : i32
          %add3A_216 = arith.addi %mul3A_214, %add3A_215 : i32
          %get3A_217 = arith.index_cast %add3A_216 : i32 to index
          %get3A_218 = arith.index_cast %mul3A_150 : i32 to index
          %get3A_219 = tpu.vector_load %arg6[%get3A_217, %get3A_218] {strides = array<i32>} : memref<48x256xi32, #tpu.memory_space<vmem>>, vector<16xi32>,
          %mul3A_220 = arith.constant 1000 : i32
          %mul3A_221 = arith.muli %add3A_216, %mul3A_220 : i32
          %add3A_222 = vector.broadcast %mul3A_221 : i32 to vector<16xi32>
          %add3A_223 = arith.addi %get3A_219, %add3A_222 : vector<16xi32>
          %gather3A_224 = tpu.vector_load_idx %arg5[%add3A_223] : memref<52000xf32, #tpu.memory_space<vmem>>[vector<16xi32>], vector<16xf32>,
          %mul3A_225 = arith.constant 8 : i32
          %mul3A_226 = arith.muli %scan3A_169, %mul3A_225 : i32
          %add3A_227 = arith.constant 4 : i32
          %add3A_228 = arith.addi %mul3A_226, %add3A_227 : i32
          %get3A_229 = arith.index_cast %add3A_228 : i32 to index
          %get3A_230 = arith.index_cast %mul3A_150 : i32 to index
          %get3A_231 = tpu.vector_load %arg6[%get3A_229, %get3A_230] {strides = array<i32>} : memref<48x256xi32, #tpu.memory_space<vmem>>, vector<16xi32>,
          %mul3A_232 = arith.constant 1000 : i32
          %mul3A_233 = arith.muli %add3A_228, %mul3A_232 : i32
          %add3A_234 = vector.broadcast %mul3A_233 : i32 to vector<16xi32>
          %add3A_235 = arith.addi %get3A_231, %add3A_234 : vector<16xi32>
          %gather3A_236 = tpu.vector_load_idx %arg5[%add3A_235] : memref<52000xf32, #tpu.memory_space<vmem>>[vector<16xi32>], vector<16xf32>,
          %mul3A_237 = arith.constant 8 : i32
          %mul3A_238 = arith.muli %scan3A_169, %mul3A_237 : i32
          %add3A_239 = arith.constant 5 : i32
          %add3A_240 = arith.addi %mul3A_238, %add3A_239 : i32
          %get3A_241 = arith.index_cast %add3A_240 : i32 to index
          %get3A_242 = arith.index_cast %mul3A_150 : i32 to index
          %get3A_243 = tpu.vector_load %arg6[%get3A_241, %get3A_242] {strides = array<i32>} : memref<48x256xi32, #tpu.memory_space<vmem>>, vector<16xi32>,
          %mul3A_244 = arith.constant 1000 : i32
          %mul3A_245 = arith.muli %add3A_240, %mul3A_244 : i32
          %add3A_246 = vector.broadcast %mul3A_245 : i32 to vector<16xi32>
          %add3A_247 = arith.addi %get3A_243, %add3A_246 : vector<16xi32>
          %gather3A_248 = tpu.vector_load_idx %arg5[%add3A_247] : memref<52000xf32, #tpu.memory_space<vmem>>[vector<16xi32>], vector<16xf32>,
          %mul3A_249 = arith.constant 8 : i32
          %mul3A_250 = arith.muli %scan3A_169, %mul3A_249 : i32
          %add3A_251 = arith.constant 6 : i32
          %add3A_252 = arith.addi %mul3A_250, %add3A_251 : i32
          %get3A_253 = arith.index_cast %add3A_252 : i32 to index
          %get3A_254 = arith.index_cast %mul3A_150 : i32 to index
          %get3A_255 = tpu.vector_load %arg6[%get3A_253, %get3A_254] {strides = array<i32>} : memref<48x256xi32, #tpu.memory_space<vmem>>, vector<16xi32>,
          %mul3A_256 = arith.constant 1000 : i32
          %mul3A_257 = arith.muli %add3A_252, %mul3A_256 : i32
          %add3A_258 = vector.broadcast %mul3A_257 : i32 to vector<16xi32>
          %add3A_259 = arith.addi %get3A_255, %add3A_258 : vector<16xi32>
          %gather3A_260 = tpu.vector_load_idx %arg5[%add3A_259] : memref<52000xf32, #tpu.memory_space<vmem>>[vector<16xi32>], vector<16xf32>,
          %mul3A_261 = arith.constant 8 : i32
          %mul3A_262 = arith.muli %scan3A_169, %mul3A_261 : i32
          %add3A_263 = arith.constant 7 : i32
          %add3A_264 = arith.addi %mul3A_262, %add3A_263 : i32
          %get3A_265 = arith.index_cast %add3A_264 : i32 to index
          %get3A_266 = arith.index_cast %mul3A_150 : i32 to index
          %get3A_267 = tpu.vector_load %arg6[%get3A_265, %get3A_266] {strides = array<i32>} : memref<48x256xi32, #tpu.memory_space<vmem>>, vector<16xi32>,
          %mul3A_268 = arith.constant 1000 : i32
          %mul3A_269 = arith.muli %add3A_264, %mul3A_268 : i32
          %add3A_270 = vector.broadcast %mul3A_269 : i32 to vector<16xi32>
          %add3A_271 = arith.addi %get3A_267, %add3A_270 : vector<16xi32>
          %gather3A_272 = tpu.vector_load_idx %arg5[%add3A_271] : memref<52000xf32, #tpu.memory_space<vmem>>[vector<16xi32>], vector<16xf32>,
          %add3A_273 = arith.addf %scan3A_170, %scan3A_171 : vector<16xf32>
          %add3A_274 = arith.addf %add3A_273, %scan3A_172 : vector<16xf32>
          %add3A_275 = arith.addf %add3A_274, %scan3A_173 : vector<16xf32>
          %add3A_276 = arith.addf %add3A_275, %scan3A_174 : vector<16xf32>
          %add3A_277 = arith.addf %add3A_276, %scan3A_175 : vector<16xf32>
          %add3A_278 = arith.addf %add3A_277, %scan3A_176 : vector<16xf32>
          %add3A_279 = arith.addf %add3A_278, %scan3A_177 : vector<16xf32>
          %add3A_280 = arith.addf %add3A_279, %scan3A_178 : vector<16xf32>
          scf.yield %add3A_280, %gather3A, %gather3A_200, %gather3A_212, %gather3A_224, %gather3A_236, %gather3A_248, %gather3A_260, %gather3A_272 : vector<16xf32>, vector<16xf32>, vector<16xf32>, vector<16xf32>, vector<16xf32>, vector<16xf32>, vector<16xf32>, vector<16xf32>, vector<16xf32>
        }
        %scan3A_156 = arith.constant 6 : i32
        %add3A_157 = arith.addf %scan3A_155#0, %scan3A_155#1 : vector<16xf32>
        %add3A_158 = arith.addf %add3A_157, %scan3A_155#2 : vector<16xf32>
        %add3A_159 = arith.addf %add3A_158, %scan3A_155#3 : vector<16xf32>
        %add3A_160 = arith.addf %add3A_159, %scan3A_155#4 : vector<16xf32>
        %add3A_161 = arith.addf %add3A_160, %scan3A_155#5 : vector<16xf32>
        %add3A_162 = arith.addf %add3A_161, %scan3A_155#6 : vector<16xf32>
        %add3A_163 = arith.addf %add3A_162, %scan3A_155#7 : vector<16xf32>
        %add3A_164 = arith.addf %add3A_163, %scan3A_155#8 : vector<16xf32>
        %add3A_165 = arith.constant 0 : i32
        %add3A_166 = arith.addi %add3A_165, %mul3A_150 : i32
        %swap3A = arith.index_cast %add3A_166 : i32 to index
        %swap3A_167 = tpu.vector_load %arg10[%swap3A] {strides = array<i32>} : memref<1024xf32, #tpu.memory_space<vmem>>, vector<16xf32>,
        tpu.vector_store %arg10[%swap3A], %add3A_164 {strides = array<i32>} : memref<1024xf32, #tpu.memory_space<vmem>>, vector<16xf32>,
        %scan3A_168 = arith.constant 0 : i32
        scf.yield %scan3A_168 : i32
      }
      %scan3A_99 = arith.constant 16 : i32
      %dma_wait3A_100 = arith.constant 0 : i32
      %dma_wait3A_101 = tpu.memref_slice %arg2[%dma_wait3A_100, %add3A_88] : memref<100x16384xi32, #tpu.memory_space<hbm>> -> memref<48x256xi32, #tpu.memory_space<hbm>>
      %dma_wait3A_102 = arith.constant 0 : i32
      %dma_wait3A_103 = tpu.memref_slice %arg2[%dma_wait3A_102, %add3A_88] : memref<100x16384xi32, #tpu.memory_space<hbm>> -> memref<48x256xi32, #tpu.memory_space<hbm>>
      tpu.wait_dma2 semaphore(%arg14 : memref<!tpu.dma_semaphore, #tpu.memory_space<semaphore_mem>>) src(%dma_wait3A_103 : memref<48x256xi32, #tpu.memory_space<hbm>>) dst(%arg7 : memref<48x256xi32, #tpu.memory_space<vmem>>)
      %add3A_104 = arith.constant 0 : i32
      %add3A_105 = arith.addi %mul3A_6, %add3A_104 : i32
      %dma_start3A_106 = arith.constant 0 : i32
      %dma_start3A_107 = tpu.memref_slice %arg2[%dma_start3A_106, %add3A_105] : memref<100x16384xi32, #tpu.memory_space<hbm>> -> memref<48x256xi32, #tpu.memory_space<hbm>>
      %dma_start3A_108 = arith.constant 0 : i32
      %dma_start3A_109 = tpu.memref_slice %arg2[%dma_start3A_108, %add3A_105] : memref<100x16384xi32, #tpu.memory_space<hbm>> -> memref<48x256xi32, #tpu.memory_space<hbm>>
      tpu.enqueue_dma source(%dma_start3A_109 : memref<48x256xi32, #tpu.memory_space<hbm>>) target(%arg6 : memref<48x256xi32, #tpu.memory_space<vmem>>) target_semaphore(%arg13 : memref<!tpu.dma_semaphore, #tpu.memory_space<semaphore_mem>>)
      %scan3A_110 = arith.constant 0 : i32
      %scan3A_111 = arith.constant 0 : i32
      %scan3A_112 = arith.constant 16 : i32
      %scan3A_113 = arith.addi %scan3A_111, %scan3A_112 : i32
      %scan3A_114 = arith.constant 1 : i32
      %scan3A_115 = scf.for %scan3A_147 = %scan3A_111 to %scan3A_113 step %scan3A_114 iter_args(%scan3A_148 = %scan3A_110) -> (i32)  : i32 {
        %mul3A_149 = arith.constant 16 : i32
        %mul3A_150 = arith.muli %scan3A_147, %mul3A_149 : i32
        %scan3A_151 = arith.constant 0 : i32
        %scan3A_152 = arith.constant 6 : i32
        %scan3A_153 = arith.addi %scan3A_151, %scan3A_152 : i32
        %scan3A_154 = arith.constant 1 : i32
        %scan3A_155:9 = scf.for %scan3A_169 = %scan3A_151 to %scan3A_153 step %scan3A_154 iter_args(%scan3A_170 = %broadcast_in_dim3A_9, %scan3A_171 = %broadcast_in_dim3A_9, %scan3A_172 = %broadcast_in_dim3A_9, %scan3A_173 = %broadcast_in_dim3A_9, %scan3A_174 = %broadcast_in_dim3A_9, %scan3A_175 = %broadcast_in_dim3A_9, %scan3A_176 = %broadcast_in_dim3A_9, %scan3A_177 = %broadcast_in_dim3A_9, %scan3A_178 = %broadcast_in_dim3A_9) -> (vector<16xf32>, vector<16xf32>, vector<16xf32>, vector<16xf32>, vector<16xf32>, vector<16xf32>, vector<16xf32>, vector<16xf32>, vector<16xf32>)  : i32 {
          %mul3A_179 = arith.constant 8 : i32
          %mul3A_180 = arith.muli %scan3A_169, %mul3A_179 : i32
          %add3A_181 = arith.constant 0 : i32
          %add3A_182 = arith.addi %mul3A_180, %add3A_181 : i32
          %get3A = arith.index_cast %add3A_182 : i32 to index
          %get3A_183 = arith.index_cast %mul3A_150 : i32 to index
          %get3A_184 = tpu.vector_load %arg7[%get3A, %get3A_183] {strides = array<i32>} : memref<48x256xi32, #tpu.memory_space<vmem>>, vector<16xi32>,
          %mul3A_185 = arith.constant 1000 : i32
          %mul3A_186 = arith.muli %add3A_182, %mul3A_185 : i32
          %add3A_187 = vector.broadcast %mul3A_186 : i32 to vector<16xi32>
          %add3A_188 = arith.addi %get3A_184, %add3A_187 : vector<16xi32>
          %gather3A = tpu.vector_load_idx %arg5[%add3A_188] : memref<52000xf32, #tpu.memory_space<vmem>>[vector<16xi32>], vector<16xf32>,
          %mul3A_189 = arith.constant 8 : i32
          %mul3A_190 = arith.muli %scan3A_169, %mul3A_189 : i32
          %add3A_191 = arith.constant 1 : i32
          %add3A_192 = arith.addi %mul3A_190, %add3A_191 : i32
          %get3A_193 = arith.index_cast %add3A_192 : i32 to index
          %get3A_194 = arith.index_cast %mul3A_150 : i32 to index
          %get3A_195 = tpu.vector_load %arg7[%get3A_193, %get3A_194] {strides = array<i32>} : memref<48x256xi32, #tpu.memory_space<vmem>>, vector<16xi32>,
          %mul3A_196 = arith.constant 1000 : i32
          %mul3A_197 = arith.muli %add3A_192, %mul3A_196 : i32
          %add3A_198 = vector.broadcast %mul3A_197 : i32 to vector<16xi32>
          %add3A_199 = arith.addi %get3A_195, %add3A_198 : vector<16xi32>
          %gather3A_200 = tpu.vector_load_idx %arg5[%add3A_199] : memref<52000xf32, #tpu.memory_space<vmem>>[vector<16xi32>], vector<16xf32>,
          %mul3A_201 = arith.constant 8 : i32
          %mul3A_202 = arith.muli %scan3A_169, %mul3A_201 : i32
          %add3A_203 = arith.constant 2 : i32
          %add3A_204 = arith.addi %mul3A_202, %add3A_203 : i32
          %get3A_205 = arith.index_cast %add3A_204 : i32 to index
          %get3A_206 = arith.index_cast %mul3A_150 : i32 to index
          %get3A_207 = tpu.vector_load %arg7[%get3A_205, %get3A_206] {strides = array<i32>} : memref<48x256xi32, #tpu.memory_space<vmem>>, vector<16xi32>,
          %mul3A_208 = arith.constant 1000 : i32
          %mul3A_209 = arith.muli %add3A_204, %mul3A_208 : i32
          %add3A_210 = vector.broadcast %mul3A_209 : i32 to vector<16xi32>
          %add3A_211 = arith.addi %get3A_207, %add3A_210 : vector<16xi32>
          %gather3A_212 = tpu.vector_load_idx %arg5[%add3A_211] : memref<52000xf32, #tpu.memory_space<vmem>>[vector<16xi32>], vector<16xf32>,
          %mul3A_213 = arith.constant 8 : i32
          %mul3A_214 = arith.muli %scan3A_169, %mul3A_213 : i32
          %add3A_215 = arith.constant 3 : i32
          %add3A_216 = arith.addi %mul3A_214, %add3A_215 : i32
          %get3A_217 = arith.index_cast %add3A_216 : i32 to index
          %get3A_218 = arith.index_cast %mul3A_150 : i32 to index
          %get3A_219 = tpu.vector_load %arg7[%get3A_217, %get3A_218] {strides = array<i32>} : memref<48x256xi32, #tpu.memory_space<vmem>>, vector<16xi32>,
          %mul3A_220 = arith.constant 1000 : i32
          %mul3A_221 = arith.muli %add3A_216, %mul3A_220 : i32
          %add3A_222 = vector.broadcast %mul3A_221 : i32 to vector<16xi32>
          %add3A_223 = arith.addi %get3A_219, %add3A_222 : vector<16xi32>
          %gather3A_224 = tpu.vector_load_idx %arg5[%add3A_223] : memref<52000xf32, #tpu.memory_space<vmem>>[vector<16xi32>], vector<16xf32>,
          %mul3A_225 = arith.constant 8 : i32
          %mul3A_226 = arith.muli %scan3A_169, %mul3A_225 : i32
          %add3A_227 = arith.constant 4 : i32
          %add3A_228 = arith.addi %mul3A_226, %add3A_227 : i32
          %get3A_229 = arith.index_cast %add3A_228 : i32 to index
          %get3A_230 = arith.index_cast %mul3A_150 : i32 to index
          %get3A_231 = tpu.vector_load %arg7[%get3A_229, %get3A_230] {strides = array<i32>} : memref<48x256xi32, #tpu.memory_space<vmem>>, vector<16xi32>,
          %mul3A_232 = arith.constant 1000 : i32
          %mul3A_233 = arith.muli %add3A_228, %mul3A_232 : i32
          %add3A_234 = vector.broadcast %mul3A_233 : i32 to vector<16xi32>
          %add3A_235 = arith.addi %get3A_231, %add3A_234 : vector<16xi32>
          %gather3A_236 = tpu.vector_load_idx %arg5[%add3A_235] : memref<52000xf32, #tpu.memory_space<vmem>>[vector<16xi32>], vector<16xf32>,
          %mul3A_237 = arith.constant 8 : i32
          %mul3A_238 = arith.muli %scan3A_169, %mul3A_237 : i32
          %add3A_239 = arith.constant 5 : i32
          %add3A_240 = arith.addi %mul3A_238, %add3A_239 : i32
          %get3A_241 = arith.index_cast %add3A_240 : i32 to index
          %get3A_242 = arith.index_cast %mul3A_150 : i32 to index
          %get3A_243 = tpu.vector_load %arg7[%get3A_241, %get3A_242] {strides = array<i32>} : memref<48x256xi32, #tpu.memory_space<vmem>>, vector<16xi32>,
          %mul3A_244 = arith.constant 1000 : i32
          %mul3A_245 = arith.muli %add3A_240, %mul3A_244 : i32
          %add3A_246 = vector.broadcast %mul3A_245 : i32 to vector<16xi32>
          %add3A_247 = arith.addi %get3A_243, %add3A_246 : vector<16xi32>
          %gather3A_248 = tpu.vector_load_idx %arg5[%add3A_247] : memref<52000xf32, #tpu.memory_space<vmem>>[vector<16xi32>], vector<16xf32>,
          %mul3A_249 = arith.constant 8 : i32
          %mul3A_250 = arith.muli %scan3A_169, %mul3A_249 : i32
          %add3A_251 = arith.constant 6 : i32
          %add3A_252 = arith.addi %mul3A_250, %add3A_251 : i32
          %get3A_253 = arith.index_cast %add3A_252 : i32 to index
          %get3A_254 = arith.index_cast %mul3A_150 : i32 to index
          %get3A_255 = tpu.vector_load %arg7[%get3A_253, %get3A_254] {strides = array<i32>} : memref<48x256xi32, #tpu.memory_space<vmem>>, vector<16xi32>,
          %mul3A_256 = arith.constant 1000 : i32
          %mul3A_257 = arith.muli %add3A_252, %mul3A_256 : i32
          %add3A_258 = vector.broadcast %mul3A_257 : i32 to vector<16xi32>
          %add3A_259 = arith.addi %get3A_255, %add3A_258 : vector<16xi32>
          %gather3A_260 = tpu.vector_load_idx %arg5[%add3A_259] : memref<52000xf32, #tpu.memory_space<vmem>>[vector<16xi32>], vector<16xf32>,
          %mul3A_261 = arith.constant 8 : i32
          %mul3A_262 = arith.muli %scan3A_169, %mul3A_261 : i32
          %add3A_263 = arith.constant 7 : i32
          %add3A_264 = arith.addi %mul3A_262, %add3A_263 : i32
          %get3A_265 = arith.index_cast %add3A_264 : i32 to index
          %get3A_266 = arith.index_cast %mul3A_150 : i32 to index
          %get3A_267 = tpu.vector_load %arg7[%get3A_265, %get3A_266] {strides = array<i32>} : memref<48x256xi32, #tpu.memory_space<vmem>>, vector<16xi32>,
          %mul3A_268 = arith.constant 1000 : i32
          %mul3A_269 = arith.muli %add3A_264, %mul3A_268 : i32
          %add3A_270 = vector.broadcast %mul3A_269 : i32 to vector<16xi32>
          %add3A_271 = arith.addi %get3A_267, %add3A_270 : vector<16xi32>
          %gather3A_272 = tpu.vector_load_idx %arg5[%add3A_271] : memref<52000xf32, #tpu.memory_space<vmem>>[vector<16xi32>], vector<16xf32>,
          %add3A_273 = arith.addf %scan3A_170, %scan3A_171 : vector<16xf32>
          %add3A_274 = arith.addf %add3A_273, %scan3A_172 : vector<16xf32>
          %add3A_275 = arith.addf %add3A_274, %scan3A_173 : vector<16xf32>
          %add3A_276 = arith.addf %add3A_275, %scan3A_174 : vector<16xf32>
          %add3A_277 = arith.addf %add3A_276, %scan3A_175 : vector<16xf32>
          %add3A_278 = arith.addf %add3A_277, %scan3A_176 : vector<16xf32>
          %add3A_279 = arith.addf %add3A_278, %scan3A_177 : vector<16xf32>
          %add3A_280 = arith.addf %add3A_279, %scan3A_178 : vector<16xf32>
          scf.yield %add3A_280, %gather3A, %gather3A_200, %gather3A_212, %gather3A_224, %gather3A_236, %gather3A_248, %gather3A_260, %gather3A_272 : vector<16xf32>, vector<16xf32>, vector<16xf32>, vector<16xf32>, vector<16xf32>, vector<16xf32>, vector<16xf32>, vector<16xf32>, vector<16xf32>
        }
        %scan3A_156 = arith.constant 6 : i32
        %add3A_157 = arith.addf %scan3A_155#0, %scan3A_155#1 : vector<16xf32>
        %add3A_158 = arith.addf %add3A_157, %scan3A_155#2 : vector<16xf32>
        %add3A_159 = arith.addf %add3A_158, %scan3A_155#3 : vector<16xf32>
        %add3A_160 = arith.addf %add3A_159, %scan3A_155#4 : vector<16xf32>
        %add3A_161 = arith.addf %add3A_160, %scan3A_155#5 : vector<16xf32>
        %add3A_162 = arith.addf %add3A_161, %scan3A_155#6 : vector<16xf32>
        %add3A_163 = arith.addf %add3A_162, %scan3A_155#7 : vector<16xf32>
        %add3A_164 = arith.addf %add3A_163, %scan3A_155#8 : vector<16xf32>
        %add3A_165 = arith.constant 256 : i32
        %add3A_166 = arith.addi %add3A_165, %mul3A_150 : i32
        %swap3A = arith.index_cast %add3A_166 : i32 to index
        %swap3A_167 = tpu.vector_load %arg10[%swap3A] {strides = array<i32>} : memref<1024xf32, #tpu.memory_space<vmem>>, vector<16xf32>,
        tpu.vector_store %arg10[%swap3A], %add3A_164 {strides = array<i32>} : memref<1024xf32, #tpu.memory_space<vmem>>, vector<16xf32>,
        %scan3A_168 = arith.constant 0 : i32
        scf.yield %scan3A_168 : i32
      }
      %scan3A_116 = arith.constant 16 : i32
      %mul3A_117 = arith.constant 512 : i32
      %mul3A_118 = arith.muli %xor3A_1, %mul3A_117 : i32
      "tpu.region"() ({
        %run_scoped3A = tpu.sem_alloc : memref<!tpu.dma_semaphore, #tpu.memory_space<semaphore_mem>>
        %dma_start3A_147 = arith.constant 0 : i32
        %dma_start3A_148 = tpu.memref_slice %arg10[%dma_start3A_147] : memref<1024xf32, #tpu.memory_space<vmem>> -> memref<512xf32, #tpu.memory_space<vmem>>
        %dma_start3A_149 = tpu.memref_slice %arg11[%mul3A_118] : memref<8192xf32, #tpu.memory_space<vmem_shared>> -> memref<512xf32, #tpu.memory_space<vmem_shared>>
        %dma_start3A_150 = tpu.memref_slice %arg11[%mul3A_118] : memref<8192xf32, #tpu.memory_space<vmem_shared>> -> memref<512xf32, #tpu.memory_space<vmem_shared>>
        %dma_start3A_151 = arith.constant 0 : i32
        %dma_start3A_152 = tpu.memref_slice %arg10[%dma_start3A_151] : memref<1024xf32, #tpu.memory_space<vmem>> -> memref<512xf32, #tpu.memory_space<vmem>>
        tpu.enqueue_dma source(%dma_start3A_152 : memref<512xf32, #tpu.memory_space<vmem>>) target(%dma_start3A_150 : memref<512xf32, #tpu.memory_space<vmem_shared>>) target_semaphore(%run_scoped3A : memref<!tpu.dma_semaphore, #tpu.memory_space<semaphore_mem>>)
        %dma_wait3A_153 = arith.constant 0 : i32
        %dma_wait3A_154 = tpu.memref_slice %arg10[%dma_wait3A_153] : memref<1024xf32, #tpu.memory_space<vmem>> -> memref<512xf32, #tpu.memory_space<vmem>>
        %dma_wait3A_155 = tpu.memref_slice %arg11[%mul3A_118] : memref<8192xf32, #tpu.memory_space<vmem_shared>> -> memref<512xf32, #tpu.memory_space<vmem_shared>>
        %dma_wait3A_156 = tpu.memref_slice %arg11[%mul3A_118] : memref<8192xf32, #tpu.memory_space<vmem_shared>> -> memref<512xf32, #tpu.memory_space<vmem_shared>>
        %dma_wait3A_157 = arith.constant 0 : i32
        %dma_wait3A_158 = tpu.memref_slice %arg10[%dma_wait3A_157] : memref<1024xf32, #tpu.memory_space<vmem>> -> memref<512xf32, #tpu.memory_space<vmem>>
        tpu.wait_dma2 semaphore(%run_scoped3A : memref<!tpu.dma_semaphore, #tpu.memory_space<semaphore_mem>>) src(%dma_wait3A_158 : memref<512xf32, #tpu.memory_space<vmem>>) dst(%dma_wait3A_156 : memref<512xf32, #tpu.memory_space<vmem_shared>>)
        tpu.yield
      }) : () -> ()
      %dma_wait3A_119 = arith.constant 0 : i32
      %dma_wait3A_120 = tpu.memref_slice %arg2[%dma_wait3A_119, %add3A_105] : memref<100x16384xi32, #tpu.memory_space<hbm>> -> memref<48x256xi32, #tpu.memory_space<hbm>>
      %dma_wait3A_121 = arith.constant 0 : i32
      %dma_wait3A_122 = tpu.memref_slice %arg2[%dma_wait3A_121, %add3A_105] : memref<100x16384xi32, #tpu.memory_space<hbm>> -> memref<48x256xi32, #tpu.memory_space<hbm>>
      tpu.wait_dma2 semaphore(%arg13 : memref<!tpu.dma_semaphore, #tpu.memory_space<semaphore_mem>>) src(%dma_wait3A_122 : memref<48x256xi32, #tpu.memory_space<hbm>>) dst(%arg6 : memref<48x256xi32, #tpu.memory_space<vmem>>)
      %add3A_123 = arith.constant 256 : i32
      %add3A_124 = arith.addi %mul3A_6, %add3A_123 : i32
      %dma_start3A_125 = arith.constant 0 : i32
      %dma_start3A_126 = tpu.memref_slice %arg2[%dma_start3A_125, %add3A_124] : memref<100x16384xi32, #tpu.memory_space<hbm>> -> memref<48x256xi32, #tpu.memory_space<hbm>>
      %dma_start3A_127 = arith.constant 0 : i32
      %dma_start3A_128 = tpu.memref_slice %arg2[%dma_start3A_127, %add3A_124] : memref<100x16384xi32, #tpu.memory_space<hbm>> -> memref<48x256xi32, #tpu.memory_space<hbm>>
      tpu.enqueue_dma source(%dma_start3A_128 : memref<48x256xi32, #tpu.memory_space<hbm>>) target(%arg7 : memref<48x256xi32, #tpu.memory_space<vmem>>) target_semaphore(%arg14 : memref<!tpu.dma_semaphore, #tpu.memory_space<semaphore_mem>>)
      %scan3A_129 = arith.constant 0 : i32
      %scan3A_130 = arith.constant 0 : i32
      %scan3A_131 = arith.constant 16 : i32
      %scan3A_132 = arith.addi %scan3A_130, %scan3A_131 : i32
      %scan3A_133 = arith.constant 1 : i32
      %scan3A_134 = scf.for %scan3A_147 = %scan3A_130 to %scan3A_132 step %scan3A_133 iter_args(%scan3A_148 = %scan3A_129) -> (i32)  : i32 {
        %mul3A_149 = arith.constant 16 : i32
        %mul3A_150 = arith.muli %scan3A_147, %mul3A_149 : i32
        %scan3A_151 = arith.constant 0 : i32
        %scan3A_152 = arith.constant 6 : i32
        %scan3A_153 = arith.addi %scan3A_151, %scan3A_152 : i32
        %scan3A_154 = arith.constant 1 : i32
        %scan3A_155:9 = scf.for %scan3A_169 = %scan3A_151 to %scan3A_153 step %scan3A_154 iter_args(%scan3A_170 = %broadcast_in_dim3A_9, %scan3A_171 = %broadcast_in_dim3A_9, %scan3A_172 = %broadcast_in_dim3A_9, %scan3A_173 = %broadcast_in_dim3A_9, %scan3A_174 = %broadcast_in_dim3A_9, %scan3A_175 = %broadcast_in_dim3A_9, %scan3A_176 = %broadcast_in_dim3A_9, %scan3A_177 = %broadcast_in_dim3A_9, %scan3A_178 = %broadcast_in_dim3A_9) -> (vector<16xf32>, vector<16xf32>, vector<16xf32>, vector<16xf32>, vector<16xf32>, vector<16xf32>, vector<16xf32>, vector<16xf32>, vector<16xf32>)  : i32 {
          %mul3A_179 = arith.constant 8 : i32
          %mul3A_180 = arith.muli %scan3A_169, %mul3A_179 : i32
          %add3A_181 = arith.constant 0 : i32
          %add3A_182 = arith.addi %mul3A_180, %add3A_181 : i32
          %get3A = arith.index_cast %add3A_182 : i32 to index
          %get3A_183 = arith.index_cast %mul3A_150 : i32 to index
          %get3A_184 = tpu.vector_load %arg6[%get3A, %get3A_183] {strides = array<i32>} : memref<48x256xi32, #tpu.memory_space<vmem>>, vector<16xi32>,
          %mul3A_185 = arith.constant 1000 : i32
          %mul3A_186 = arith.muli %add3A_182, %mul3A_185 : i32
          %add3A_187 = vector.broadcast %mul3A_186 : i32 to vector<16xi32>
          %add3A_188 = arith.addi %get3A_184, %add3A_187 : vector<16xi32>
          %gather3A = tpu.vector_load_idx %arg5[%add3A_188] : memref<52000xf32, #tpu.memory_space<vmem>>[vector<16xi32>], vector<16xf32>,
          %mul3A_189 = arith.constant 8 : i32
          %mul3A_190 = arith.muli %scan3A_169, %mul3A_189 : i32
          %add3A_191 = arith.constant 1 : i32
          %add3A_192 = arith.addi %mul3A_190, %add3A_191 : i32
          %get3A_193 = arith.index_cast %add3A_192 : i32 to index
          %get3A_194 = arith.index_cast %mul3A_150 : i32 to index
          %get3A_195 = tpu.vector_load %arg6[%get3A_193, %get3A_194] {strides = array<i32>} : memref<48x256xi32, #tpu.memory_space<vmem>>, vector<16xi32>,
          %mul3A_196 = arith.constant 1000 : i32
          %mul3A_197 = arith.muli %add3A_192, %mul3A_196 : i32
          %add3A_198 = vector.broadcast %mul3A_197 : i32 to vector<16xi32>
          %add3A_199 = arith.addi %get3A_195, %add3A_198 : vector<16xi32>
          %gather3A_200 = tpu.vector_load_idx %arg5[%add3A_199] : memref<52000xf32, #tpu.memory_space<vmem>>[vector<16xi32>], vector<16xf32>,
          %mul3A_201 = arith.constant 8 : i32
          %mul3A_202 = arith.muli %scan3A_169, %mul3A_201 : i32
          %add3A_203 = arith.constant 2 : i32
          %add3A_204 = arith.addi %mul3A_202, %add3A_203 : i32
          %get3A_205 = arith.index_cast %add3A_204 : i32 to index
          %get3A_206 = arith.index_cast %mul3A_150 : i32 to index
          %get3A_207 = tpu.vector_load %arg6[%get3A_205, %get3A_206] {strides = array<i32>} : memref<48x256xi32, #tpu.memory_space<vmem>>, vector<16xi32>,
          %mul3A_208 = arith.constant 1000 : i32
          %mul3A_209 = arith.muli %add3A_204, %mul3A_208 : i32
          %add3A_210 = vector.broadcast %mul3A_209 : i32 to vector<16xi32>
          %add3A_211 = arith.addi %get3A_207, %add3A_210 : vector<16xi32>
          %gather3A_212 = tpu.vector_load_idx %arg5[%add3A_211] : memref<52000xf32, #tpu.memory_space<vmem>>[vector<16xi32>], vector<16xf32>,
          %mul3A_213 = arith.constant 8 : i32
          %mul3A_214 = arith.muli %scan3A_169, %mul3A_213 : i32
          %add3A_215 = arith.constant 3 : i32
          %add3A_216 = arith.addi %mul3A_214, %add3A_215 : i32
          %get3A_217 = arith.index_cast %add3A_216 : i32 to index
          %get3A_218 = arith.index_cast %mul3A_150 : i32 to index
          %get3A_219 = tpu.vector_load %arg6[%get3A_217, %get3A_218] {strides = array<i32>} : memref<48x256xi32, #tpu.memory_space<vmem>>, vector<16xi32>,
          %mul3A_220 = arith.constant 1000 : i32
          %mul3A_221 = arith.muli %add3A_216, %mul3A_220 : i32
          %add3A_222 = vector.broadcast %mul3A_221 : i32 to vector<16xi32>
          %add3A_223 = arith.addi %get3A_219, %add3A_222 : vector<16xi32>
          %gather3A_224 = tpu.vector_load_idx %arg5[%add3A_223] : memref<52000xf32, #tpu.memory_space<vmem>>[vector<16xi32>], vector<16xf32>,
          %mul3A_225 = arith.constant 8 : i32
          %mul3A_226 = arith.muli %scan3A_169, %mul3A_225 : i32
          %add3A_227 = arith.constant 4 : i32
          %add3A_228 = arith.addi %mul3A_226, %add3A_227 : i32
          %get3A_229 = arith.index_cast %add3A_228 : i32 to index
          %get3A_230 = arith.index_cast %mul3A_150 : i32 to index
          %get3A_231 = tpu.vector_load %arg6[%get3A_229, %get3A_230] {strides = array<i32>} : memref<48x256xi32, #tpu.memory_space<vmem>>, vector<16xi32>,
          %mul3A_232 = arith.constant 1000 : i32
          %mul3A_233 = arith.muli %add3A_228, %mul3A_232 : i32
          %add3A_234 = vector.broadcast %mul3A_233 : i32 to vector<16xi32>
          %add3A_235 = arith.addi %get3A_231, %add3A_234 : vector<16xi32>
          %gather3A_236 = tpu.vector_load_idx %arg5[%add3A_235] : memref<52000xf32, #tpu.memory_space<vmem>>[vector<16xi32>], vector<16xf32>,
          %mul3A_237 = arith.constant 8 : i32
          %mul3A_238 = arith.muli %scan3A_169, %mul3A_237 : i32
          %add3A_239 = arith.constant 5 : i32
          %add3A_240 = arith.addi %mul3A_238, %add3A_239 : i32
          %get3A_241 = arith.index_cast %add3A_240 : i32 to index
          %get3A_242 = arith.index_cast %mul3A_150 : i32 to index
          %get3A_243 = tpu.vector_load %arg6[%get3A_241, %get3A_242] {strides = array<i32>} : memref<48x256xi32, #tpu.memory_space<vmem>>, vector<16xi32>,
          %mul3A_244 = arith.constant 1000 : i32
          %mul3A_245 = arith.muli %add3A_240, %mul3A_244 : i32
          %add3A_246 = vector.broadcast %mul3A_245 : i32 to vector<16xi32>
          %add3A_247 = arith.addi %get3A_243, %add3A_246 : vector<16xi32>
          %gather3A_248 = tpu.vector_load_idx %arg5[%add3A_247] : memref<52000xf32, #tpu.memory_space<vmem>>[vector<16xi32>], vector<16xf32>,
          %mul3A_249 = arith.constant 8 : i32
          %mul3A_250 = arith.muli %scan3A_169, %mul3A_249 : i32
          %add3A_251 = arith.constant 6 : i32
          %add3A_252 = arith.addi %mul3A_250, %add3A_251 : i32
          %get3A_253 = arith.index_cast %add3A_252 : i32 to index
          %get3A_254 = arith.index_cast %mul3A_150 : i32 to index
          %get3A_255 = tpu.vector_load %arg6[%get3A_253, %get3A_254] {strides = array<i32>} : memref<48x256xi32, #tpu.memory_space<vmem>>, vector<16xi32>,
          %mul3A_256 = arith.constant 1000 : i32
          %mul3A_257 = arith.muli %add3A_252, %mul3A_256 : i32
          %add3A_258 = vector.broadcast %mul3A_257 : i32 to vector<16xi32>
          %add3A_259 = arith.addi %get3A_255, %add3A_258 : vector<16xi32>
          %gather3A_260 = tpu.vector_load_idx %arg5[%add3A_259] : memref<52000xf32, #tpu.memory_space<vmem>>[vector<16xi32>], vector<16xf32>,
          %mul3A_261 = arith.constant 8 : i32
          %mul3A_262 = arith.muli %scan3A_169, %mul3A_261 : i32
          %add3A_263 = arith.constant 7 : i32
          %add3A_264 = arith.addi %mul3A_262, %add3A_263 : i32
          %get3A_265 = arith.index_cast %add3A_264 : i32 to index
          %get3A_266 = arith.index_cast %mul3A_150 : i32 to index
          %get3A_267 = tpu.vector_load %arg6[%get3A_265, %get3A_266] {strides = array<i32>} : memref<48x256xi32, #tpu.memory_space<vmem>>, vector<16xi32>,
          %mul3A_268 = arith.constant 1000 : i32
          %mul3A_269 = arith.muli %add3A_264, %mul3A_268 : i32
          %add3A_270 = vector.broadcast %mul3A_269 : i32 to vector<16xi32>
          %add3A_271 = arith.addi %get3A_267, %add3A_270 : vector<16xi32>
          %gather3A_272 = tpu.vector_load_idx %arg5[%add3A_271] : memref<52000xf32, #tpu.memory_space<vmem>>[vector<16xi32>], vector<16xf32>,
          %add3A_273 = arith.addf %scan3A_170, %scan3A_171 : vector<16xf32>
          %add3A_274 = arith.addf %add3A_273, %scan3A_172 : vector<16xf32>
          %add3A_275 = arith.addf %add3A_274, %scan3A_173 : vector<16xf32>
          %add3A_276 = arith.addf %add3A_275, %scan3A_174 : vector<16xf32>
          %add3A_277 = arith.addf %add3A_276, %scan3A_175 : vector<16xf32>
          %add3A_278 = arith.addf %add3A_277, %scan3A_176 : vector<16xf32>
          %add3A_279 = arith.addf %add3A_278, %scan3A_177 : vector<16xf32>
          %add3A_280 = arith.addf %add3A_279, %scan3A_178 : vector<16xf32>
          scf.yield %add3A_280, %gather3A, %gather3A_200, %gather3A_212, %gather3A_224, %gather3A_236, %gather3A_248, %gather3A_260, %gather3A_272 : vector<16xf32>, vector<16xf32>, vector<16xf32>, vector<16xf32>, vector<16xf32>, vector<16xf32>, vector<16xf32>, vector<16xf32>, vector<16xf32>
        }
        %scan3A_156 = arith.constant 6 : i32
        %add3A_157 = arith.addf %scan3A_155#0, %scan3A_155#1 : vector<16xf32>
        %add3A_158 = arith.addf %add3A_157, %scan3A_155#2 : vector<16xf32>
        %add3A_159 = arith.addf %add3A_158, %scan3A_155#3 : vector<16xf32>
        %add3A_160 = arith.addf %add3A_159, %scan3A_155#4 : vector<16xf32>
        %add3A_161 = arith.addf %add3A_160, %scan3A_155#5 : vector<16xf32>
        %add3A_162 = arith.addf %add3A_161, %scan3A_155#6 : vector<16xf32>
        %add3A_163 = arith.addf %add3A_162, %scan3A_155#7 : vector<16xf32>
        %add3A_164 = arith.addf %add3A_163, %scan3A_155#8 : vector<16xf32>
        %add3A_165 = arith.constant 512 : i32
        %add3A_166 = arith.addi %add3A_165, %mul3A_150 : i32
        %swap3A = arith.index_cast %add3A_166 : i32 to index
        %swap3A_167 = tpu.vector_load %arg10[%swap3A] {strides = array<i32>} : memref<1024xf32, #tpu.memory_space<vmem>>, vector<16xf32>,
        tpu.vector_store %arg10[%swap3A], %add3A_164 {strides = array<i32>} : memref<1024xf32, #tpu.memory_space<vmem>>, vector<16xf32>,
        %scan3A_168 = arith.constant 0 : i32
        scf.yield %scan3A_168 : i32
      }
      %scan3A_135 = arith.constant 16 : i32
      %dma_wait3A_136 = arith.constant 0 : i32
      %dma_wait3A_137 = tpu.memref_slice %arg2[%dma_wait3A_136, %add3A_124] : memref<100x16384xi32, #tpu.memory_space<hbm>> -> memref<48x256xi32, #tpu.memory_space<hbm>>
      %dma_wait3A_138 = arith.constant 0 : i32
      %dma_wait3A_139 = tpu.memref_slice %arg2[%dma_wait3A_138, %add3A_124] : memref<100x16384xi32, #tpu.memory_space<hbm>> -> memref<48x256xi32, #tpu.memory_space<hbm>>
      tpu.wait_dma2 semaphore(%arg14 : memref<!tpu.dma_semaphore, #tpu.memory_space<semaphore_mem>>) src(%dma_wait3A_139 : memref<48x256xi32, #tpu.memory_space<hbm>>) dst(%arg7 : memref<48x256xi32, #tpu.memory_space<vmem>>)
      %scan3A_140 = arith.constant 0 : i32
      %scan3A_141 = arith.constant 0 : i32
      %scan3A_142 = arith.constant 16 : i32
      %scan3A_143 = arith.addi %scan3A_141, %scan3A_142 : i32
      %scan3A_144 = arith.constant 1 : i32
      %scan3A_145 = scf.for %scan3A_147 = %scan3A_141 to %scan3A_143 step %scan3A_144 iter_args(%scan3A_148 = %scan3A_140) -> (i32)  : i32 {
        %mul3A_149 = arith.constant 16 : i32
        %mul3A_150 = arith.muli %scan3A_147, %mul3A_149 : i32
        %scan3A_151 = arith.constant 0 : i32
        %scan3A_152 = arith.constant 6 : i32
        %scan3A_153 = arith.addi %scan3A_151, %scan3A_152 : i32
        %scan3A_154 = arith.constant 1 : i32
        %scan3A_155:9 = scf.for %scan3A_169 = %scan3A_151 to %scan3A_153 step %scan3A_154 iter_args(%scan3A_170 = %broadcast_in_dim3A_9, %scan3A_171 = %broadcast_in_dim3A_9, %scan3A_172 = %broadcast_in_dim3A_9, %scan3A_173 = %broadcast_in_dim3A_9, %scan3A_174 = %broadcast_in_dim3A_9, %scan3A_175 = %broadcast_in_dim3A_9, %scan3A_176 = %broadcast_in_dim3A_9, %scan3A_177 = %broadcast_in_dim3A_9, %scan3A_178 = %broadcast_in_dim3A_9) -> (vector<16xf32>, vector<16xf32>, vector<16xf32>, vector<16xf32>, vector<16xf32>, vector<16xf32>, vector<16xf32>, vector<16xf32>, vector<16xf32>)  : i32 {
          %mul3A_179 = arith.constant 8 : i32
          %mul3A_180 = arith.muli %scan3A_169, %mul3A_179 : i32
          %add3A_181 = arith.constant 0 : i32
          %add3A_182 = arith.addi %mul3A_180, %add3A_181 : i32
          %get3A = arith.index_cast %add3A_182 : i32 to index
          %get3A_183 = arith.index_cast %mul3A_150 : i32 to index
          %get3A_184 = tpu.vector_load %arg7[%get3A, %get3A_183] {strides = array<i32>} : memref<48x256xi32, #tpu.memory_space<vmem>>, vector<16xi32>,
          %mul3A_185 = arith.constant 1000 : i32
          %mul3A_186 = arith.muli %add3A_182, %mul3A_185 : i32
          %add3A_187 = vector.broadcast %mul3A_186 : i32 to vector<16xi32>
          %add3A_188 = arith.addi %get3A_184, %add3A_187 : vector<16xi32>
          %gather3A = tpu.vector_load_idx %arg5[%add3A_188] : memref<52000xf32, #tpu.memory_space<vmem>>[vector<16xi32>], vector<16xf32>,
          %mul3A_189 = arith.constant 8 : i32
          %mul3A_190 = arith.muli %scan3A_169, %mul3A_189 : i32
          %add3A_191 = arith.constant 1 : i32
          %add3A_192 = arith.addi %mul3A_190, %add3A_191 : i32
          %get3A_193 = arith.index_cast %add3A_192 : i32 to index
          %get3A_194 = arith.index_cast %mul3A_150 : i32 to index
          %get3A_195 = tpu.vector_load %arg7[%get3A_193, %get3A_194] {strides = array<i32>} : memref<48x256xi32, #tpu.memory_space<vmem>>, vector<16xi32>,
          %mul3A_196 = arith.constant 1000 : i32
          %mul3A_197 = arith.muli %add3A_192, %mul3A_196 : i32
          %add3A_198 = vector.broadcast %mul3A_197 : i32 to vector<16xi32>
          %add3A_199 = arith.addi %get3A_195, %add3A_198 : vector<16xi32>
          %gather3A_200 = tpu.vector_load_idx %arg5[%add3A_199] : memref<52000xf32, #tpu.memory_space<vmem>>[vector<16xi32>], vector<16xf32>,
          %mul3A_201 = arith.constant 8 : i32
          %mul3A_202 = arith.muli %scan3A_169, %mul3A_201 : i32
          %add3A_203 = arith.constant 2 : i32
          %add3A_204 = arith.addi %mul3A_202, %add3A_203 : i32
          %get3A_205 = arith.index_cast %add3A_204 : i32 to index
          %get3A_206 = arith.index_cast %mul3A_150 : i32 to index
          %get3A_207 = tpu.vector_load %arg7[%get3A_205, %get3A_206] {strides = array<i32>} : memref<48x256xi32, #tpu.memory_space<vmem>>, vector<16xi32>,
          %mul3A_208 = arith.constant 1000 : i32
          %mul3A_209 = arith.muli %add3A_204, %mul3A_208 : i32
          %add3A_210 = vector.broadcast %mul3A_209 : i32 to vector<16xi32>
          %add3A_211 = arith.addi %get3A_207, %add3A_210 : vector<16xi32>
          %gather3A_212 = tpu.vector_load_idx %arg5[%add3A_211] : memref<52000xf32, #tpu.memory_space<vmem>>[vector<16xi32>], vector<16xf32>,
          %mul3A_213 = arith.constant 8 : i32
          %mul3A_214 = arith.muli %scan3A_169, %mul3A_213 : i32
          %add3A_215 = arith.constant 3 : i32
          %add3A_216 = arith.addi %mul3A_214, %add3A_215 : i32
          %get3A_217 = arith.index_cast %add3A_216 : i32 to index
          %get3A_218 = arith.index_cast %mul3A_150 : i32 to index
          %get3A_219 = tpu.vector_load %arg7[%get3A_217, %get3A_218] {strides = array<i32>} : memref<48x256xi32, #tpu.memory_space<vmem>>, vector<16xi32>,
          %mul3A_220 = arith.constant 1000 : i32
          %mul3A_221 = arith.muli %add3A_216, %mul3A_220 : i32
          %add3A_222 = vector.broadcast %mul3A_221 : i32 to vector<16xi32>
          %add3A_223 = arith.addi %get3A_219, %add3A_222 : vector<16xi32>
          %gather3A_224 = tpu.vector_load_idx %arg5[%add3A_223] : memref<52000xf32, #tpu.memory_space<vmem>>[vector<16xi32>], vector<16xf32>,
          %mul3A_225 = arith.constant 8 : i32
          %mul3A_226 = arith.muli %scan3A_169, %mul3A_225 : i32
          %add3A_227 = arith.constant 4 : i32
          %add3A_228 = arith.addi %mul3A_226, %add3A_227 : i32
          %get3A_229 = arith.index_cast %add3A_228 : i32 to index
          %get3A_230 = arith.index_cast %mul3A_150 : i32 to index
          %get3A_231 = tpu.vector_load %arg7[%get3A_229, %get3A_230] {strides = array<i32>} : memref<48x256xi32, #tpu.memory_space<vmem>>, vector<16xi32>,
          %mul3A_232 = arith.constant 1000 : i32
          %mul3A_233 = arith.muli %add3A_228, %mul3A_232 : i32
          %add3A_234 = vector.broadcast %mul3A_233 : i32 to vector<16xi32>
          %add3A_235 = arith.addi %get3A_231, %add3A_234 : vector<16xi32>
          %gather3A_236 = tpu.vector_load_idx %arg5[%add3A_235] : memref<52000xf32, #tpu.memory_space<vmem>>[vector<16xi32>], vector<16xf32>,
          %mul3A_237 = arith.constant 8 : i32
          %mul3A_238 = arith.muli %scan3A_169, %mul3A_237 : i32
          %add3A_239 = arith.constant 5 : i32
          %add3A_240 = arith.addi %mul3A_238, %add3A_239 : i32
          %get3A_241 = arith.index_cast %add3A_240 : i32 to index
          %get3A_242 = arith.index_cast %mul3A_150 : i32 to index
          %get3A_243 = tpu.vector_load %arg7[%get3A_241, %get3A_242] {strides = array<i32>} : memref<48x256xi32, #tpu.memory_space<vmem>>, vector<16xi32>,
          %mul3A_244 = arith.constant 1000 : i32
          %mul3A_245 = arith.muli %add3A_240, %mul3A_244 : i32
          %add3A_246 = vector.broadcast %mul3A_245 : i32 to vector<16xi32>
          %add3A_247 = arith.addi %get3A_243, %add3A_246 : vector<16xi32>
          %gather3A_248 = tpu.vector_load_idx %arg5[%add3A_247] : memref<52000xf32, #tpu.memory_space<vmem>>[vector<16xi32>], vector<16xf32>,
          %mul3A_249 = arith.constant 8 : i32
          %mul3A_250 = arith.muli %scan3A_169, %mul3A_249 : i32
          %add3A_251 = arith.constant 6 : i32
          %add3A_252 = arith.addi %mul3A_250, %add3A_251 : i32
          %get3A_253 = arith.index_cast %add3A_252 : i32 to index
          %get3A_254 = arith.index_cast %mul3A_150 : i32 to index
          %get3A_255 = tpu.vector_load %arg7[%get3A_253, %get3A_254] {strides = array<i32>} : memref<48x256xi32, #tpu.memory_space<vmem>>, vector<16xi32>,
          %mul3A_256 = arith.constant 1000 : i32
          %mul3A_257 = arith.muli %add3A_252, %mul3A_256 : i32
          %add3A_258 = vector.broadcast %mul3A_257 : i32 to vector<16xi32>
          %add3A_259 = arith.addi %get3A_255, %add3A_258 : vector<16xi32>
          %gather3A_260 = tpu.vector_load_idx %arg5[%add3A_259] : memref<52000xf32, #tpu.memory_space<vmem>>[vector<16xi32>], vector<16xf32>,
          %mul3A_261 = arith.constant 8 : i32
          %mul3A_262 = arith.muli %scan3A_169, %mul3A_261 : i32
          %add3A_263 = arith.constant 7 : i32
          %add3A_264 = arith.addi %mul3A_262, %add3A_263 : i32
          %get3A_265 = arith.index_cast %add3A_264 : i32 to index
          %get3A_266 = arith.index_cast %mul3A_150 : i32 to index
          %get3A_267 = tpu.vector_load %arg7[%get3A_265, %get3A_266] {strides = array<i32>} : memref<48x256xi32, #tpu.memory_space<vmem>>, vector<16xi32>,
          %mul3A_268 = arith.constant 1000 : i32
          %mul3A_269 = arith.muli %add3A_264, %mul3A_268 : i32
          %add3A_270 = vector.broadcast %mul3A_269 : i32 to vector<16xi32>
          %add3A_271 = arith.addi %get3A_267, %add3A_270 : vector<16xi32>
          %gather3A_272 = tpu.vector_load_idx %arg5[%add3A_271] : memref<52000xf32, #tpu.memory_space<vmem>>[vector<16xi32>], vector<16xf32>,
          %add3A_273 = arith.addf %scan3A_170, %scan3A_171 : vector<16xf32>
          %add3A_274 = arith.addf %add3A_273, %scan3A_172 : vector<16xf32>
          %add3A_275 = arith.addf %add3A_274, %scan3A_173 : vector<16xf32>
          %add3A_276 = arith.addf %add3A_275, %scan3A_174 : vector<16xf32>
          %add3A_277 = arith.addf %add3A_276, %scan3A_175 : vector<16xf32>
          %add3A_278 = arith.addf %add3A_277, %scan3A_176 : vector<16xf32>
          %add3A_279 = arith.addf %add3A_278, %scan3A_177 : vector<16xf32>
          %add3A_280 = arith.addf %add3A_279, %scan3A_178 : vector<16xf32>
          scf.yield %add3A_280, %gather3A, %gather3A_200, %gather3A_212, %gather3A_224, %gather3A_236, %gather3A_248, %gather3A_260, %gather3A_272 : vector<16xf32>, vector<16xf32>, vector<16xf32>, vector<16xf32>, vector<16xf32>, vector<16xf32>, vector<16xf32>, vector<16xf32>, vector<16xf32>
        }
        %scan3A_156 = arith.constant 6 : i32
        %add3A_157 = arith.addf %scan3A_155#0, %scan3A_155#1 : vector<16xf32>
        %add3A_158 = arith.addf %add3A_157, %scan3A_155#2 : vector<16xf32>
        %add3A_159 = arith.addf %add3A_158, %scan3A_155#3 : vector<16xf32>
        %add3A_160 = arith.addf %add3A_159, %scan3A_155#4 : vector<16xf32>
        %add3A_161 = arith.addf %add3A_160, %scan3A_155#5 : vector<16xf32>
        %add3A_162 = arith.addf %add3A_161, %scan3A_155#6 : vector<16xf32>
        %add3A_163 = arith.addf %add3A_162, %scan3A_155#7 : vector<16xf32>
        %add3A_164 = arith.addf %add3A_163, %scan3A_155#8 : vector<16xf32>
        %add3A_165 = arith.constant 768 : i32
        %add3A_166 = arith.addi %add3A_165, %mul3A_150 : i32
        %swap3A = arith.index_cast %add3A_166 : i32 to index
        %swap3A_167 = tpu.vector_load %arg10[%swap3A] {strides = array<i32>} : memref<1024xf32, #tpu.memory_space<vmem>>, vector<16xf32>,
        tpu.vector_store %arg10[%swap3A], %add3A_164 {strides = array<i32>} : memref<1024xf32, #tpu.memory_space<vmem>>, vector<16xf32>,
        %scan3A_168 = arith.constant 0 : i32
        scf.yield %scan3A_168 : i32
      }
      %scan3A_146 = arith.constant 16 : i32
    } else {
    }
    %jit3A_22 = arith.constant 2 : i32
    %eq3A_23 = arith.constant 0 : i32
    %eq3A_24 = arith.cmpi eq, %jit3A_22, %eq3A_23 : i32
    %jit3A_25 = arith.constant 1 : i32
    %select_n3A_26 = arith.select %eq3A_24, %jit3A_25, %jit3A_22 : i32
    %rem3A_27 = arith.remsi %arg1, %select_n3A_26 : i32
    %ne3A_28 = arith.constant 0 : i32
    %ne3A_29 = arith.cmpi ne, %rem3A_27, %ne3A_28 : i32
    %lt3A_30 = arith.constant 0 : i32
    %lt3A_31 = arith.cmpi slt, %rem3A_27, %lt3A_30 : i32
    %lt3A_32 = arith.constant 0 : i32
    %lt3A_33 = arith.cmpi slt, %select_n3A_26, %lt3A_32 : i32
    %ne3A_34 = arith.xori %lt3A_31, %lt3A_33 : i1
    %and3A_35 = arith.andi %ne3A_34, %ne3A_29 : i1
    %add3A_36 = arith.addi %rem3A_27, %select_n3A_26 : i32
    %select_n3A_37 = arith.select %and3A_35, %add3A_36, %rem3A_27 : i32
    %eq3A_38 = arith.constant 1 : i32
    %eq3A_39 = arith.cmpi eq, %select_n3A_37, %eq3A_38 : i32
    %convert_element_type3A_40 = arith.extui %eq3A_39 : i1 to i32
    %cond3A_41 = arith.constant 0 : i32
    %cond3A_42 = arith.cmpi ne, %convert_element_type3A_40, %cond3A_41 : i32
    scf.if %cond3A_42 {
      %dma_start3A_61 = arith.constant 0 : i32
      %dma_start3A_62 = tpu.memref_slice %arg5[%dma_start3A_61] : memref<52000xf32, #tpu.memory_space<vmem>> -> memref<52000xf32, #tpu.memory_space<vmem>>
      %dma_start3A_63 = arith.constant 48000 : i32
      %dma_start3A_64 = tpu.memref_slice %arg3[%dma_start3A_63] : memref<100000xf32, #tpu.memory_space<hbm>> -> memref<52000xf32, #tpu.memory_space<hbm>>
      %dma_start3A_65 = arith.constant 0 : i32
      %dma_start3A_66 = tpu.memref_slice %arg5[%dma_start3A_65] : memref<52000xf32, #tpu.memory_space<vmem>> -> memref<52000xf32, #tpu.memory_space<vmem>>
      %dma_start3A_67 = arith.constant 48000 : i32
      %dma_start3A_68 = tpu.memref_slice %arg3[%dma_start3A_67] : memref<100000xf32, #tpu.memory_space<hbm>> -> memref<52000xf32, #tpu.memory_space<hbm>>
      tpu.enqueue_dma source(%dma_start3A_68 : memref<52000xf32, #tpu.memory_space<hbm>>) target(%dma_start3A_66 : memref<52000xf32, #tpu.memory_space<vmem>>) target_semaphore(%arg12 : memref<!tpu.dma_semaphore, #tpu.memory_space<semaphore_mem>>)
      %add3A_69 = arith.constant 0 : i32
      %add3A_70 = arith.addi %mul3A_8, %add3A_69 : i32
      %dma_start3A_71 = arith.constant 48 : i32
      %dma_start3A_72 = tpu.memref_slice %arg2[%dma_start3A_71, %add3A_70] : memref<100x16384xi32, #tpu.memory_space<hbm>> -> memref<52x256xi32, #tpu.memory_space<hbm>>
      %dma_start3A_73 = arith.constant 48 : i32
      %dma_start3A_74 = tpu.memref_slice %arg2[%dma_start3A_73, %add3A_70] : memref<100x16384xi32, #tpu.memory_space<hbm>> -> memref<52x256xi32, #tpu.memory_space<hbm>>
      tpu.enqueue_dma source(%dma_start3A_74 : memref<52x256xi32, #tpu.memory_space<hbm>>) target(%arg8 : memref<52x256xi32, #tpu.memory_space<vmem>>) target_semaphore(%arg13 : memref<!tpu.dma_semaphore, #tpu.memory_space<semaphore_mem>>)
      %dma_wait3A_75 = arith.constant 0 : i32
      %dma_wait3A_76 = tpu.memref_slice %arg5[%dma_wait3A_75] : memref<52000xf32, #tpu.memory_space<vmem>> -> memref<52000xf32, #tpu.memory_space<vmem>>
      %dma_wait3A_77 = arith.constant 48000 : i32
      %dma_wait3A_78 = tpu.memref_slice %arg3[%dma_wait3A_77] : memref<100000xf32, #tpu.memory_space<hbm>> -> memref<52000xf32, #tpu.memory_space<hbm>>
      %dma_wait3A_79 = arith.constant 0 : i32
      %dma_wait3A_80 = tpu.memref_slice %arg5[%dma_wait3A_79] : memref<52000xf32, #tpu.memory_space<vmem>> -> memref<52000xf32, #tpu.memory_space<vmem>>
      %dma_wait3A_81 = arith.constant 48000 : i32
      %dma_wait3A_82 = tpu.memref_slice %arg3[%dma_wait3A_81] : memref<100000xf32, #tpu.memory_space<hbm>> -> memref<52000xf32, #tpu.memory_space<hbm>>
      tpu.wait_dma2 semaphore(%arg12 : memref<!tpu.dma_semaphore, #tpu.memory_space<semaphore_mem>>) src(%dma_wait3A_82 : memref<52000xf32, #tpu.memory_space<hbm>>) dst(%dma_wait3A_80 : memref<52000xf32, #tpu.memory_space<vmem>>)
      %dma_wait3A_83 = arith.constant 48 : i32
      %dma_wait3A_84 = tpu.memref_slice %arg2[%dma_wait3A_83, %add3A_70] : memref<100x16384xi32, #tpu.memory_space<hbm>> -> memref<52x256xi32, #tpu.memory_space<hbm>>
      %dma_wait3A_85 = arith.constant 48 : i32
      %dma_wait3A_86 = tpu.memref_slice %arg2[%dma_wait3A_85, %add3A_70] : memref<100x16384xi32, #tpu.memory_space<hbm>> -> memref<52x256xi32, #tpu.memory_space<hbm>>
      tpu.wait_dma2 semaphore(%arg13 : memref<!tpu.dma_semaphore, #tpu.memory_space<semaphore_mem>>) src(%dma_wait3A_86 : memref<52x256xi32, #tpu.memory_space<hbm>>) dst(%arg8 : memref<52x256xi32, #tpu.memory_space<vmem>>)
      %add3A_87 = arith.constant 256 : i32
      %add3A_88 = arith.addi %mul3A_8, %add3A_87 : i32
      %dma_start3A_89 = arith.constant 48 : i32
      %dma_start3A_90 = tpu.memref_slice %arg2[%dma_start3A_89, %add3A_88] : memref<100x16384xi32, #tpu.memory_space<hbm>> -> memref<52x256xi32, #tpu.memory_space<hbm>>
      %dma_start3A_91 = arith.constant 48 : i32
      %dma_start3A_92 = tpu.memref_slice %arg2[%dma_start3A_91, %add3A_88] : memref<100x16384xi32, #tpu.memory_space<hbm>> -> memref<52x256xi32, #tpu.memory_space<hbm>>
      tpu.enqueue_dma source(%dma_start3A_92 : memref<52x256xi32, #tpu.memory_space<hbm>>) target(%arg9 : memref<52x256xi32, #tpu.memory_space<vmem>>) target_semaphore(%arg14 : memref<!tpu.dma_semaphore, #tpu.memory_space<semaphore_mem>>)
      %scan3A_93 = arith.constant 0 : i32
      %scan3A_94 = arith.constant 0 : i32
      %scan3A_95 = arith.constant 16 : i32
      %scan3A_96 = arith.addi %scan3A_94, %scan3A_95 : i32
      %scan3A_97 = arith.constant 1 : i32
      %scan3A_98 = scf.for %scan3A_147 = %scan3A_94 to %scan3A_96 step %scan3A_97 iter_args(%scan3A_148 = %scan3A_93) -> (i32)  : i32 {
        %mul3A_149 = arith.constant 16 : i32
        %mul3A_150 = arith.muli %scan3A_147, %mul3A_149 : i32
        %scan3A_151 = arith.constant 0 : i32
        %scan3A_152 = arith.constant 4 : i32
        %scan3A_153 = arith.addi %scan3A_151, %scan3A_152 : i32
        %scan3A_154 = arith.constant 1 : i32
        %scan3A_155:14 = scf.for %scan3A_174 = %scan3A_151 to %scan3A_153 step %scan3A_154 iter_args(%scan3A_175 = %broadcast_in_dim3A_9, %scan3A_176 = %broadcast_in_dim3A_9, %scan3A_177 = %broadcast_in_dim3A_9, %scan3A_178 = %broadcast_in_dim3A_9, %scan3A_179 = %broadcast_in_dim3A_9, %scan3A_180 = %broadcast_in_dim3A_9, %scan3A_181 = %broadcast_in_dim3A_9, %scan3A_182 = %broadcast_in_dim3A_9, %scan3A_183 = %broadcast_in_dim3A_9, %scan3A_184 = %broadcast_in_dim3A_9, %scan3A_185 = %broadcast_in_dim3A_9, %scan3A_186 = %broadcast_in_dim3A_9, %scan3A_187 = %broadcast_in_dim3A_9, %scan3A_188 = %broadcast_in_dim3A_9) -> (vector<16xf32>, vector<16xf32>, vector<16xf32>, vector<16xf32>, vector<16xf32>, vector<16xf32>, vector<16xf32>, vector<16xf32>, vector<16xf32>, vector<16xf32>, vector<16xf32>, vector<16xf32>, vector<16xf32>, vector<16xf32>)  : i32 {
          %mul3A_189 = arith.constant 13 : i32
          %mul3A_190 = arith.muli %scan3A_174, %mul3A_189 : i32
          %add3A_191 = arith.constant 0 : i32
          %add3A_192 = arith.addi %mul3A_190, %add3A_191 : i32
          %get3A = arith.index_cast %add3A_192 : i32 to index
          %get3A_193 = arith.index_cast %mul3A_150 : i32 to index
          %get3A_194 = tpu.vector_load %arg8[%get3A, %get3A_193] {strides = array<i32>} : memref<52x256xi32, #tpu.memory_space<vmem>>, vector<16xi32>,
          %mul3A_195 = arith.constant 1000 : i32
          %mul3A_196 = arith.muli %add3A_192, %mul3A_195 : i32
          %add3A_197 = vector.broadcast %mul3A_196 : i32 to vector<16xi32>
          %add3A_198 = arith.addi %get3A_194, %add3A_197 : vector<16xi32>
          %gather3A = tpu.vector_load_idx %arg5[%add3A_198] : memref<52000xf32, #tpu.memory_space<vmem>>[vector<16xi32>], vector<16xf32>,
          %mul3A_199 = arith.constant 13 : i32
          %mul3A_200 = arith.muli %scan3A_174, %mul3A_199 : i32
          %add3A_201 = arith.constant 1 : i32
          %add3A_202 = arith.addi %mul3A_200, %add3A_201 : i32
          %get3A_203 = arith.index_cast %add3A_202 : i32 to index
          %get3A_204 = arith.index_cast %mul3A_150 : i32 to index
          %get3A_205 = tpu.vector_load %arg8[%get3A_203, %get3A_204] {strides = array<i32>} : memref<52x256xi32, #tpu.memory_space<vmem>>, vector<16xi32>,
          %mul3A_206 = arith.constant 1000 : i32
          %mul3A_207 = arith.muli %add3A_202, %mul3A_206 : i32
          %add3A_208 = vector.broadcast %mul3A_207 : i32 to vector<16xi32>
          %add3A_209 = arith.addi %get3A_205, %add3A_208 : vector<16xi32>
          %gather3A_210 = tpu.vector_load_idx %arg5[%add3A_209] : memref<52000xf32, #tpu.memory_space<vmem>>[vector<16xi32>], vector<16xf32>,
          %mul3A_211 = arith.constant 13 : i32
          %mul3A_212 = arith.muli %scan3A_174, %mul3A_211 : i32
          %add3A_213 = arith.constant 2 : i32
          %add3A_214 = arith.addi %mul3A_212, %add3A_213 : i32
          %get3A_215 = arith.index_cast %add3A_214 : i32 to index
          %get3A_216 = arith.index_cast %mul3A_150 : i32 to index
          %get3A_217 = tpu.vector_load %arg8[%get3A_215, %get3A_216] {strides = array<i32>} : memref<52x256xi32, #tpu.memory_space<vmem>>, vector<16xi32>,
          %mul3A_218 = arith.constant 1000 : i32
          %mul3A_219 = arith.muli %add3A_214, %mul3A_218 : i32
          %add3A_220 = vector.broadcast %mul3A_219 : i32 to vector<16xi32>
          %add3A_221 = arith.addi %get3A_217, %add3A_220 : vector<16xi32>
          %gather3A_222 = tpu.vector_load_idx %arg5[%add3A_221] : memref<52000xf32, #tpu.memory_space<vmem>>[vector<16xi32>], vector<16xf32>,
          %mul3A_223 = arith.constant 13 : i32
          %mul3A_224 = arith.muli %scan3A_174, %mul3A_223 : i32
          %add3A_225 = arith.constant 3 : i32
          %add3A_226 = arith.addi %mul3A_224, %add3A_225 : i32
          %get3A_227 = arith.index_cast %add3A_226 : i32 to index
          %get3A_228 = arith.index_cast %mul3A_150 : i32 to index
          %get3A_229 = tpu.vector_load %arg8[%get3A_227, %get3A_228] {strides = array<i32>} : memref<52x256xi32, #tpu.memory_space<vmem>>, vector<16xi32>,
          %mul3A_230 = arith.constant 1000 : i32
          %mul3A_231 = arith.muli %add3A_226, %mul3A_230 : i32
          %add3A_232 = vector.broadcast %mul3A_231 : i32 to vector<16xi32>
          %add3A_233 = arith.addi %get3A_229, %add3A_232 : vector<16xi32>
          %gather3A_234 = tpu.vector_load_idx %arg5[%add3A_233] : memref<52000xf32, #tpu.memory_space<vmem>>[vector<16xi32>], vector<16xf32>,
          %mul3A_235 = arith.constant 13 : i32
          %mul3A_236 = arith.muli %scan3A_174, %mul3A_235 : i32
          %add3A_237 = arith.constant 4 : i32
          %add3A_238 = arith.addi %mul3A_236, %add3A_237 : i32
          %get3A_239 = arith.index_cast %add3A_238 : i32 to index
          %get3A_240 = arith.index_cast %mul3A_150 : i32 to index
          %get3A_241 = tpu.vector_load %arg8[%get3A_239, %get3A_240] {strides = array<i32>} : memref<52x256xi32, #tpu.memory_space<vmem>>, vector<16xi32>,
          %mul3A_242 = arith.constant 1000 : i32
          %mul3A_243 = arith.muli %add3A_238, %mul3A_242 : i32
          %add3A_244 = vector.broadcast %mul3A_243 : i32 to vector<16xi32>
          %add3A_245 = arith.addi %get3A_241, %add3A_244 : vector<16xi32>
          %gather3A_246 = tpu.vector_load_idx %arg5[%add3A_245] : memref<52000xf32, #tpu.memory_space<vmem>>[vector<16xi32>], vector<16xf32>,
          %mul3A_247 = arith.constant 13 : i32
          %mul3A_248 = arith.muli %scan3A_174, %mul3A_247 : i32
          %add3A_249 = arith.constant 5 : i32
          %add3A_250 = arith.addi %mul3A_248, %add3A_249 : i32
          %get3A_251 = arith.index_cast %add3A_250 : i32 to index
          %get3A_252 = arith.index_cast %mul3A_150 : i32 to index
          %get3A_253 = tpu.vector_load %arg8[%get3A_251, %get3A_252] {strides = array<i32>} : memref<52x256xi32, #tpu.memory_space<vmem>>, vector<16xi32>,
          %mul3A_254 = arith.constant 1000 : i32
          %mul3A_255 = arith.muli %add3A_250, %mul3A_254 : i32
          %add3A_256 = vector.broadcast %mul3A_255 : i32 to vector<16xi32>
          %add3A_257 = arith.addi %get3A_253, %add3A_256 : vector<16xi32>
          %gather3A_258 = tpu.vector_load_idx %arg5[%add3A_257] : memref<52000xf32, #tpu.memory_space<vmem>>[vector<16xi32>], vector<16xf32>,
          %mul3A_259 = arith.constant 13 : i32
          %mul3A_260 = arith.muli %scan3A_174, %mul3A_259 : i32
          %add3A_261 = arith.constant 6 : i32
          %add3A_262 = arith.addi %mul3A_260, %add3A_261 : i32
          %get3A_263 = arith.index_cast %add3A_262 : i32 to index
          %get3A_264 = arith.index_cast %mul3A_150 : i32 to index
          %get3A_265 = tpu.vector_load %arg8[%get3A_263, %get3A_264] {strides = array<i32>} : memref<52x256xi32, #tpu.memory_space<vmem>>, vector<16xi32>,
          %mul3A_266 = arith.constant 1000 : i32
          %mul3A_267 = arith.muli %add3A_262, %mul3A_266 : i32
          %add3A_268 = vector.broadcast %mul3A_267 : i32 to vector<16xi32>
          %add3A_269 = arith.addi %get3A_265, %add3A_268 : vector<16xi32>
          %gather3A_270 = tpu.vector_load_idx %arg5[%add3A_269] : memref<52000xf32, #tpu.memory_space<vmem>>[vector<16xi32>], vector<16xf32>,
          %mul3A_271 = arith.constant 13 : i32
          %mul3A_272 = arith.muli %scan3A_174, %mul3A_271 : i32
          %add3A_273 = arith.constant 7 : i32
          %add3A_274 = arith.addi %mul3A_272, %add3A_273 : i32
          %get3A_275 = arith.index_cast %add3A_274 : i32 to index
          %get3A_276 = arith.index_cast %mul3A_150 : i32 to index
          %get3A_277 = tpu.vector_load %arg8[%get3A_275, %get3A_276] {strides = array<i32>} : memref<52x256xi32, #tpu.memory_space<vmem>>, vector<16xi32>,
          %mul3A_278 = arith.constant 1000 : i32
          %mul3A_279 = arith.muli %add3A_274, %mul3A_278 : i32
          %add3A_280 = vector.broadcast %mul3A_279 : i32 to vector<16xi32>
          %add3A_281 = arith.addi %get3A_277, %add3A_280 : vector<16xi32>
          %gather3A_282 = tpu.vector_load_idx %arg5[%add3A_281] : memref<52000xf32, #tpu.memory_space<vmem>>[vector<16xi32>], vector<16xf32>,
          %mul3A_283 = arith.constant 13 : i32
          %mul3A_284 = arith.muli %scan3A_174, %mul3A_283 : i32
          %add3A_285 = arith.constant 8 : i32
          %add3A_286 = arith.addi %mul3A_284, %add3A_285 : i32
          %get3A_287 = arith.index_cast %add3A_286 : i32 to index
          %get3A_288 = arith.index_cast %mul3A_150 : i32 to index
          %get3A_289 = tpu.vector_load %arg8[%get3A_287, %get3A_288] {strides = array<i32>} : memref<52x256xi32, #tpu.memory_space<vmem>>, vector<16xi32>,
          %mul3A_290 = arith.constant 1000 : i32
          %mul3A_291 = arith.muli %add3A_286, %mul3A_290 : i32
          %add3A_292 = vector.broadcast %mul3A_291 : i32 to vector<16xi32>
          %add3A_293 = arith.addi %get3A_289, %add3A_292 : vector<16xi32>
          %gather3A_294 = tpu.vector_load_idx %arg5[%add3A_293] : memref<52000xf32, #tpu.memory_space<vmem>>[vector<16xi32>], vector<16xf32>,
          %mul3A_295 = arith.constant 13 : i32
          %mul3A_296 = arith.muli %scan3A_174, %mul3A_295 : i32
          %add3A_297 = arith.constant 9 : i32
          %add3A_298 = arith.addi %mul3A_296, %add3A_297 : i32
          %get3A_299 = arith.index_cast %add3A_298 : i32 to index
          %get3A_300 = arith.index_cast %mul3A_150 : i32 to index
          %get3A_301 = tpu.vector_load %arg8[%get3A_299, %get3A_300] {strides = array<i32>} : memref<52x256xi32, #tpu.memory_space<vmem>>, vector<16xi32>,
          %mul3A_302 = arith.constant 1000 : i32
          %mul3A_303 = arith.muli %add3A_298, %mul3A_302 : i32
          %add3A_304 = vector.broadcast %mul3A_303 : i32 to vector<16xi32>
          %add3A_305 = arith.addi %get3A_301, %add3A_304 : vector<16xi32>
          %gather3A_306 = tpu.vector_load_idx %arg5[%add3A_305] : memref<52000xf32, #tpu.memory_space<vmem>>[vector<16xi32>], vector<16xf32>,
          %mul3A_307 = arith.constant 13 : i32
          %mul3A_308 = arith.muli %scan3A_174, %mul3A_307 : i32
          %add3A_309 = arith.constant 10 : i32
          %add3A_310 = arith.addi %mul3A_308, %add3A_309 : i32
          %get3A_311 = arith.index_cast %add3A_310 : i32 to index
          %get3A_312 = arith.index_cast %mul3A_150 : i32 to index
          %get3A_313 = tpu.vector_load %arg8[%get3A_311, %get3A_312] {strides = array<i32>} : memref<52x256xi32, #tpu.memory_space<vmem>>, vector<16xi32>,
          %mul3A_314 = arith.constant 1000 : i32
          %mul3A_315 = arith.muli %add3A_310, %mul3A_314 : i32
          %add3A_316 = vector.broadcast %mul3A_315 : i32 to vector<16xi32>
          %add3A_317 = arith.addi %get3A_313, %add3A_316 : vector<16xi32>
          %gather3A_318 = tpu.vector_load_idx %arg5[%add3A_317] : memref<52000xf32, #tpu.memory_space<vmem>>[vector<16xi32>], vector<16xf32>,
          %mul3A_319 = arith.constant 13 : i32
          %mul3A_320 = arith.muli %scan3A_174, %mul3A_319 : i32
          %add3A_321 = arith.constant 11 : i32
          %add3A_322 = arith.addi %mul3A_320, %add3A_321 : i32
          %get3A_323 = arith.index_cast %add3A_322 : i32 to index
          %get3A_324 = arith.index_cast %mul3A_150 : i32 to index
          %get3A_325 = tpu.vector_load %arg8[%get3A_323, %get3A_324] {strides = array<i32>} : memref<52x256xi32, #tpu.memory_space<vmem>>, vector<16xi32>,
          %mul3A_326 = arith.constant 1000 : i32
          %mul3A_327 = arith.muli %add3A_322, %mul3A_326 : i32
          %add3A_328 = vector.broadcast %mul3A_327 : i32 to vector<16xi32>
          %add3A_329 = arith.addi %get3A_325, %add3A_328 : vector<16xi32>
          %gather3A_330 = tpu.vector_load_idx %arg5[%add3A_329] : memref<52000xf32, #tpu.memory_space<vmem>>[vector<16xi32>], vector<16xf32>,
          %mul3A_331 = arith.constant 13 : i32
          %mul3A_332 = arith.muli %scan3A_174, %mul3A_331 : i32
          %add3A_333 = arith.constant 12 : i32
          %add3A_334 = arith.addi %mul3A_332, %add3A_333 : i32
          %get3A_335 = arith.index_cast %add3A_334 : i32 to index
          %get3A_336 = arith.index_cast %mul3A_150 : i32 to index
          %get3A_337 = tpu.vector_load %arg8[%get3A_335, %get3A_336] {strides = array<i32>} : memref<52x256xi32, #tpu.memory_space<vmem>>, vector<16xi32>,
          %mul3A_338 = arith.constant 1000 : i32
          %mul3A_339 = arith.muli %add3A_334, %mul3A_338 : i32
          %add3A_340 = vector.broadcast %mul3A_339 : i32 to vector<16xi32>
          %add3A_341 = arith.addi %get3A_337, %add3A_340 : vector<16xi32>
          %gather3A_342 = tpu.vector_load_idx %arg5[%add3A_341] : memref<52000xf32, #tpu.memory_space<vmem>>[vector<16xi32>], vector<16xf32>,
          %add3A_343 = arith.addf %scan3A_175, %scan3A_176 : vector<16xf32>
          %add3A_344 = arith.addf %add3A_343, %scan3A_177 : vector<16xf32>
          %add3A_345 = arith.addf %add3A_344, %scan3A_178 : vector<16xf32>
          %add3A_346 = arith.addf %add3A_345, %scan3A_179 : vector<16xf32>
          %add3A_347 = arith.addf %add3A_346, %scan3A_180 : vector<16xf32>
          %add3A_348 = arith.addf %add3A_347, %scan3A_181 : vector<16xf32>
          %add3A_349 = arith.addf %add3A_348, %scan3A_182 : vector<16xf32>
          %add3A_350 = arith.addf %add3A_349, %scan3A_183 : vector<16xf32>
          %add3A_351 = arith.addf %add3A_350, %scan3A_184 : vector<16xf32>
          %add3A_352 = arith.addf %add3A_351, %scan3A_185 : vector<16xf32>
          %add3A_353 = arith.addf %add3A_352, %scan3A_186 : vector<16xf32>
          %add3A_354 = arith.addf %add3A_353, %scan3A_187 : vector<16xf32>
          %add3A_355 = arith.addf %add3A_354, %scan3A_188 : vector<16xf32>
          scf.yield %add3A_355, %gather3A, %gather3A_210, %gather3A_222, %gather3A_234, %gather3A_246, %gather3A_258, %gather3A_270, %gather3A_282, %gather3A_294, %gather3A_306, %gather3A_318, %gather3A_330, %gather3A_342 : vector<16xf32>, vector<16xf32>, vector<16xf32>, vector<16xf32>, vector<16xf32>, vector<16xf32>, vector<16xf32>, vector<16xf32>, vector<16xf32>, vector<16xf32>, vector<16xf32>, vector<16xf32>, vector<16xf32>, vector<16xf32>
        }
        %scan3A_156 = arith.constant 4 : i32
        %add3A_157 = arith.addf %scan3A_155#0, %scan3A_155#1 : vector<16xf32>
        %add3A_158 = arith.addf %add3A_157, %scan3A_155#2 : vector<16xf32>
        %add3A_159 = arith.addf %add3A_158, %scan3A_155#3 : vector<16xf32>
        %add3A_160 = arith.addf %add3A_159, %scan3A_155#4 : vector<16xf32>
        %add3A_161 = arith.addf %add3A_160, %scan3A_155#5 : vector<16xf32>
        %add3A_162 = arith.addf %add3A_161, %scan3A_155#6 : vector<16xf32>
        %add3A_163 = arith.addf %add3A_162, %scan3A_155#7 : vector<16xf32>
        %add3A_164 = arith.addf %add3A_163, %scan3A_155#8 : vector<16xf32>
        %add3A_165 = arith.addf %add3A_164, %scan3A_155#9 : vector<16xf32>
        %add3A_166 = arith.addf %add3A_165, %scan3A_155#10 : vector<16xf32>
        %add3A_167 = arith.addf %add3A_166, %scan3A_155#11 : vector<16xf32>
        %add3A_168 = arith.addf %add3A_167, %scan3A_155#12 : vector<16xf32>
        %add3A_169 = arith.addf %add3A_168, %scan3A_155#13 : vector<16xf32>
        %add3A_170 = arith.constant 0 : i32
        %add3A_171 = arith.addi %add3A_170, %mul3A_150 : i32
        %swap3A = arith.index_cast %add3A_171 : i32 to index
        %swap3A_172 = tpu.vector_load %arg10[%swap3A] {strides = array<i32>} : memref<1024xf32, #tpu.memory_space<vmem>>, vector<16xf32>,
        tpu.vector_store %arg10[%swap3A], %add3A_169 {strides = array<i32>} : memref<1024xf32, #tpu.memory_space<vmem>>, vector<16xf32>,
        %scan3A_173 = arith.constant 0 : i32
        scf.yield %scan3A_173 : i32
      }
      %scan3A_99 = arith.constant 16 : i32
      %dma_wait3A_100 = arith.constant 48 : i32
      %dma_wait3A_101 = tpu.memref_slice %arg2[%dma_wait3A_100, %add3A_88] : memref<100x16384xi32, #tpu.memory_space<hbm>> -> memref<52x256xi32, #tpu.memory_space<hbm>>
      %dma_wait3A_102 = arith.constant 48 : i32
      %dma_wait3A_103 = tpu.memref_slice %arg2[%dma_wait3A_102, %add3A_88] : memref<100x16384xi32, #tpu.memory_space<hbm>> -> memref<52x256xi32, #tpu.memory_space<hbm>>
      tpu.wait_dma2 semaphore(%arg14 : memref<!tpu.dma_semaphore, #tpu.memory_space<semaphore_mem>>) src(%dma_wait3A_103 : memref<52x256xi32, #tpu.memory_space<hbm>>) dst(%arg9 : memref<52x256xi32, #tpu.memory_space<vmem>>)
      %add3A_104 = arith.constant 0 : i32
      %add3A_105 = arith.addi %mul3A_6, %add3A_104 : i32
      %dma_start3A_106 = arith.constant 48 : i32
      %dma_start3A_107 = tpu.memref_slice %arg2[%dma_start3A_106, %add3A_105] : memref<100x16384xi32, #tpu.memory_space<hbm>> -> memref<52x256xi32, #tpu.memory_space<hbm>>
      %dma_start3A_108 = arith.constant 48 : i32
      %dma_start3A_109 = tpu.memref_slice %arg2[%dma_start3A_108, %add3A_105] : memref<100x16384xi32, #tpu.memory_space<hbm>> -> memref<52x256xi32, #tpu.memory_space<hbm>>
      tpu.enqueue_dma source(%dma_start3A_109 : memref<52x256xi32, #tpu.memory_space<hbm>>) target(%arg8 : memref<52x256xi32, #tpu.memory_space<vmem>>) target_semaphore(%arg13 : memref<!tpu.dma_semaphore, #tpu.memory_space<semaphore_mem>>)
      %scan3A_110 = arith.constant 0 : i32
      %scan3A_111 = arith.constant 0 : i32
      %scan3A_112 = arith.constant 16 : i32
      %scan3A_113 = arith.addi %scan3A_111, %scan3A_112 : i32
      %scan3A_114 = arith.constant 1 : i32
      %scan3A_115 = scf.for %scan3A_147 = %scan3A_111 to %scan3A_113 step %scan3A_114 iter_args(%scan3A_148 = %scan3A_110) -> (i32)  : i32 {
        %mul3A_149 = arith.constant 16 : i32
        %mul3A_150 = arith.muli %scan3A_147, %mul3A_149 : i32
        %scan3A_151 = arith.constant 0 : i32
        %scan3A_152 = arith.constant 4 : i32
        %scan3A_153 = arith.addi %scan3A_151, %scan3A_152 : i32
        %scan3A_154 = arith.constant 1 : i32
        %scan3A_155:14 = scf.for %scan3A_174 = %scan3A_151 to %scan3A_153 step %scan3A_154 iter_args(%scan3A_175 = %broadcast_in_dim3A_9, %scan3A_176 = %broadcast_in_dim3A_9, %scan3A_177 = %broadcast_in_dim3A_9, %scan3A_178 = %broadcast_in_dim3A_9, %scan3A_179 = %broadcast_in_dim3A_9, %scan3A_180 = %broadcast_in_dim3A_9, %scan3A_181 = %broadcast_in_dim3A_9, %scan3A_182 = %broadcast_in_dim3A_9, %scan3A_183 = %broadcast_in_dim3A_9, %scan3A_184 = %broadcast_in_dim3A_9, %scan3A_185 = %broadcast_in_dim3A_9, %scan3A_186 = %broadcast_in_dim3A_9, %scan3A_187 = %broadcast_in_dim3A_9, %scan3A_188 = %broadcast_in_dim3A_9) -> (vector<16xf32>, vector<16xf32>, vector<16xf32>, vector<16xf32>, vector<16xf32>, vector<16xf32>, vector<16xf32>, vector<16xf32>, vector<16xf32>, vector<16xf32>, vector<16xf32>, vector<16xf32>, vector<16xf32>, vector<16xf32>)  : i32 {
          %mul3A_189 = arith.constant 13 : i32
          %mul3A_190 = arith.muli %scan3A_174, %mul3A_189 : i32
          %add3A_191 = arith.constant 0 : i32
          %add3A_192 = arith.addi %mul3A_190, %add3A_191 : i32
          %get3A = arith.index_cast %add3A_192 : i32 to index
          %get3A_193 = arith.index_cast %mul3A_150 : i32 to index
          %get3A_194 = tpu.vector_load %arg9[%get3A, %get3A_193] {strides = array<i32>} : memref<52x256xi32, #tpu.memory_space<vmem>>, vector<16xi32>,
          %mul3A_195 = arith.constant 1000 : i32
          %mul3A_196 = arith.muli %add3A_192, %mul3A_195 : i32
          %add3A_197 = vector.broadcast %mul3A_196 : i32 to vector<16xi32>
          %add3A_198 = arith.addi %get3A_194, %add3A_197 : vector<16xi32>
          %gather3A = tpu.vector_load_idx %arg5[%add3A_198] : memref<52000xf32, #tpu.memory_space<vmem>>[vector<16xi32>], vector<16xf32>,
          %mul3A_199 = arith.constant 13 : i32
          %mul3A_200 = arith.muli %scan3A_174, %mul3A_199 : i32
          %add3A_201 = arith.constant 1 : i32
          %add3A_202 = arith.addi %mul3A_200, %add3A_201 : i32
          %get3A_203 = arith.index_cast %add3A_202 : i32 to index
          %get3A_204 = arith.index_cast %mul3A_150 : i32 to index
          %get3A_205 = tpu.vector_load %arg9[%get3A_203, %get3A_204] {strides = array<i32>} : memref<52x256xi32, #tpu.memory_space<vmem>>, vector<16xi32>,
          %mul3A_206 = arith.constant 1000 : i32
          %mul3A_207 = arith.muli %add3A_202, %mul3A_206 : i32
          %add3A_208 = vector.broadcast %mul3A_207 : i32 to vector<16xi32>
          %add3A_209 = arith.addi %get3A_205, %add3A_208 : vector<16xi32>
          %gather3A_210 = tpu.vector_load_idx %arg5[%add3A_209] : memref<52000xf32, #tpu.memory_space<vmem>>[vector<16xi32>], vector<16xf32>,
          %mul3A_211 = arith.constant 13 : i32
          %mul3A_212 = arith.muli %scan3A_174, %mul3A_211 : i32
          %add3A_213 = arith.constant 2 : i32
          %add3A_214 = arith.addi %mul3A_212, %add3A_213 : i32
          %get3A_215 = arith.index_cast %add3A_214 : i32 to index
          %get3A_216 = arith.index_cast %mul3A_150 : i32 to index
          %get3A_217 = tpu.vector_load %arg9[%get3A_215, %get3A_216] {strides = array<i32>} : memref<52x256xi32, #tpu.memory_space<vmem>>, vector<16xi32>,
          %mul3A_218 = arith.constant 1000 : i32
          %mul3A_219 = arith.muli %add3A_214, %mul3A_218 : i32
          %add3A_220 = vector.broadcast %mul3A_219 : i32 to vector<16xi32>
          %add3A_221 = arith.addi %get3A_217, %add3A_220 : vector<16xi32>
          %gather3A_222 = tpu.vector_load_idx %arg5[%add3A_221] : memref<52000xf32, #tpu.memory_space<vmem>>[vector<16xi32>], vector<16xf32>,
          %mul3A_223 = arith.constant 13 : i32
          %mul3A_224 = arith.muli %scan3A_174, %mul3A_223 : i32
          %add3A_225 = arith.constant 3 : i32
          %add3A_226 = arith.addi %mul3A_224, %add3A_225 : i32
          %get3A_227 = arith.index_cast %add3A_226 : i32 to index
          %get3A_228 = arith.index_cast %mul3A_150 : i32 to index
          %get3A_229 = tpu.vector_load %arg9[%get3A_227, %get3A_228] {strides = array<i32>} : memref<52x256xi32, #tpu.memory_space<vmem>>, vector<16xi32>,
          %mul3A_230 = arith.constant 1000 : i32
          %mul3A_231 = arith.muli %add3A_226, %mul3A_230 : i32
          %add3A_232 = vector.broadcast %mul3A_231 : i32 to vector<16xi32>
          %add3A_233 = arith.addi %get3A_229, %add3A_232 : vector<16xi32>
          %gather3A_234 = tpu.vector_load_idx %arg5[%add3A_233] : memref<52000xf32, #tpu.memory_space<vmem>>[vector<16xi32>], vector<16xf32>,
          %mul3A_235 = arith.constant 13 : i32
          %mul3A_236 = arith.muli %scan3A_174, %mul3A_235 : i32
          %add3A_237 = arith.constant 4 : i32
          %add3A_238 = arith.addi %mul3A_236, %add3A_237 : i32
          %get3A_239 = arith.index_cast %add3A_238 : i32 to index
          %get3A_240 = arith.index_cast %mul3A_150 : i32 to index
          %get3A_241 = tpu.vector_load %arg9[%get3A_239, %get3A_240] {strides = array<i32>} : memref<52x256xi32, #tpu.memory_space<vmem>>, vector<16xi32>,
          %mul3A_242 = arith.constant 1000 : i32
          %mul3A_243 = arith.muli %add3A_238, %mul3A_242 : i32
          %add3A_244 = vector.broadcast %mul3A_243 : i32 to vector<16xi32>
          %add3A_245 = arith.addi %get3A_241, %add3A_244 : vector<16xi32>
          %gather3A_246 = tpu.vector_load_idx %arg5[%add3A_245] : memref<52000xf32, #tpu.memory_space<vmem>>[vector<16xi32>], vector<16xf32>,
          %mul3A_247 = arith.constant 13 : i32
          %mul3A_248 = arith.muli %scan3A_174, %mul3A_247 : i32
          %add3A_249 = arith.constant 5 : i32
          %add3A_250 = arith.addi %mul3A_248, %add3A_249 : i32
          %get3A_251 = arith.index_cast %add3A_250 : i32 to index
          %get3A_252 = arith.index_cast %mul3A_150 : i32 to index
          %get3A_253 = tpu.vector_load %arg9[%get3A_251, %get3A_252] {strides = array<i32>} : memref<52x256xi32, #tpu.memory_space<vmem>>, vector<16xi32>,
          %mul3A_254 = arith.constant 1000 : i32
          %mul3A_255 = arith.muli %add3A_250, %mul3A_254 : i32
          %add3A_256 = vector.broadcast %mul3A_255 : i32 to vector<16xi32>
          %add3A_257 = arith.addi %get3A_253, %add3A_256 : vector<16xi32>
          %gather3A_258 = tpu.vector_load_idx %arg5[%add3A_257] : memref<52000xf32, #tpu.memory_space<vmem>>[vector<16xi32>], vector<16xf32>,
          %mul3A_259 = arith.constant 13 : i32
          %mul3A_260 = arith.muli %scan3A_174, %mul3A_259 : i32
          %add3A_261 = arith.constant 6 : i32
          %add3A_262 = arith.addi %mul3A_260, %add3A_261 : i32
          %get3A_263 = arith.index_cast %add3A_262 : i32 to index
          %get3A_264 = arith.index_cast %mul3A_150 : i32 to index
          %get3A_265 = tpu.vector_load %arg9[%get3A_263, %get3A_264] {strides = array<i32>} : memref<52x256xi32, #tpu.memory_space<vmem>>, vector<16xi32>,
          %mul3A_266 = arith.constant 1000 : i32
          %mul3A_267 = arith.muli %add3A_262, %mul3A_266 : i32
          %add3A_268 = vector.broadcast %mul3A_267 : i32 to vector<16xi32>
          %add3A_269 = arith.addi %get3A_265, %add3A_268 : vector<16xi32>
          %gather3A_270 = tpu.vector_load_idx %arg5[%add3A_269] : memref<52000xf32, #tpu.memory_space<vmem>>[vector<16xi32>], vector<16xf32>,
          %mul3A_271 = arith.constant 13 : i32
          %mul3A_272 = arith.muli %scan3A_174, %mul3A_271 : i32
          %add3A_273 = arith.constant 7 : i32
          %add3A_274 = arith.addi %mul3A_272, %add3A_273 : i32
          %get3A_275 = arith.index_cast %add3A_274 : i32 to index
          %get3A_276 = arith.index_cast %mul3A_150 : i32 to index
          %get3A_277 = tpu.vector_load %arg9[%get3A_275, %get3A_276] {strides = array<i32>} : memref<52x256xi32, #tpu.memory_space<vmem>>, vector<16xi32>,
          %mul3A_278 = arith.constant 1000 : i32
          %mul3A_279 = arith.muli %add3A_274, %mul3A_278 : i32
          %add3A_280 = vector.broadcast %mul3A_279 : i32 to vector<16xi32>
          %add3A_281 = arith.addi %get3A_277, %add3A_280 : vector<16xi32>
          %gather3A_282 = tpu.vector_load_idx %arg5[%add3A_281] : memref<52000xf32, #tpu.memory_space<vmem>>[vector<16xi32>], vector<16xf32>,
          %mul3A_283 = arith.constant 13 : i32
          %mul3A_284 = arith.muli %scan3A_174, %mul3A_283 : i32
          %add3A_285 = arith.constant 8 : i32
          %add3A_286 = arith.addi %mul3A_284, %add3A_285 : i32
          %get3A_287 = arith.index_cast %add3A_286 : i32 to index
          %get3A_288 = arith.index_cast %mul3A_150 : i32 to index
          %get3A_289 = tpu.vector_load %arg9[%get3A_287, %get3A_288] {strides = array<i32>} : memref<52x256xi32, #tpu.memory_space<vmem>>, vector<16xi32>,
          %mul3A_290 = arith.constant 1000 : i32
          %mul3A_291 = arith.muli %add3A_286, %mul3A_290 : i32
          %add3A_292 = vector.broadcast %mul3A_291 : i32 to vector<16xi32>
          %add3A_293 = arith.addi %get3A_289, %add3A_292 : vector<16xi32>
          %gather3A_294 = tpu.vector_load_idx %arg5[%add3A_293] : memref<52000xf32, #tpu.memory_space<vmem>>[vector<16xi32>], vector<16xf32>,
          %mul3A_295 = arith.constant 13 : i32
          %mul3A_296 = arith.muli %scan3A_174, %mul3A_295 : i32
          %add3A_297 = arith.constant 9 : i32
          %add3A_298 = arith.addi %mul3A_296, %add3A_297 : i32
          %get3A_299 = arith.index_cast %add3A_298 : i32 to index
          %get3A_300 = arith.index_cast %mul3A_150 : i32 to index
          %get3A_301 = tpu.vector_load %arg9[%get3A_299, %get3A_300] {strides = array<i32>} : memref<52x256xi32, #tpu.memory_space<vmem>>, vector<16xi32>,
          %mul3A_302 = arith.constant 1000 : i32
          %mul3A_303 = arith.muli %add3A_298, %mul3A_302 : i32
          %add3A_304 = vector.broadcast %mul3A_303 : i32 to vector<16xi32>
          %add3A_305 = arith.addi %get3A_301, %add3A_304 : vector<16xi32>
          %gather3A_306 = tpu.vector_load_idx %arg5[%add3A_305] : memref<52000xf32, #tpu.memory_space<vmem>>[vector<16xi32>], vector<16xf32>,
          %mul3A_307 = arith.constant 13 : i32
          %mul3A_308 = arith.muli %scan3A_174, %mul3A_307 : i32
          %add3A_309 = arith.constant 10 : i32
          %add3A_310 = arith.addi %mul3A_308, %add3A_309 : i32
          %get3A_311 = arith.index_cast %add3A_310 : i32 to index
          %get3A_312 = arith.index_cast %mul3A_150 : i32 to index
          %get3A_313 = tpu.vector_load %arg9[%get3A_311, %get3A_312] {strides = array<i32>} : memref<52x256xi32, #tpu.memory_space<vmem>>, vector<16xi32>,
          %mul3A_314 = arith.constant 1000 : i32
          %mul3A_315 = arith.muli %add3A_310, %mul3A_314 : i32
          %add3A_316 = vector.broadcast %mul3A_315 : i32 to vector<16xi32>
          %add3A_317 = arith.addi %get3A_313, %add3A_316 : vector<16xi32>
          %gather3A_318 = tpu.vector_load_idx %arg5[%add3A_317] : memref<52000xf32, #tpu.memory_space<vmem>>[vector<16xi32>], vector<16xf32>,
          %mul3A_319 = arith.constant 13 : i32
          %mul3A_320 = arith.muli %scan3A_174, %mul3A_319 : i32
          %add3A_321 = arith.constant 11 : i32
          %add3A_322 = arith.addi %mul3A_320, %add3A_321 : i32
          %get3A_323 = arith.index_cast %add3A_322 : i32 to index
          %get3A_324 = arith.index_cast %mul3A_150 : i32 to index
          %get3A_325 = tpu.vector_load %arg9[%get3A_323, %get3A_324] {strides = array<i32>} : memref<52x256xi32, #tpu.memory_space<vmem>>, vector<16xi32>,
          %mul3A_326 = arith.constant 1000 : i32
          %mul3A_327 = arith.muli %add3A_322, %mul3A_326 : i32
          %add3A_328 = vector.broadcast %mul3A_327 : i32 to vector<16xi32>
          %add3A_329 = arith.addi %get3A_325, %add3A_328 : vector<16xi32>
          %gather3A_330 = tpu.vector_load_idx %arg5[%add3A_329] : memref<52000xf32, #tpu.memory_space<vmem>>[vector<16xi32>], vector<16xf32>,
          %mul3A_331 = arith.constant 13 : i32
          %mul3A_332 = arith.muli %scan3A_174, %mul3A_331 : i32
          %add3A_333 = arith.constant 12 : i32
          %add3A_334 = arith.addi %mul3A_332, %add3A_333 : i32
          %get3A_335 = arith.index_cast %add3A_334 : i32 to index
          %get3A_336 = arith.index_cast %mul3A_150 : i32 to index
          %get3A_337 = tpu.vector_load %arg9[%get3A_335, %get3A_336] {strides = array<i32>} : memref<52x256xi32, #tpu.memory_space<vmem>>, vector<16xi32>,
          %mul3A_338 = arith.constant 1000 : i32
          %mul3A_339 = arith.muli %add3A_334, %mul3A_338 : i32
          %add3A_340 = vector.broadcast %mul3A_339 : i32 to vector<16xi32>
          %add3A_341 = arith.addi %get3A_337, %add3A_340 : vector<16xi32>
          %gather3A_342 = tpu.vector_load_idx %arg5[%add3A_341] : memref<52000xf32, #tpu.memory_space<vmem>>[vector<16xi32>], vector<16xf32>,
          %add3A_343 = arith.addf %scan3A_175, %scan3A_176 : vector<16xf32>
          %add3A_344 = arith.addf %add3A_343, %scan3A_177 : vector<16xf32>
          %add3A_345 = arith.addf %add3A_344, %scan3A_178 : vector<16xf32>
          %add3A_346 = arith.addf %add3A_345, %scan3A_179 : vector<16xf32>
          %add3A_347 = arith.addf %add3A_346, %scan3A_180 : vector<16xf32>
          %add3A_348 = arith.addf %add3A_347, %scan3A_181 : vector<16xf32>
          %add3A_349 = arith.addf %add3A_348, %scan3A_182 : vector<16xf32>
          %add3A_350 = arith.addf %add3A_349, %scan3A_183 : vector<16xf32>
          %add3A_351 = arith.addf %add3A_350, %scan3A_184 : vector<16xf32>
          %add3A_352 = arith.addf %add3A_351, %scan3A_185 : vector<16xf32>
          %add3A_353 = arith.addf %add3A_352, %scan3A_186 : vector<16xf32>
          %add3A_354 = arith.addf %add3A_353, %scan3A_187 : vector<16xf32>
          %add3A_355 = arith.addf %add3A_354, %scan3A_188 : vector<16xf32>
          scf.yield %add3A_355, %gather3A, %gather3A_210, %gather3A_222, %gather3A_234, %gather3A_246, %gather3A_258, %gather3A_270, %gather3A_282, %gather3A_294, %gather3A_306, %gather3A_318, %gather3A_330, %gather3A_342 : vector<16xf32>, vector<16xf32>, vector<16xf32>, vector<16xf32>, vector<16xf32>, vector<16xf32>, vector<16xf32>, vector<16xf32>, vector<16xf32>, vector<16xf32>, vector<16xf32>, vector<16xf32>, vector<16xf32>, vector<16xf32>
        }
        %scan3A_156 = arith.constant 4 : i32
        %add3A_157 = arith.addf %scan3A_155#0, %scan3A_155#1 : vector<16xf32>
        %add3A_158 = arith.addf %add3A_157, %scan3A_155#2 : vector<16xf32>
        %add3A_159 = arith.addf %add3A_158, %scan3A_155#3 : vector<16xf32>
        %add3A_160 = arith.addf %add3A_159, %scan3A_155#4 : vector<16xf32>
        %add3A_161 = arith.addf %add3A_160, %scan3A_155#5 : vector<16xf32>
        %add3A_162 = arith.addf %add3A_161, %scan3A_155#6 : vector<16xf32>
        %add3A_163 = arith.addf %add3A_162, %scan3A_155#7 : vector<16xf32>
        %add3A_164 = arith.addf %add3A_163, %scan3A_155#8 : vector<16xf32>
        %add3A_165 = arith.addf %add3A_164, %scan3A_155#9 : vector<16xf32>
        %add3A_166 = arith.addf %add3A_165, %scan3A_155#10 : vector<16xf32>
        %add3A_167 = arith.addf %add3A_166, %scan3A_155#11 : vector<16xf32>
        %add3A_168 = arith.addf %add3A_167, %scan3A_155#12 : vector<16xf32>
        %add3A_169 = arith.addf %add3A_168, %scan3A_155#13 : vector<16xf32>
        %add3A_170 = arith.constant 256 : i32
        %add3A_171 = arith.addi %add3A_170, %mul3A_150 : i32
        %swap3A = arith.index_cast %add3A_171 : i32 to index
        %swap3A_172 = tpu.vector_load %arg10[%swap3A] {strides = array<i32>} : memref<1024xf32, #tpu.memory_space<vmem>>, vector<16xf32>,
        tpu.vector_store %arg10[%swap3A], %add3A_169 {strides = array<i32>} : memref<1024xf32, #tpu.memory_space<vmem>>, vector<16xf32>,
        %scan3A_173 = arith.constant 0 : i32
        scf.yield %scan3A_173 : i32
      }
      %scan3A_116 = arith.constant 16 : i32
      %mul3A_117 = arith.constant 512 : i32
      %mul3A_118 = arith.muli %xor3A_1, %mul3A_117 : i32
      "tpu.region"() ({
        %run_scoped3A = tpu.sem_alloc : memref<!tpu.dma_semaphore, #tpu.memory_space<semaphore_mem>>
        %dma_start3A_147 = arith.constant 0 : i32
        %dma_start3A_148 = tpu.memref_slice %arg10[%dma_start3A_147] : memref<1024xf32, #tpu.memory_space<vmem>> -> memref<512xf32, #tpu.memory_space<vmem>>
        %dma_start3A_149 = tpu.memref_slice %arg11[%mul3A_118] : memref<8192xf32, #tpu.memory_space<vmem_shared>> -> memref<512xf32, #tpu.memory_space<vmem_shared>>
        %dma_start3A_150 = tpu.memref_slice %arg11[%mul3A_118] : memref<8192xf32, #tpu.memory_space<vmem_shared>> -> memref<512xf32, #tpu.memory_space<vmem_shared>>
        %dma_start3A_151 = arith.constant 0 : i32
        %dma_start3A_152 = tpu.memref_slice %arg10[%dma_start3A_151] : memref<1024xf32, #tpu.memory_space<vmem>> -> memref<512xf32, #tpu.memory_space<vmem>>
        tpu.enqueue_dma source(%dma_start3A_152 : memref<512xf32, #tpu.memory_space<vmem>>) target(%dma_start3A_150 : memref<512xf32, #tpu.memory_space<vmem_shared>>) target_semaphore(%run_scoped3A : memref<!tpu.dma_semaphore, #tpu.memory_space<semaphore_mem>>)
        %dma_wait3A_153 = arith.constant 0 : i32
        %dma_wait3A_154 = tpu.memref_slice %arg10[%dma_wait3A_153] : memref<1024xf32, #tpu.memory_space<vmem>> -> memref<512xf32, #tpu.memory_space<vmem>>
        %dma_wait3A_155 = tpu.memref_slice %arg11[%mul3A_118] : memref<8192xf32, #tpu.memory_space<vmem_shared>> -> memref<512xf32, #tpu.memory_space<vmem_shared>>
        %dma_wait3A_156 = tpu.memref_slice %arg11[%mul3A_118] : memref<8192xf32, #tpu.memory_space<vmem_shared>> -> memref<512xf32, #tpu.memory_space<vmem_shared>>
        %dma_wait3A_157 = arith.constant 0 : i32
        %dma_wait3A_158 = tpu.memref_slice %arg10[%dma_wait3A_157] : memref<1024xf32, #tpu.memory_space<vmem>> -> memref<512xf32, #tpu.memory_space<vmem>>
        tpu.wait_dma2 semaphore(%run_scoped3A : memref<!tpu.dma_semaphore, #tpu.memory_space<semaphore_mem>>) src(%dma_wait3A_158 : memref<512xf32, #tpu.memory_space<vmem>>) dst(%dma_wait3A_156 : memref<512xf32, #tpu.memory_space<vmem_shared>>)
        tpu.yield
      }) : () -> ()
      %dma_wait3A_119 = arith.constant 48 : i32
      %dma_wait3A_120 = tpu.memref_slice %arg2[%dma_wait3A_119, %add3A_105] : memref<100x16384xi32, #tpu.memory_space<hbm>> -> memref<52x256xi32, #tpu.memory_space<hbm>>
      %dma_wait3A_121 = arith.constant 48 : i32
      %dma_wait3A_122 = tpu.memref_slice %arg2[%dma_wait3A_121, %add3A_105] : memref<100x16384xi32, #tpu.memory_space<hbm>> -> memref<52x256xi32, #tpu.memory_space<hbm>>
      tpu.wait_dma2 semaphore(%arg13 : memref<!tpu.dma_semaphore, #tpu.memory_space<semaphore_mem>>) src(%dma_wait3A_122 : memref<52x256xi32, #tpu.memory_space<hbm>>) dst(%arg8 : memref<52x256xi32, #tpu.memory_space<vmem>>)
      %add3A_123 = arith.constant 256 : i32
      %add3A_124 = arith.addi %mul3A_6, %add3A_123 : i32
      %dma_start3A_125 = arith.constant 48 : i32
      %dma_start3A_126 = tpu.memref_slice %arg2[%dma_start3A_125, %add3A_124] : memref<100x16384xi32, #tpu.memory_space<hbm>> -> memref<52x256xi32, #tpu.memory_space<hbm>>
      %dma_start3A_127 = arith.constant 48 : i32
      %dma_start3A_128 = tpu.memref_slice %arg2[%dma_start3A_127, %add3A_124] : memref<100x16384xi32, #tpu.memory_space<hbm>> -> memref<52x256xi32, #tpu.memory_space<hbm>>
      tpu.enqueue_dma source(%dma_start3A_128 : memref<52x256xi32, #tpu.memory_space<hbm>>) target(%arg9 : memref<52x256xi32, #tpu.memory_space<vmem>>) target_semaphore(%arg14 : memref<!tpu.dma_semaphore, #tpu.memory_space<semaphore_mem>>)
      %scan3A_129 = arith.constant 0 : i32
      %scan3A_130 = arith.constant 0 : i32
      %scan3A_131 = arith.constant 16 : i32
      %scan3A_132 = arith.addi %scan3A_130, %scan3A_131 : i32
      %scan3A_133 = arith.constant 1 : i32
      %scan3A_134 = scf.for %scan3A_147 = %scan3A_130 to %scan3A_132 step %scan3A_133 iter_args(%scan3A_148 = %scan3A_129) -> (i32)  : i32 {
        %mul3A_149 = arith.constant 16 : i32
        %mul3A_150 = arith.muli %scan3A_147, %mul3A_149 : i32
        %scan3A_151 = arith.constant 0 : i32
        %scan3A_152 = arith.constant 4 : i32
        %scan3A_153 = arith.addi %scan3A_151, %scan3A_152 : i32
        %scan3A_154 = arith.constant 1 : i32
        %scan3A_155:14 = scf.for %scan3A_174 = %scan3A_151 to %scan3A_153 step %scan3A_154 iter_args(%scan3A_175 = %broadcast_in_dim3A_9, %scan3A_176 = %broadcast_in_dim3A_9, %scan3A_177 = %broadcast_in_dim3A_9, %scan3A_178 = %broadcast_in_dim3A_9, %scan3A_179 = %broadcast_in_dim3A_9, %scan3A_180 = %broadcast_in_dim3A_9, %scan3A_181 = %broadcast_in_dim3A_9, %scan3A_182 = %broadcast_in_dim3A_9, %scan3A_183 = %broadcast_in_dim3A_9, %scan3A_184 = %broadcast_in_dim3A_9, %scan3A_185 = %broadcast_in_dim3A_9, %scan3A_186 = %broadcast_in_dim3A_9, %scan3A_187 = %broadcast_in_dim3A_9, %scan3A_188 = %broadcast_in_dim3A_9) -> (vector<16xf32>, vector<16xf32>, vector<16xf32>, vector<16xf32>, vector<16xf32>, vector<16xf32>, vector<16xf32>, vector<16xf32>, vector<16xf32>, vector<16xf32>, vector<16xf32>, vector<16xf32>, vector<16xf32>, vector<16xf32>)  : i32 {
          %mul3A_189 = arith.constant 13 : i32
          %mul3A_190 = arith.muli %scan3A_174, %mul3A_189 : i32
          %add3A_191 = arith.constant 0 : i32
          %add3A_192 = arith.addi %mul3A_190, %add3A_191 : i32
          %get3A = arith.index_cast %add3A_192 : i32 to index
          %get3A_193 = arith.index_cast %mul3A_150 : i32 to index
          %get3A_194 = tpu.vector_load %arg8[%get3A, %get3A_193] {strides = array<i32>} : memref<52x256xi32, #tpu.memory_space<vmem>>, vector<16xi32>,
          %mul3A_195 = arith.constant 1000 : i32
          %mul3A_196 = arith.muli %add3A_192, %mul3A_195 : i32
          %add3A_197 = vector.broadcast %mul3A_196 : i32 to vector<16xi32>
          %add3A_198 = arith.addi %get3A_194, %add3A_197 : vector<16xi32>
          %gather3A = tpu.vector_load_idx %arg5[%add3A_198] : memref<52000xf32, #tpu.memory_space<vmem>>[vector<16xi32>], vector<16xf32>,
          %mul3A_199 = arith.constant 13 : i32
          %mul3A_200 = arith.muli %scan3A_174, %mul3A_199 : i32
          %add3A_201 = arith.constant 1 : i32
          %add3A_202 = arith.addi %mul3A_200, %add3A_201 : i32
          %get3A_203 = arith.index_cast %add3A_202 : i32 to index
          %get3A_204 = arith.index_cast %mul3A_150 : i32 to index
          %get3A_205 = tpu.vector_load %arg8[%get3A_203, %get3A_204] {strides = array<i32>} : memref<52x256xi32, #tpu.memory_space<vmem>>, vector<16xi32>,
          %mul3A_206 = arith.constant 1000 : i32
          %mul3A_207 = arith.muli %add3A_202, %mul3A_206 : i32
          %add3A_208 = vector.broadcast %mul3A_207 : i32 to vector<16xi32>
          %add3A_209 = arith.addi %get3A_205, %add3A_208 : vector<16xi32>
          %gather3A_210 = tpu.vector_load_idx %arg5[%add3A_209] : memref<52000xf32, #tpu.memory_space<vmem>>[vector<16xi32>], vector<16xf32>,
          %mul3A_211 = arith.constant 13 : i32
          %mul3A_212 = arith.muli %scan3A_174, %mul3A_211 : i32
          %add3A_213 = arith.constant 2 : i32
          %add3A_214 = arith.addi %mul3A_212, %add3A_213 : i32
          %get3A_215 = arith.index_cast %add3A_214 : i32 to index
          %get3A_216 = arith.index_cast %mul3A_150 : i32 to index
          %get3A_217 = tpu.vector_load %arg8[%get3A_215, %get3A_216] {strides = array<i32>} : memref<52x256xi32, #tpu.memory_space<vmem>>, vector<16xi32>,
          %mul3A_218 = arith.constant 1000 : i32
          %mul3A_219 = arith.muli %add3A_214, %mul3A_218 : i32
          %add3A_220 = vector.broadcast %mul3A_219 : i32 to vector<16xi32>
          %add3A_221 = arith.addi %get3A_217, %add3A_220 : vector<16xi32>
          %gather3A_222 = tpu.vector_load_idx %arg5[%add3A_221] : memref<52000xf32, #tpu.memory_space<vmem>>[vector<16xi32>], vector<16xf32>,
          %mul3A_223 = arith.constant 13 : i32
          %mul3A_224 = arith.muli %scan3A_174, %mul3A_223 : i32
          %add3A_225 = arith.constant 3 : i32
          %add3A_226 = arith.addi %mul3A_224, %add3A_225 : i32
          %get3A_227 = arith.index_cast %add3A_226 : i32 to index
          %get3A_228 = arith.index_cast %mul3A_150 : i32 to index
          %get3A_229 = tpu.vector_load %arg8[%get3A_227, %get3A_228] {strides = array<i32>} : memref<52x256xi32, #tpu.memory_space<vmem>>, vector<16xi32>,
          %mul3A_230 = arith.constant 1000 : i32
          %mul3A_231 = arith.muli %add3A_226, %mul3A_230 : i32
          %add3A_232 = vector.broadcast %mul3A_231 : i32 to vector<16xi32>
          %add3A_233 = arith.addi %get3A_229, %add3A_232 : vector<16xi32>
          %gather3A_234 = tpu.vector_load_idx %arg5[%add3A_233] : memref<52000xf32, #tpu.memory_space<vmem>>[vector<16xi32>], vector<16xf32>,
          %mul3A_235 = arith.constant 13 : i32
          %mul3A_236 = arith.muli %scan3A_174, %mul3A_235 : i32
          %add3A_237 = arith.constant 4 : i32
          %add3A_238 = arith.addi %mul3A_236, %add3A_237 : i32
          %get3A_239 = arith.index_cast %add3A_238 : i32 to index
          %get3A_240 = arith.index_cast %mul3A_150 : i32 to index
          %get3A_241 = tpu.vector_load %arg8[%get3A_239, %get3A_240] {strides = array<i32>} : memref<52x256xi32, #tpu.memory_space<vmem>>, vector<16xi32>,
          %mul3A_242 = arith.constant 1000 : i32
          %mul3A_243 = arith.muli %add3A_238, %mul3A_242 : i32
          %add3A_244 = vector.broadcast %mul3A_243 : i32 to vector<16xi32>
          %add3A_245 = arith.addi %get3A_241, %add3A_244 : vector<16xi32>
          %gather3A_246 = tpu.vector_load_idx %arg5[%add3A_245] : memref<52000xf32, #tpu.memory_space<vmem>>[vector<16xi32>], vector<16xf32>,
          %mul3A_247 = arith.constant 13 : i32
          %mul3A_248 = arith.muli %scan3A_174, %mul3A_247 : i32
          %add3A_249 = arith.constant 5 : i32
          %add3A_250 = arith.addi %mul3A_248, %add3A_249 : i32
          %get3A_251 = arith.index_cast %add3A_250 : i32 to index
          %get3A_252 = arith.index_cast %mul3A_150 : i32 to index
          %get3A_253 = tpu.vector_load %arg8[%get3A_251, %get3A_252] {strides = array<i32>} : memref<52x256xi32, #tpu.memory_space<vmem>>, vector<16xi32>,
          %mul3A_254 = arith.constant 1000 : i32
          %mul3A_255 = arith.muli %add3A_250, %mul3A_254 : i32
          %add3A_256 = vector.broadcast %mul3A_255 : i32 to vector<16xi32>
          %add3A_257 = arith.addi %get3A_253, %add3A_256 : vector<16xi32>
          %gather3A_258 = tpu.vector_load_idx %arg5[%add3A_257] : memref<52000xf32, #tpu.memory_space<vmem>>[vector<16xi32>], vector<16xf32>,
          %mul3A_259 = arith.constant 13 : i32
          %mul3A_260 = arith.muli %scan3A_174, %mul3A_259 : i32
          %add3A_261 = arith.constant 6 : i32
          %add3A_262 = arith.addi %mul3A_260, %add3A_261 : i32
          %get3A_263 = arith.index_cast %add3A_262 : i32 to index
          %get3A_264 = arith.index_cast %mul3A_150 : i32 to index
          %get3A_265 = tpu.vector_load %arg8[%get3A_263, %get3A_264] {strides = array<i32>} : memref<52x256xi32, #tpu.memory_space<vmem>>, vector<16xi32>,
          %mul3A_266 = arith.constant 1000 : i32
          %mul3A_267 = arith.muli %add3A_262, %mul3A_266 : i32
          %add3A_268 = vector.broadcast %mul3A_267 : i32 to vector<16xi32>
          %add3A_269 = arith.addi %get3A_265, %add3A_268 : vector<16xi32>
          %gather3A_270 = tpu.vector_load_idx %arg5[%add3A_269] : memref<52000xf32, #tpu.memory_space<vmem>>[vector<16xi32>], vector<16xf32>,
          %mul3A_271 = arith.constant 13 : i32
          %mul3A_272 = arith.muli %scan3A_174, %mul3A_271 : i32
          %add3A_273 = arith.constant 7 : i32
          %add3A_274 = arith.addi %mul3A_272, %add3A_273 : i32
          %get3A_275 = arith.index_cast %add3A_274 : i32 to index
          %get3A_276 = arith.index_cast %mul3A_150 : i32 to index
          %get3A_277 = tpu.vector_load %arg8[%get3A_275, %get3A_276] {strides = array<i32>} : memref<52x256xi32, #tpu.memory_space<vmem>>, vector<16xi32>,
          %mul3A_278 = arith.constant 1000 : i32
          %mul3A_279 = arith.muli %add3A_274, %mul3A_278 : i32
          %add3A_280 = vector.broadcast %mul3A_279 : i32 to vector<16xi32>
          %add3A_281 = arith.addi %get3A_277, %add3A_280 : vector<16xi32>
          %gather3A_282 = tpu.vector_load_idx %arg5[%add3A_281] : memref<52000xf32, #tpu.memory_space<vmem>>[vector<16xi32>], vector<16xf32>,
          %mul3A_283 = arith.constant 13 : i32
          %mul3A_284 = arith.muli %scan3A_174, %mul3A_283 : i32
          %add3A_285 = arith.constant 8 : i32
          %add3A_286 = arith.addi %mul3A_284, %add3A_285 : i32
          %get3A_287 = arith.index_cast %add3A_286 : i32 to index
          %get3A_288 = arith.index_cast %mul3A_150 : i32 to index
          %get3A_289 = tpu.vector_load %arg8[%get3A_287, %get3A_288] {strides = array<i32>} : memref<52x256xi32, #tpu.memory_space<vmem>>, vector<16xi32>,
          %mul3A_290 = arith.constant 1000 : i32
          %mul3A_291 = arith.muli %add3A_286, %mul3A_290 : i32
          %add3A_292 = vector.broadcast %mul3A_291 : i32 to vector<16xi32>
          %add3A_293 = arith.addi %get3A_289, %add3A_292 : vector<16xi32>
          %gather3A_294 = tpu.vector_load_idx %arg5[%add3A_293] : memref<52000xf32, #tpu.memory_space<vmem>>[vector<16xi32>], vector<16xf32>,
          %mul3A_295 = arith.constant 13 : i32
          %mul3A_296 = arith.muli %scan3A_174, %mul3A_295 : i32
          %add3A_297 = arith.constant 9 : i32
          %add3A_298 = arith.addi %mul3A_296, %add3A_297 : i32
          %get3A_299 = arith.index_cast %add3A_298 : i32 to index
          %get3A_300 = arith.index_cast %mul3A_150 : i32 to index
          %get3A_301 = tpu.vector_load %arg8[%get3A_299, %get3A_300] {strides = array<i32>} : memref<52x256xi32, #tpu.memory_space<vmem>>, vector<16xi32>,
          %mul3A_302 = arith.constant 1000 : i32
          %mul3A_303 = arith.muli %add3A_298, %mul3A_302 : i32
          %add3A_304 = vector.broadcast %mul3A_303 : i32 to vector<16xi32>
          %add3A_305 = arith.addi %get3A_301, %add3A_304 : vector<16xi32>
          %gather3A_306 = tpu.vector_load_idx %arg5[%add3A_305] : memref<52000xf32, #tpu.memory_space<vmem>>[vector<16xi32>], vector<16xf32>,
          %mul3A_307 = arith.constant 13 : i32
          %mul3A_308 = arith.muli %scan3A_174, %mul3A_307 : i32
          %add3A_309 = arith.constant 10 : i32
          %add3A_310 = arith.addi %mul3A_308, %add3A_309 : i32
          %get3A_311 = arith.index_cast %add3A_310 : i32 to index
          %get3A_312 = arith.index_cast %mul3A_150 : i32 to index
          %get3A_313 = tpu.vector_load %arg8[%get3A_311, %get3A_312] {strides = array<i32>} : memref<52x256xi32, #tpu.memory_space<vmem>>, vector<16xi32>,
          %mul3A_314 = arith.constant 1000 : i32
          %mul3A_315 = arith.muli %add3A_310, %mul3A_314 : i32
          %add3A_316 = vector.broadcast %mul3A_315 : i32 to vector<16xi32>
          %add3A_317 = arith.addi %get3A_313, %add3A_316 : vector<16xi32>
          %gather3A_318 = tpu.vector_load_idx %arg5[%add3A_317] : memref<52000xf32, #tpu.memory_space<vmem>>[vector<16xi32>], vector<16xf32>,
          %mul3A_319 = arith.constant 13 : i32
          %mul3A_320 = arith.muli %scan3A_174, %mul3A_319 : i32
          %add3A_321 = arith.constant 11 : i32
          %add3A_322 = arith.addi %mul3A_320, %add3A_321 : i32
          %get3A_323 = arith.index_cast %add3A_322 : i32 to index
          %get3A_324 = arith.index_cast %mul3A_150 : i32 to index
          %get3A_325 = tpu.vector_load %arg8[%get3A_323, %get3A_324] {strides = array<i32>} : memref<52x256xi32, #tpu.memory_space<vmem>>, vector<16xi32>,
          %mul3A_326 = arith.constant 1000 : i32
          %mul3A_327 = arith.muli %add3A_322, %mul3A_326 : i32
          %add3A_328 = vector.broadcast %mul3A_327 : i32 to vector<16xi32>
          %add3A_329 = arith.addi %get3A_325, %add3A_328 : vector<16xi32>
          %gather3A_330 = tpu.vector_load_idx %arg5[%add3A_329] : memref<52000xf32, #tpu.memory_space<vmem>>[vector<16xi32>], vector<16xf32>,
          %mul3A_331 = arith.constant 13 : i32
          %mul3A_332 = arith.muli %scan3A_174, %mul3A_331 : i32
          %add3A_333 = arith.constant 12 : i32
          %add3A_334 = arith.addi %mul3A_332, %add3A_333 : i32
          %get3A_335 = arith.index_cast %add3A_334 : i32 to index
          %get3A_336 = arith.index_cast %mul3A_150 : i32 to index
          %get3A_337 = tpu.vector_load %arg8[%get3A_335, %get3A_336] {strides = array<i32>} : memref<52x256xi32, #tpu.memory_space<vmem>>, vector<16xi32>,
          %mul3A_338 = arith.constant 1000 : i32
          %mul3A_339 = arith.muli %add3A_334, %mul3A_338 : i32
          %add3A_340 = vector.broadcast %mul3A_339 : i32 to vector<16xi32>
          %add3A_341 = arith.addi %get3A_337, %add3A_340 : vector<16xi32>
          %gather3A_342 = tpu.vector_load_idx %arg5[%add3A_341] : memref<52000xf32, #tpu.memory_space<vmem>>[vector<16xi32>], vector<16xf32>,
          %add3A_343 = arith.addf %scan3A_175, %scan3A_176 : vector<16xf32>
          %add3A_344 = arith.addf %add3A_343, %scan3A_177 : vector<16xf32>
          %add3A_345 = arith.addf %add3A_344, %scan3A_178 : vector<16xf32>
          %add3A_346 = arith.addf %add3A_345, %scan3A_179 : vector<16xf32>
          %add3A_347 = arith.addf %add3A_346, %scan3A_180 : vector<16xf32>
          %add3A_348 = arith.addf %add3A_347, %scan3A_181 : vector<16xf32>
          %add3A_349 = arith.addf %add3A_348, %scan3A_182 : vector<16xf32>
          %add3A_350 = arith.addf %add3A_349, %scan3A_183 : vector<16xf32>
          %add3A_351 = arith.addf %add3A_350, %scan3A_184 : vector<16xf32>
          %add3A_352 = arith.addf %add3A_351, %scan3A_185 : vector<16xf32>
          %add3A_353 = arith.addf %add3A_352, %scan3A_186 : vector<16xf32>
          %add3A_354 = arith.addf %add3A_353, %scan3A_187 : vector<16xf32>
          %add3A_355 = arith.addf %add3A_354, %scan3A_188 : vector<16xf32>
          scf.yield %add3A_355, %gather3A, %gather3A_210, %gather3A_222, %gather3A_234, %gather3A_246, %gather3A_258, %gather3A_270, %gather3A_282, %gather3A_294, %gather3A_306, %gather3A_318, %gather3A_330, %gather3A_342 : vector<16xf32>, vector<16xf32>, vector<16xf32>, vector<16xf32>, vector<16xf32>, vector<16xf32>, vector<16xf32>, vector<16xf32>, vector<16xf32>, vector<16xf32>, vector<16xf32>, vector<16xf32>, vector<16xf32>, vector<16xf32>
        }
        %scan3A_156 = arith.constant 4 : i32
        %add3A_157 = arith.addf %scan3A_155#0, %scan3A_155#1 : vector<16xf32>
        %add3A_158 = arith.addf %add3A_157, %scan3A_155#2 : vector<16xf32>
        %add3A_159 = arith.addf %add3A_158, %scan3A_155#3 : vector<16xf32>
        %add3A_160 = arith.addf %add3A_159, %scan3A_155#4 : vector<16xf32>
        %add3A_161 = arith.addf %add3A_160, %scan3A_155#5 : vector<16xf32>
        %add3A_162 = arith.addf %add3A_161, %scan3A_155#6 : vector<16xf32>
        %add3A_163 = arith.addf %add3A_162, %scan3A_155#7 : vector<16xf32>
        %add3A_164 = arith.addf %add3A_163, %scan3A_155#8 : vector<16xf32>
        %add3A_165 = arith.addf %add3A_164, %scan3A_155#9 : vector<16xf32>
        %add3A_166 = arith.addf %add3A_165, %scan3A_155#10 : vector<16xf32>
        %add3A_167 = arith.addf %add3A_166, %scan3A_155#11 : vector<16xf32>
        %add3A_168 = arith.addf %add3A_167, %scan3A_155#12 : vector<16xf32>
        %add3A_169 = arith.addf %add3A_168, %scan3A_155#13 : vector<16xf32>
        %add3A_170 = arith.constant 512 : i32
        %add3A_171 = arith.addi %add3A_170, %mul3A_150 : i32
        %swap3A = arith.index_cast %add3A_171 : i32 to index
        %swap3A_172 = tpu.vector_load %arg10[%swap3A] {strides = array<i32>} : memref<1024xf32, #tpu.memory_space<vmem>>, vector<16xf32>,
        tpu.vector_store %arg10[%swap3A], %add3A_169 {strides = array<i32>} : memref<1024xf32, #tpu.memory_space<vmem>>, vector<16xf32>,
        %scan3A_173 = arith.constant 0 : i32
        scf.yield %scan3A_173 : i32
      }
      %scan3A_135 = arith.constant 16 : i32
      %dma_wait3A_136 = arith.constant 48 : i32
      %dma_wait3A_137 = tpu.memref_slice %arg2[%dma_wait3A_136, %add3A_124] : memref<100x16384xi32, #tpu.memory_space<hbm>> -> memref<52x256xi32, #tpu.memory_space<hbm>>
      %dma_wait3A_138 = arith.constant 48 : i32
      %dma_wait3A_139 = tpu.memref_slice %arg2[%dma_wait3A_138, %add3A_124] : memref<100x16384xi32, #tpu.memory_space<hbm>> -> memref<52x256xi32, #tpu.memory_space<hbm>>
      tpu.wait_dma2 semaphore(%arg14 : memref<!tpu.dma_semaphore, #tpu.memory_space<semaphore_mem>>) src(%dma_wait3A_139 : memref<52x256xi32, #tpu.memory_space<hbm>>) dst(%arg9 : memref<52x256xi32, #tpu.memory_space<vmem>>)
      %scan3A_140 = arith.constant 0 : i32
      %scan3A_141 = arith.constant 0 : i32
      %scan3A_142 = arith.constant 16 : i32
      %scan3A_143 = arith.addi %scan3A_141, %scan3A_142 : i32
      %scan3A_144 = arith.constant 1 : i32
      %scan3A_145 = scf.for %scan3A_147 = %scan3A_141 to %scan3A_143 step %scan3A_144 iter_args(%scan3A_148 = %scan3A_140) -> (i32)  : i32 {
        %mul3A_149 = arith.constant 16 : i32
        %mul3A_150 = arith.muli %scan3A_147, %mul3A_149 : i32
        %scan3A_151 = arith.constant 0 : i32
        %scan3A_152 = arith.constant 4 : i32
        %scan3A_153 = arith.addi %scan3A_151, %scan3A_152 : i32
        %scan3A_154 = arith.constant 1 : i32
        %scan3A_155:14 = scf.for %scan3A_174 = %scan3A_151 to %scan3A_153 step %scan3A_154 iter_args(%scan3A_175 = %broadcast_in_dim3A_9, %scan3A_176 = %broadcast_in_dim3A_9, %scan3A_177 = %broadcast_in_dim3A_9, %scan3A_178 = %broadcast_in_dim3A_9, %scan3A_179 = %broadcast_in_dim3A_9, %scan3A_180 = %broadcast_in_dim3A_9, %scan3A_181 = %broadcast_in_dim3A_9, %scan3A_182 = %broadcast_in_dim3A_9, %scan3A_183 = %broadcast_in_dim3A_9, %scan3A_184 = %broadcast_in_dim3A_9, %scan3A_185 = %broadcast_in_dim3A_9, %scan3A_186 = %broadcast_in_dim3A_9, %scan3A_187 = %broadcast_in_dim3A_9, %scan3A_188 = %broadcast_in_dim3A_9) -> (vector<16xf32>, vector<16xf32>, vector<16xf32>, vector<16xf32>, vector<16xf32>, vector<16xf32>, vector<16xf32>, vector<16xf32>, vector<16xf32>, vector<16xf32>, vector<16xf32>, vector<16xf32>, vector<16xf32>, vector<16xf32>)  : i32 {
          %mul3A_189 = arith.constant 13 : i32
          %mul3A_190 = arith.muli %scan3A_174, %mul3A_189 : i32
          %add3A_191 = arith.constant 0 : i32
          %add3A_192 = arith.addi %mul3A_190, %add3A_191 : i32
          %get3A = arith.index_cast %add3A_192 : i32 to index
          %get3A_193 = arith.index_cast %mul3A_150 : i32 to index
          %get3A_194 = tpu.vector_load %arg9[%get3A, %get3A_193] {strides = array<i32>} : memref<52x256xi32, #tpu.memory_space<vmem>>, vector<16xi32>,
          %mul3A_195 = arith.constant 1000 : i32
          %mul3A_196 = arith.muli %add3A_192, %mul3A_195 : i32
          %add3A_197 = vector.broadcast %mul3A_196 : i32 to vector<16xi32>
          %add3A_198 = arith.addi %get3A_194, %add3A_197 : vector<16xi32>
          %gather3A = tpu.vector_load_idx %arg5[%add3A_198] : memref<52000xf32, #tpu.memory_space<vmem>>[vector<16xi32>], vector<16xf32>,
          %mul3A_199 = arith.constant 13 : i32
          %mul3A_200 = arith.muli %scan3A_174, %mul3A_199 : i32
          %add3A_201 = arith.constant 1 : i32
          %add3A_202 = arith.addi %mul3A_200, %add3A_201 : i32
          %get3A_203 = arith.index_cast %add3A_202 : i32 to index
          %get3A_204 = arith.index_cast %mul3A_150 : i32 to index
          %get3A_205 = tpu.vector_load %arg9[%get3A_203, %get3A_204] {strides = array<i32>} : memref<52x256xi32, #tpu.memory_space<vmem>>, vector<16xi32>,
          %mul3A_206 = arith.constant 1000 : i32
          %mul3A_207 = arith.muli %add3A_202, %mul3A_206 : i32
          %add3A_208 = vector.broadcast %mul3A_207 : i32 to vector<16xi32>
          %add3A_209 = arith.addi %get3A_205, %add3A_208 : vector<16xi32>
          %gather3A_210 = tpu.vector_load_idx %arg5[%add3A_209] : memref<52000xf32, #tpu.memory_space<vmem>>[vector<16xi32>], vector<16xf32>,
          %mul3A_211 = arith.constant 13 : i32
          %mul3A_212 = arith.muli %scan3A_174, %mul3A_211 : i32
          %add3A_213 = arith.constant 2 : i32
          %add3A_214 = arith.addi %mul3A_212, %add3A_213 : i32
          %get3A_215 = arith.index_cast %add3A_214 : i32 to index
          %get3A_216 = arith.index_cast %mul3A_150 : i32 to index
          %get3A_217 = tpu.vector_load %arg9[%get3A_215, %get3A_216] {strides = array<i32>} : memref<52x256xi32, #tpu.memory_space<vmem>>, vector<16xi32>,
          %mul3A_218 = arith.constant 1000 : i32
          %mul3A_219 = arith.muli %add3A_214, %mul3A_218 : i32
          %add3A_220 = vector.broadcast %mul3A_219 : i32 to vector<16xi32>
          %add3A_221 = arith.addi %get3A_217, %add3A_220 : vector<16xi32>
          %gather3A_222 = tpu.vector_load_idx %arg5[%add3A_221] : memref<52000xf32, #tpu.memory_space<vmem>>[vector<16xi32>], vector<16xf32>,
          %mul3A_223 = arith.constant 13 : i32
          %mul3A_224 = arith.muli %scan3A_174, %mul3A_223 : i32
          %add3A_225 = arith.constant 3 : i32
          %add3A_226 = arith.addi %mul3A_224, %add3A_225 : i32
          %get3A_227 = arith.index_cast %add3A_226 : i32 to index
          %get3A_228 = arith.index_cast %mul3A_150 : i32 to index
          %get3A_229 = tpu.vector_load %arg9[%get3A_227, %get3A_228] {strides = array<i32>} : memref<52x256xi32, #tpu.memory_space<vmem>>, vector<16xi32>,
          %mul3A_230 = arith.constant 1000 : i32
          %mul3A_231 = arith.muli %add3A_226, %mul3A_230 : i32
          %add3A_232 = vector.broadcast %mul3A_231 : i32 to vector<16xi32>
          %add3A_233 = arith.addi %get3A_229, %add3A_232 : vector<16xi32>
          %gather3A_234 = tpu.vector_load_idx %arg5[%add3A_233] : memref<52000xf32, #tpu.memory_space<vmem>>[vector<16xi32>], vector<16xf32>,
          %mul3A_235 = arith.constant 13 : i32
          %mul3A_236 = arith.muli %scan3A_174, %mul3A_235 : i32
          %add3A_237 = arith.constant 4 : i32
          %add3A_238 = arith.addi %mul3A_236, %add3A_237 : i32
          %get3A_239 = arith.index_cast %add3A_238 : i32 to index
          %get3A_240 = arith.index_cast %mul3A_150 : i32 to index
          %get3A_241 = tpu.vector_load %arg9[%get3A_239, %get3A_240] {strides = array<i32>} : memref<52x256xi32, #tpu.memory_space<vmem>>, vector<16xi32>,
          %mul3A_242 = arith.constant 1000 : i32
          %mul3A_243 = arith.muli %add3A_238, %mul3A_242 : i32
          %add3A_244 = vector.broadcast %mul3A_243 : i32 to vector<16xi32>
          %add3A_245 = arith.addi %get3A_241, %add3A_244 : vector<16xi32>
          %gather3A_246 = tpu.vector_load_idx %arg5[%add3A_245] : memref<52000xf32, #tpu.memory_space<vmem>>[vector<16xi32>], vector<16xf32>,
          %mul3A_247 = arith.constant 13 : i32
          %mul3A_248 = arith.muli %scan3A_174, %mul3A_247 : i32
          %add3A_249 = arith.constant 5 : i32
          %add3A_250 = arith.addi %mul3A_248, %add3A_249 : i32
          %get3A_251 = arith.index_cast %add3A_250 : i32 to index
          %get3A_252 = arith.index_cast %mul3A_150 : i32 to index
          %get3A_253 = tpu.vector_load %arg9[%get3A_251, %get3A_252] {strides = array<i32>} : memref<52x256xi32, #tpu.memory_space<vmem>>, vector<16xi32>,
          %mul3A_254 = arith.constant 1000 : i32
          %mul3A_255 = arith.muli %add3A_250, %mul3A_254 : i32
          %add3A_256 = vector.broadcast %mul3A_255 : i32 to vector<16xi32>
          %add3A_257 = arith.addi %get3A_253, %add3A_256 : vector<16xi32>
          %gather3A_258 = tpu.vector_load_idx %arg5[%add3A_257] : memref<52000xf32, #tpu.memory_space<vmem>>[vector<16xi32>], vector<16xf32>,
          %mul3A_259 = arith.constant 13 : i32
          %mul3A_260 = arith.muli %scan3A_174, %mul3A_259 : i32
          %add3A_261 = arith.constant 6 : i32
          %add3A_262 = arith.addi %mul3A_260, %add3A_261 : i32
          %get3A_263 = arith.index_cast %add3A_262 : i32 to index
          %get3A_264 = arith.index_cast %mul3A_150 : i32 to index
          %get3A_265 = tpu.vector_load %arg9[%get3A_263, %get3A_264] {strides = array<i32>} : memref<52x256xi32, #tpu.memory_space<vmem>>, vector<16xi32>,
          %mul3A_266 = arith.constant 1000 : i32
          %mul3A_267 = arith.muli %add3A_262, %mul3A_266 : i32
          %add3A_268 = vector.broadcast %mul3A_267 : i32 to vector<16xi32>
          %add3A_269 = arith.addi %get3A_265, %add3A_268 : vector<16xi32>
          %gather3A_270 = tpu.vector_load_idx %arg5[%add3A_269] : memref<52000xf32, #tpu.memory_space<vmem>>[vector<16xi32>], vector<16xf32>,
          %mul3A_271 = arith.constant 13 : i32
          %mul3A_272 = arith.muli %scan3A_174, %mul3A_271 : i32
          %add3A_273 = arith.constant 7 : i32
          %add3A_274 = arith.addi %mul3A_272, %add3A_273 : i32
          %get3A_275 = arith.index_cast %add3A_274 : i32 to index
          %get3A_276 = arith.index_cast %mul3A_150 : i32 to index
          %get3A_277 = tpu.vector_load %arg9[%get3A_275, %get3A_276] {strides = array<i32>} : memref<52x256xi32, #tpu.memory_space<vmem>>, vector<16xi32>,
          %mul3A_278 = arith.constant 1000 : i32
          %mul3A_279 = arith.muli %add3A_274, %mul3A_278 : i32
          %add3A_280 = vector.broadcast %mul3A_279 : i32 to vector<16xi32>
          %add3A_281 = arith.addi %get3A_277, %add3A_280 : vector<16xi32>
          %gather3A_282 = tpu.vector_load_idx %arg5[%add3A_281] : memref<52000xf32, #tpu.memory_space<vmem>>[vector<16xi32>], vector<16xf32>,
          %mul3A_283 = arith.constant 13 : i32
          %mul3A_284 = arith.muli %scan3A_174, %mul3A_283 : i32
          %add3A_285 = arith.constant 8 : i32
          %add3A_286 = arith.addi %mul3A_284, %add3A_285 : i32
          %get3A_287 = arith.index_cast %add3A_286 : i32 to index
          %get3A_288 = arith.index_cast %mul3A_150 : i32 to index
          %get3A_289 = tpu.vector_load %arg9[%get3A_287, %get3A_288] {strides = array<i32>} : memref<52x256xi32, #tpu.memory_space<vmem>>, vector<16xi32>,
          %mul3A_290 = arith.constant 1000 : i32
          %mul3A_291 = arith.muli %add3A_286, %mul3A_290 : i32
          %add3A_292 = vector.broadcast %mul3A_291 : i32 to vector<16xi32>
          %add3A_293 = arith.addi %get3A_289, %add3A_292 : vector<16xi32>
          %gather3A_294 = tpu.vector_load_idx %arg5[%add3A_293] : memref<52000xf32, #tpu.memory_space<vmem>>[vector<16xi32>], vector<16xf32>,
          %mul3A_295 = arith.constant 13 : i32
          %mul3A_296 = arith.muli %scan3A_174, %mul3A_295 : i32
          %add3A_297 = arith.constant 9 : i32
          %add3A_298 = arith.addi %mul3A_296, %add3A_297 : i32
          %get3A_299 = arith.index_cast %add3A_298 : i32 to index
          %get3A_300 = arith.index_cast %mul3A_150 : i32 to index
          %get3A_301 = tpu.vector_load %arg9[%get3A_299, %get3A_300] {strides = array<i32>} : memref<52x256xi32, #tpu.memory_space<vmem>>, vector<16xi32>,
          %mul3A_302 = arith.constant 1000 : i32
          %mul3A_303 = arith.muli %add3A_298, %mul3A_302 : i32
          %add3A_304 = vector.broadcast %mul3A_303 : i32 to vector<16xi32>
          %add3A_305 = arith.addi %get3A_301, %add3A_304 : vector<16xi32>
          %gather3A_306 = tpu.vector_load_idx %arg5[%add3A_305] : memref<52000xf32, #tpu.memory_space<vmem>>[vector<16xi32>], vector<16xf32>,
          %mul3A_307 = arith.constant 13 : i32
          %mul3A_308 = arith.muli %scan3A_174, %mul3A_307 : i32
          %add3A_309 = arith.constant 10 : i32
          %add3A_310 = arith.addi %mul3A_308, %add3A_309 : i32
          %get3A_311 = arith.index_cast %add3A_310 : i32 to index
          %get3A_312 = arith.index_cast %mul3A_150 : i32 to index
          %get3A_313 = tpu.vector_load %arg9[%get3A_311, %get3A_312] {strides = array<i32>} : memref<52x256xi32, #tpu.memory_space<vmem>>, vector<16xi32>,
          %mul3A_314 = arith.constant 1000 : i32
          %mul3A_315 = arith.muli %add3A_310, %mul3A_314 : i32
          %add3A_316 = vector.broadcast %mul3A_315 : i32 to vector<16xi32>
          %add3A_317 = arith.addi %get3A_313, %add3A_316 : vector<16xi32>
          %gather3A_318 = tpu.vector_load_idx %arg5[%add3A_317] : memref<52000xf32, #tpu.memory_space<vmem>>[vector<16xi32>], vector<16xf32>,
          %mul3A_319 = arith.constant 13 : i32
          %mul3A_320 = arith.muli %scan3A_174, %mul3A_319 : i32
          %add3A_321 = arith.constant 11 : i32
          %add3A_322 = arith.addi %mul3A_320, %add3A_321 : i32
          %get3A_323 = arith.index_cast %add3A_322 : i32 to index
          %get3A_324 = arith.index_cast %mul3A_150 : i32 to index
          %get3A_325 = tpu.vector_load %arg9[%get3A_323, %get3A_324] {strides = array<i32>} : memref<52x256xi32, #tpu.memory_space<vmem>>, vector<16xi32>,
          %mul3A_326 = arith.constant 1000 : i32
          %mul3A_327 = arith.muli %add3A_322, %mul3A_326 : i32
          %add3A_328 = vector.broadcast %mul3A_327 : i32 to vector<16xi32>
          %add3A_329 = arith.addi %get3A_325, %add3A_328 : vector<16xi32>
          %gather3A_330 = tpu.vector_load_idx %arg5[%add3A_329] : memref<52000xf32, #tpu.memory_space<vmem>>[vector<16xi32>], vector<16xf32>,
          %mul3A_331 = arith.constant 13 : i32
          %mul3A_332 = arith.muli %scan3A_174, %mul3A_331 : i32
          %add3A_333 = arith.constant 12 : i32
          %add3A_334 = arith.addi %mul3A_332, %add3A_333 : i32
          %get3A_335 = arith.index_cast %add3A_334 : i32 to index
          %get3A_336 = arith.index_cast %mul3A_150 : i32 to index
          %get3A_337 = tpu.vector_load %arg9[%get3A_335, %get3A_336] {strides = array<i32>} : memref<52x256xi32, #tpu.memory_space<vmem>>, vector<16xi32>,
          %mul3A_338 = arith.constant 1000 : i32
          %mul3A_339 = arith.muli %add3A_334, %mul3A_338 : i32
          %add3A_340 = vector.broadcast %mul3A_339 : i32 to vector<16xi32>
          %add3A_341 = arith.addi %get3A_337, %add3A_340 : vector<16xi32>
          %gather3A_342 = tpu.vector_load_idx %arg5[%add3A_341] : memref<52000xf32, #tpu.memory_space<vmem>>[vector<16xi32>], vector<16xf32>,
          %add3A_343 = arith.addf %scan3A_175, %scan3A_176 : vector<16xf32>
          %add3A_344 = arith.addf %add3A_343, %scan3A_177 : vector<16xf32>
          %add3A_345 = arith.addf %add3A_344, %scan3A_178 : vector<16xf32>
          %add3A_346 = arith.addf %add3A_345, %scan3A_179 : vector<16xf32>
          %add3A_347 = arith.addf %add3A_346, %scan3A_180 : vector<16xf32>
          %add3A_348 = arith.addf %add3A_347, %scan3A_181 : vector<16xf32>
          %add3A_349 = arith.addf %add3A_348, %scan3A_182 : vector<16xf32>
          %add3A_350 = arith.addf %add3A_349, %scan3A_183 : vector<16xf32>
          %add3A_351 = arith.addf %add3A_350, %scan3A_184 : vector<16xf32>
          %add3A_352 = arith.addf %add3A_351, %scan3A_185 : vector<16xf32>
          %add3A_353 = arith.addf %add3A_352, %scan3A_186 : vector<16xf32>
          %add3A_354 = arith.addf %add3A_353, %scan3A_187 : vector<16xf32>
          %add3A_355 = arith.addf %add3A_354, %scan3A_188 : vector<16xf32>
          scf.yield %add3A_355, %gather3A, %gather3A_210, %gather3A_222, %gather3A_234, %gather3A_246, %gather3A_258, %gather3A_270, %gather3A_282, %gather3A_294, %gather3A_306, %gather3A_318, %gather3A_330, %gather3A_342 : vector<16xf32>, vector<16xf32>, vector<16xf32>, vector<16xf32>, vector<16xf32>, vector<16xf32>, vector<16xf32>, vector<16xf32>, vector<16xf32>, vector<16xf32>, vector<16xf32>, vector<16xf32>, vector<16xf32>, vector<16xf32>
        }
        %scan3A_156 = arith.constant 4 : i32
        %add3A_157 = arith.addf %scan3A_155#0, %scan3A_155#1 : vector<16xf32>
        %add3A_158 = arith.addf %add3A_157, %scan3A_155#2 : vector<16xf32>
        %add3A_159 = arith.addf %add3A_158, %scan3A_155#3 : vector<16xf32>
        %add3A_160 = arith.addf %add3A_159, %scan3A_155#4 : vector<16xf32>
        %add3A_161 = arith.addf %add3A_160, %scan3A_155#5 : vector<16xf32>
        %add3A_162 = arith.addf %add3A_161, %scan3A_155#6 : vector<16xf32>
        %add3A_163 = arith.addf %add3A_162, %scan3A_155#7 : vector<16xf32>
        %add3A_164 = arith.addf %add3A_163, %scan3A_155#8 : vector<16xf32>
        %add3A_165 = arith.addf %add3A_164, %scan3A_155#9 : vector<16xf32>
        %add3A_166 = arith.addf %add3A_165, %scan3A_155#10 : vector<16xf32>
        %add3A_167 = arith.addf %add3A_166, %scan3A_155#11 : vector<16xf32>
        %add3A_168 = arith.addf %add3A_167, %scan3A_155#12 : vector<16xf32>
        %add3A_169 = arith.addf %add3A_168, %scan3A_155#13 : vector<16xf32>
        %add3A_170 = arith.constant 768 : i32
        %add3A_171 = arith.addi %add3A_170, %mul3A_150 : i32
        %swap3A = arith.index_cast %add3A_171 : i32 to index
        %swap3A_172 = tpu.vector_load %arg10[%swap3A] {strides = array<i32>} : memref<1024xf32, #tpu.memory_space<vmem>>, vector<16xf32>,
        tpu.vector_store %arg10[%swap3A], %add3A_169 {strides = array<i32>} : memref<1024xf32, #tpu.memory_space<vmem>>, vector<16xf32>,
        %scan3A_173 = arith.constant 0 : i32
        scf.yield %scan3A_173 : i32
      }
      %scan3A_146 = arith.constant 16 : i32
    } else {
    }
    %barrier3A = arith.constant 0 : index
    tpu.barrier barrier_id(%barrier3A)
    %mul3A_43 = arith.constant 512 : i32
    %mul3A_44 = arith.muli %arg1, %mul3A_43 : i32
    %dma_start3A = arith.constant 0 : i32
    %dma_start3A_45 = tpu.memref_slice %arg10[%dma_start3A] : memref<1024xf32, #tpu.memory_space<vmem>> -> memref<512xf32, #tpu.memory_space<vmem>>
    %dma_start3A_46 = tpu.memref_slice %arg11[%mul3A_44] : memref<8192xf32, #tpu.memory_space<vmem_shared>> -> memref<512xf32, #tpu.memory_space<vmem_shared>>
    %dma_start3A_47 = arith.constant 0 : i32
    %dma_start3A_48 = tpu.memref_slice %arg10[%dma_start3A_47] : memref<1024xf32, #tpu.memory_space<vmem>> -> memref<512xf32, #tpu.memory_space<vmem>>
    %dma_start3A_49 = tpu.memref_slice %arg11[%mul3A_44] : memref<8192xf32, #tpu.memory_space<vmem_shared>> -> memref<512xf32, #tpu.memory_space<vmem_shared>>
    tpu.enqueue_dma source(%dma_start3A_49 : memref<512xf32, #tpu.memory_space<vmem_shared>>) target(%dma_start3A_48 : memref<512xf32, #tpu.memory_space<vmem>>) target_semaphore(%arg15 : memref<!tpu.dma_semaphore, #tpu.memory_space<semaphore_mem>>)
    %dma_wait3A = arith.constant 0 : i32
    %dma_wait3A_50 = tpu.memref_slice %arg10[%dma_wait3A] : memref<1024xf32, #tpu.memory_space<vmem>> -> memref<512xf32, #tpu.memory_space<vmem>>
    %dma_wait3A_51 = tpu.memref_slice %arg11[%mul3A_44] : memref<8192xf32, #tpu.memory_space<vmem_shared>> -> memref<512xf32, #tpu.memory_space<vmem_shared>>
    %dma_wait3A_52 = arith.constant 0 : i32
    %dma_wait3A_53 = tpu.memref_slice %arg10[%dma_wait3A_52] : memref<1024xf32, #tpu.memory_space<vmem>> -> memref<512xf32, #tpu.memory_space<vmem>>
    %dma_wait3A_54 = tpu.memref_slice %arg11[%mul3A_44] : memref<8192xf32, #tpu.memory_space<vmem_shared>> -> memref<512xf32, #tpu.memory_space<vmem_shared>>
    tpu.wait_dma2 semaphore(%arg15 : memref<!tpu.dma_semaphore, #tpu.memory_space<semaphore_mem>>) src(%dma_wait3A_54 : memref<512xf32, #tpu.memory_space<vmem_shared>>) dst(%dma_wait3A_53 : memref<512xf32, #tpu.memory_space<vmem>>)
    %scan3A = arith.constant 0 : i32
    %scan3A_55 = arith.constant 0 : i32
    %scan3A_56 = arith.constant 32 : i32
    %scan3A_57 = arith.addi %scan3A_55, %scan3A_56 : i32
    %scan3A_58 = arith.constant 1 : i32
    %scan3A_59 = scf.for %scan3A_61 = %scan3A_55 to %scan3A_57 step %scan3A_58 iter_args(%scan3A_62 = %scan3A) -> (i32)  : i32 {
      %mul3A_63 = arith.constant 16 : i32
      %mul3A_64 = arith.muli %scan3A_61, %mul3A_63 : i32
      %get3A = arith.index_cast %mul3A_64 : i32 to index
      %get3A_65 = tpu.vector_load %arg10[%get3A] {strides = array<i32>} : memref<1024xf32, #tpu.memory_space<vmem>>, vector<16xf32>,
      %add3A_66 = arith.constant 512 : i32
      %add3A_67 = arith.addi %add3A_66, %mul3A_64 : i32
      %get3A_68 = arith.index_cast %add3A_67 : i32 to index
      %get3A_69 = tpu.vector_load %arg10[%get3A_68] {strides = array<i32>} : memref<1024xf32, #tpu.memory_space<vmem>>, vector<16xf32>,
      %add3A_70 = arith.addf %get3A_65, %get3A_69 : vector<16xf32>
      %swap3A = arith.index_cast %mul3A_64 : i32 to index
      %swap3A_71 = tpu.vector_load %arg10[%swap3A] {strides = array<i32>} : memref<1024xf32, #tpu.memory_space<vmem>>, vector<16xf32>,
      tpu.vector_store %arg10[%swap3A], %add3A_70 {strides = array<i32>} : memref<1024xf32, #tpu.memory_space<vmem>>, vector<16xf32>,
      %scan3A_72 = arith.constant 0 : i32
      scf.yield %scan3A_72 : i32
    }
    %scan3A_60 = arith.constant 32 : i32
    "tpu.region"() ({
      %run_scoped3A = tpu.sem_alloc : memref<!tpu.dma_semaphore, #tpu.memory_space<semaphore_mem>>
      %dma_start3A_61 = arith.constant 0 : i32
      %dma_start3A_62 = tpu.memref_slice %arg10[%dma_start3A_61] : memref<1024xf32, #tpu.memory_space<vmem>> -> memref<512xf32, #tpu.memory_space<vmem>>
      %dma_start3A_63 = tpu.memref_slice %arg4[%mul3A_6] : memref<16384xf32, #tpu.memory_space<hbm>> -> memref<512xf32, #tpu.memory_space<hbm>>
      %dma_start3A_64 = tpu.memref_slice %arg4[%mul3A_6] : memref<16384xf32, #tpu.memory_space<hbm>> -> memref<512xf32, #tpu.memory_space<hbm>>
      %dma_start3A_65 = arith.constant 0 : i32
      %dma_start3A_66 = tpu.memref_slice %arg10[%dma_start3A_65] : memref<1024xf32, #tpu.memory_space<vmem>> -> memref<512xf32, #tpu.memory_space<vmem>>
      tpu.enqueue_dma source(%dma_start3A_66 : memref<512xf32, #tpu.memory_space<vmem>>) target(%dma_start3A_64 : memref<512xf32, #tpu.memory_space<hbm>>) target_semaphore(%run_scoped3A : memref<!tpu.dma_semaphore, #tpu.memory_space<semaphore_mem>>)
      %dma_wait3A_67 = arith.constant 0 : i32
      %dma_wait3A_68 = tpu.memref_slice %arg10[%dma_wait3A_67] : memref<1024xf32, #tpu.memory_space<vmem>> -> memref<512xf32, #tpu.memory_space<vmem>>
      %dma_wait3A_69 = tpu.memref_slice %arg4[%mul3A_6] : memref<16384xf32, #tpu.memory_space<hbm>> -> memref<512xf32, #tpu.memory_space<hbm>>
      %dma_wait3A_70 = tpu.memref_slice %arg4[%mul3A_6] : memref<16384xf32, #tpu.memory_space<hbm>> -> memref<512xf32, #tpu.memory_space<hbm>>
      %dma_wait3A_71 = arith.constant 0 : i32
      %dma_wait3A_72 = tpu.memref_slice %arg10[%dma_wait3A_71] : memref<1024xf32, #tpu.memory_space<vmem>> -> memref<512xf32, #tpu.memory_space<vmem>>
      tpu.wait_dma2 semaphore(%run_scoped3A : memref<!tpu.dma_semaphore, #tpu.memory_space<semaphore_mem>>) src(%dma_wait3A_72 : memref<512xf32, #tpu.memory_space<vmem>>) dst(%dma_wait3A_70 : memref<512xf32, #tpu.memory_space<hbm>>)
      tpu.yield
    }) : () -> ()
    return
  }
}

</mosaic_0001>

<sc_bundles>
// kernel: kernel.3.cloned.1.call-start
scs
__scs_entry_jumppad:
0x0: {  	(pc) =	sbr.rel $0x88, $3  }
0x1: {  	(tag) =	ssettag $0x0;
	lr =	simm.s32 $0x1  }
0x2: {  	[smem:$0x3F9F] =	sst lr;
	_ =	strace $0xD0000000  }
0x3: {  	_ = 	snop  }
0x4: {  	_ = 	snop  }
0x5: {  	_ = 	snop  }
0x6: {  	_ = 	snop  }
0x7: {  	_ = 	snop  }
__scs_overlays_trampoline_lowered:
0x8: {  	[smem:$0x3FAE] =	sst s0  }
0x9: {  	[smem:$0x3FAF] =	sst s1  }
0xa: {  	[smem:$0x3FB0] =	sst s2  }
0xb: {  	[smem:$0x3FB1] =	sst s3  }
0xc: {  	[smem:$0x3FB2] =	sst s4  }
0xd: {  	[smem:$0x3FB3] =	sst s5  }
0xe: {  	[smem:$0x3FB4] =	sst s6  }
0xf: {  	[smem:$0x3FB5] =	sst s7  }
0x10: {  	[smem:$0x3FB6] =	sst s8  }
0x11: {  	[smem:$0x3FB7] =	sst s9;
	s0 =	simm.s32 @!p0 $0x0  }
0x12: {  	s1 =	sld [smem:$0x3F9D];
	s0 =	simm.s32 @p0 $0x1  }
0x13: {  	[smem:$0x3FB8] =	sst s0;
	s0 =	simm.s32 @!p1 $0x0  }
0x14: {  	s2 =	sld [smem:$0x3F9C];
	s0 =	simm.s32 @p1 $0x1  }
0x15: {  	[smem:$0x3FB9] =	sst s0;
	s0 =	simm.s32 @!p2 $0x0  }
0x16: {  	s3 =	sld [smem:$0x3FDB];
	s0 =	simm.s32 @p2 $0x1  }
0x17: {  	s4 =	simm.s32 $0x1BF5;
	[smem:$0x3FBB] =	sst s0  }
0x18: {  	s0 =	sld [smem:$0x3F9E];
	_ =	swait.ge [sflag:s4], $0x0  }
0x19: {  	s7 =	sld [smem:$0x3F9F]  }
0x1a: {  	s8 =	sadd.s32 $0xFFFFE003, lr  }
0x1b: {  	s9 =	sadd.s32 $0xFFFFFEF7, lr;
	s5 =	simm.s32 $0xFFFFFFFF;
	p2 =	slt.u32 s8, $0xFFFFF086  }
0x1c: {  	p1 =	slt.u32 s9, $0xF7A;
	s5 =	simm.s32 @!p2 $0x0  }
0x1d: {  	s5 =	simm.s32 @p1 $0x1;
	p0 =	seq.s32 s7, s2  }
0x1e: {  	s7 =	smul.u32 @!p0 $0xF7A, s2;
	p2 =	seq.s32 @!p0 s5, $0x0  }
0x1f: {  	s9 =	smul.u32 $0xF7A, s1;
	s8 =	simm.s32 @!p0 $0x1BF5;
	p2 =	por !p2, p0  }
0x20: {  	[sflag:s8] =	ssyncset.s32 @!p0 $0xFFFFF086;
	s6 =	sadd.s32 @!p0 s3, s7;
	s7 =	simm.s32 @!p0 $0x108  }
0x21: {  	s3 =	sadd.s32 s3, s9;
	s6 =	sadd.s32 @!p0 $0x88, s6;
	s7 =	simm.s32 @p2 $0x1082  }
0x22: {  	[simem:s7], [sflag:s8] =	dma.local @!p0 [hbm:s6], $0xF7A  }
0x23: {  	s9 =	sor.u32 $0xD0000000, s2;
	s6 =	simm.s32 $0x108;
	_ =	swait.ge @!p0 [sflag:s8], $0x0  }
0x24: {  	s3 =	sadd.s32 $0x88, s3;
	s6 =	simm.s32 @!p1 $0x1082;
	[sflag:s4] =	ssyncset.s32 $0xFFFFF086  }
0x25: {  	[simem:s6], [sflag:s4] =	dma.local [hbm:s3], $0xF7A  }
0x26: {  	[smem:$0x3F9F] =	sst s1;
	(tag) =	ssettag s2;
	_ =	strace s9  }
0x27: {  	s1 =	sld [smem:$0x3FAF]  }
0x28: {  	s2 =	sld [smem:$0x3FB0]  }
0x29: {  	s4 =	sld [smem:$0x3FB2]  }
0x2a: {  	p0 =	seq.s32 s5, $0x0;
	s5 =	sld [smem:$0x3FB3]  }
0x2b: {  	s6 =	sld [smem:$0x3FB4]  }
0x2c: {  	s7 =	sld [smem:$0x3FB5]  }
0x2d: {  	s3 =	simm.s32 $0x108;
	s8 =	sld [smem:$0x3FB6]  }
0x2e: {  	s3 =	simm.s32 @!p0 $0x1082;
	s9 =	sld [smem:$0x3FB7]  }
0x2f: {  	lr =	sadd.s32 s0, s3;
	s0 =	sld [smem:$0x3FAE]  }
0x30: {  	s3 =	sld [smem:$0x3FB1]  }
0x31: {  	[smem:$0x3FBA] =	sst s10  }
0x32: {  	s10 =	sld [smem:$0x3FB8];
	_ =	sdelay $0x3  }
0x33: {  	p0 =	seq.s32 s10, $0x1;
	s10 =	sld [smem:$0x3FBA];
	_ =	sdelay $0x3  }
0x34: {  	[smem:$0x3FBA] =	sst s10  }
0x35: {  	s10 =	sld [smem:$0x3FB9];
	_ =	sdelay $0x3  }
0x36: {  	p1 =	seq.s32 s10, $0x1;
	s10 =	sld [smem:$0x3FBA];
	_ =	sdelay $0x3  }
0x37: {  	[smem:$0x3FBA] =	sst s10  }
0x38: {  	s10 =	sld [smem:$0x3FBB]  }
0x39: {  	_ = 	snop;
	(pc) =	sbr.ind lr, $3  }
0x3a: {  	_ = 	snop  }
0x3b: {  	_ = 	snop  }
0x3c: {  	p2 =	seq.s32 s10, $0x1;
	s10 =	sld [smem:$0x3FBA]  }
0x3d: {  	_ =	shalt  }
0x3e: {  	_ =	shalt  }
0x3f: {  	_ =	shalt  }
0x40: {  	_ =	shalt  }
0x41: {  	_ =	shalt  }
0x42: {  	_ =	shalt  }
0x43: {  	_ =	shalt  }
0x44: {  	_ =	shalt  }
0x45: {  	_ =	shalt  }
0x46: {  	_ =	shalt  }
0x47: {  	_ =	shalt  }
0x48: {  	_ =	shalt  }
0x49: {  	_ =	shalt  }
0x4a: {  	_ =	shalt  }
0x4b: {  	_ =	shalt  }
0x4c: {  	_ =	shalt  }
0x4d: {  	_ =	shalt  }
0x4e: {  	_ =	shalt  }
0x4f: {  	_ =	shalt  }
0x50: {  	_ =	shalt  }
0x51: {  	_ =	shalt  }
0x52: {  	_ =	shalt  }
0x53: {  	_ =	shalt  }
0x54: {  	_ =	shalt  }
0x55: {  	_ =	shalt  }
0x56: {  	_ =	shalt  }
0x57: {  	_ =	shalt  }
0x58: {  	_ =	shalt  }
0x59: {  	_ =	shalt  }
0x5a: {  	_ =	shalt  }
0x5b: {  	_ =	shalt  }
0x5c: {  	_ =	shalt  }
0x5d: {  	_ =	shalt  }
0x5e: {  	_ =	shalt  }
0x5f: {  	_ =	shalt  }
0x60: {  	_ =	shalt  }
0x61: {  	_ =	shalt  }
0x62: {  	_ =	shalt  }
0x63: {  	_ =	shalt  }
0x64: {  	_ =	shalt  }
0x65: {  	_ =	shalt  }
0x66: {  	_ =	shalt  }
0x67: {  	_ =	shalt  }
0x68: {  	_ =	shalt  }
0x69: {  	_ =	shalt  }
0x6a: {  	_ =	shalt  }
0x6b: {  	_ =	shalt  }
0x6c: {  	_ =	shalt  }
0x6d: {  	_ =	shalt  }
0x6e: {  	_ =	shalt  }
0x6f: {  	_ =	shalt  }
0x70: {  	_ =	shalt  }
0x71: {  	_ =	shalt  }
0x72: {  	_ =	shalt  }
0x73: {  	_ =	shalt  }
0x74: {  	_ =	shalt  }
0x75: {  	_ =	shalt  }
0x76: {  	_ =	shalt  }
0x77: {  	_ =	shalt  }
0x78: {  	_ =	shalt  }
0x79: {  	_ =	shalt  }
0x7a: {  	_ =	shalt  }
0x7b: {  	_ =	shalt  }
0x7c: {  	_ =	shalt  }
0x7d: {  	_ =	shalt  }
0x7e: {  	_ =	shalt  }
0x7f: {  	_ =	shalt  }
0x80: {  	_ =	shalt  }
0x81: {  	_ =	shalt  }
0x82: {  	_ =	shalt  }
0x83: {  	_ =	shalt  }
0x84: {  	_ =	shalt  }
0x85: {  	_ =	shalt  }
0x86: {  	_ =	shalt  }
0x87: {  	_ =	shalt  }
.Lfunc_end0:
.L_simem_size_0:
called_computation_lowered:
.L_overlay_start_0:
0x88: {  	s2 =	sld [smem:$0x3FD9]  }
0x89: {  	s3 =	sld [smem:$0x3FFE];
	_ =	sdelay $0x1  }
0x8a: {  	s1 =	srdreg.scid  }
0x8b: {  	s0 =	sand.u32 $0x1, s1  }
0x8c: {  	s17 =	sshll.u32 s0, $0xA;
	s2 =	sadd.s32 s3, s2  }
0x8d: {  	s2 =	sadd.s32 s2, s17  }
0x8e: {  	[smem:$0x3FC6] =	sst s2  }
0x8f: {  	_ = 	snop  }
0x90: {  	s2 =	sld [smem:$0x3FC9]  }
0x91: {  	s18 =	sld [smem:$0x3FD0];
	(tm) =	ssettm $0x1  }
0x92: {  	s4 =	sld [smem:$0x3FFB];
	_ =	sdelay $0x3  }
0x93: {  	_ =	strace s4  }
0x94: {  	s4 =	sld [smem:$0x3FFC];
	_ =	sdelay $0x3  }
0x95: {  	_ =	strace s4  }
0x96: {  	s4 =	sld [smem:$0x3FFD];
	_ =	sdelay $0x3  }
0x97: {  	_ =	strace s4  }
0x98: {  	_ =	strace $0x8FFFFFFF  }
0x99: {  	s19 =	sld [smem:$0x3FDB];
	_ =	sdelay $0x1  }
0x9a: {  	s5 =	simm.s32 $_scs_section_size  }
0x9b: {  	s6 =	simm.s32 $_size__tile_overlayer_lowered;
	s7 =	simm.s32 $_tile_overlayer_lowered  }
0x9c: {  	s22 =	simm.s32 $0x1BFF;
	s21 =	sshll.u32 s7, $0x1;
	s4 =	sadd.s32 s5, s19  }
0x9d: {  	s8 =	simm.s32 $0x0;
	s20 =	sshll.u32 s6, $0x1;
	s6 =	sadd.s32 s21, s4  }
0x9e: {  	[timem:s8], [sflag:s22] =	dma.local [hbm:s6], s20  }
0x9f: {  	_ =	swait.ge [sflag:s22], s20  }
0xa0: {  	s5 =	ssub.s32 $0x0, s20;
	[sflag:s22] =	ssyncset.done $0x0  }
0xa1: {  	[sflag:s22] =	ssyncadd.s32 s5;
	_ =	sdelay $0x1  }
0xa2: {  	s23 =	simm.s32 $0x1B8B  }
0xa3: {  	_ =	swait.ge [sflag:s23], $0x1  }
0xa4: {  	[sflag:s23] =	ssyncset.done $0x0  }
0xa5: {  	s25 =	simm.s32 $0x1B8E;
	s24 =	sld [smem:$0x3FFE];
	[sflag:s23] =	ssyncadd.s32 $0xFFFFFFFF  }
0xa6: {  	s26 =	simm.s32 $execute0_lowered;
	[smem:$0x3FD2] =	sst s25  }
0xa7: {  	s6 =	sshll.u32 s26, $0x1;
	_ =	strace $0x80000046;
	[dreg:$0x1] =	wrdreg $0xFFFFFFFF  }
0xa8: {  	s28 =	simm.s32 $_size_execute0_lowered;
	s4 =	sadd.s32 s4, s6;
	[dreg:$0x0] =	wrdreg $0x0  }
0xa9: {  	s6 =	sshll.u32 s28, $0x1;
	[dreg:$0x2] =	wrdreg s4  }
0xaa: {  	[dreg:$0x3] =	wrdreg s6  }
0xab: {  	[dreg:$0x4] =	wrdreg $0xC0  }
0xac: {  	_ =	task [dreg:s8], $0x5FFFF  }
0xad: {  	[dreg:$0x1] =	wrdreg $0xFFFFFFFF  }
0xae: {  	[dreg:$0x0] =	wrdreg $0x60  }
0xaf: {  	[dreg:$0x2] =	wrdreg s2  }
0xb0: {  	[dreg:$0x3] =	wrdreg s24  }
0xb1: {  	[dreg:$0x4] =	wrdreg s18  }
0xb2: {  	[dreg:$0x5] =	wrdreg $0x19F800  }
0xb3: {  	[dreg:$0x6] =	wrdreg $0x9  }
0xb4: {  	_ =	task.clear_ibuf [dreg:s8], $0x7FFFF;
	_ =	strace $0x90000046  }
0xb5: {  	s29 =	simm.s32 $0x9;
	_ =	strace $0x80000048  }
0xb6: {  	_ =	swait.ge [sflag:s29], $0x1  }
0xb7: {  	[sflag:s29] =	ssyncadd.s32 $0xFFFFFFFF  }
0xb8: {  	_ =	strace $0x90000048  }
0xb9: {  	_ =	sfence  }
0xba: {  	s30 =	sld [smem:$0x0];
	_ =	sdelay $0x2  }
0xbb: {  	s31 =	sshll.u32 s1, $0xD;
	s1 =	sshrl.u32 s1, $0x2  }
0xbc: {  	s3 =	sand.u32 $0x4000, s31;
	s1 =	sadd.s32 s1, s30  }
0xbd: {  	s0 =	sor.u32 s3, s0;
	s1 =	sshll.u32 s1, $0x11  }
0xbe: {  	s0 =	sor.u32 s1, s0  }
0xbf: {  	s0 =	sadd.s32 $0x8F2B, s0  }
0xc0: {  	[sflag:s0] =	ssyncadd.remote.s32 $0x1  }
0xc1: {  	_ =	sfence.sel $0xFFFF  }
0xc2: {  	[dreg:$0x0] =	wrdreg $0xFFFFFFFF;
	(pc) =	sbr.abs _section_cstart, $3  }
0xc3: {  	[dreg:$0x1] =	wrdreg $0xFFFFFFFF  }
0xc4: {  	_ =	task.clear_ibuf [dreg:s8], $0x2FFFF;
	_ =	strace $0x9FFFFFFF  }
0xc5: {  	(tm) =	ssettm $0x7FFFFFFF  }
tec
execute0_lowered:
.L_overlay_start_1:
0x0: {  	(tag) =	ssettag $0x1  }
0x1: {  	s0 =	rddreg [dreg:$0x0]  }
0x2: {  	s11 =	rddreg [dreg:$0x1]  }
0x3: {  	s1 =	rddreg [dreg:$0x2]  }
0x4: {  	s3 =	rddreg [dreg:$0x3];
	s4 =	srdreg.scid  }
0x5: {  	s2 =	simm.s32 $0x0;
	s12 =	stileid.u32;
	s30 =	simm.s32 $0x0  }
0x6: {  	s4 =	sand.u32 $0x1, s4;
	[smem:$0x7FF] =	sst s2;
	s15 =	sxor.u32 $0x1, s12  }
0x7: {  	s7 =	sshll.u32 s12, $0xA;
	s9 =	sand.u32 $0x1, s12;
	s17 =	sadd.s32 $0x100, s0  }
0x8: {  	s21 =	sadd.s32 $0x18000, s0;
	s22 =	sadd.s32 $0x1770, s11;
	s25 =	sshll.u32 s12, $0x9  }
0x9: {  	s5 =	ssub.s32 $0x2, s4;
	_ =	strace $0x80000047;
	s4 =	sshll.u32 s4, $0x9  }
0xa: {  	s8 =	sshll.u32 s15, $0xA;
	p0 =	seq.s32 s9, $0x1;
	[dreg:$0xa] =	wrdreg s22  }
0xb: {  	s28 =	sadd.s32 s25, s3;
	s10 =	sor.u32 s4, s7;
	s4 =	sor.u32 s4, s8  }
0xc: {  	p1 =	seq.s32 s9, $0x0;
	[dreg:$0xf] =	wrdreg s28;
	s16 =	sadd.s32 s0, s4  }
0xd: {  	s25 =	simm.s32 $0x5;
	s18 =	sadd.s32 s4, s17;
	[dreg:$0x5] =	wrdreg s16  }
0xe: {  	s6 =	sshrl.u32 s5, $0x1;
	s19 =	sadd.s32 s0, s10;
	[dreg:$0x6] =	wrdreg s18  }
0xf: {  	s5 =	ssub.s32 s5, s6;
	s20 =	sadd.s32 s10, s17;
	[dreg:$0x7] =	wrdreg s19  }
0x10: {  	s6 =	sshll.u32 s15, $0x9;
	s23 =	sadd.s32 s4, s21;
	[dreg:$0x9] =	wrdreg s20  }
0x11: {  	s0 =	sadd.s32 $0x18100, s0;
	s24 =	sadd.s32 s10, s21;
	[dreg:$0xb] =	wrdreg s23  }
0x12: {  	s26 =	sshrl.u32 s10, $0x3;
	s6 =	sadd.s32 s6, s3;
	[dreg:$0xd] =	wrdreg s24  }
0x13: {  	s17 =	simm.s32 $0x800;
	s4 =	sadd.s32 s4, s0;
	[dreg:$0x8] =	wrdreg s6  }
0x14: {  	s21 =	simm.s32 $0x2;
	s0 =	sadd.s32 s10, s0;
	[dreg:$0xc] =	wrdreg s4  }
0x15: {  	s29 =	sadd.s32 s1, s26;
	s31 =	smax.u32 s5, $0x1;
	[dreg:$0xe] =	wrdreg s0  }
0x16: {  	s18 =	simm.s32 $0x20000;
	s20 =	simm.s32 $0x1;
	[dreg:$0x10] =	wrdreg s29  }
0x17: {  	s23 =	simm.s32 $0x3;
	s26 =	simm.s32 $0x4;
	[dreg:$0x11] =	wrdreg s31  }
.LBB2_1:
.Ltmp0:
0x18: {  	(pc) =	sbr.rel @p0 .LBB2_19-.Ltmp0, $1  }
0x19: {  	_ =	sdelay $0x3  }
0x1a: {  	s0 =	simm.s32 $0x0;
	s1 =	rddreg [dreg:$0x1]  }
0x1b: {  	[tilespmem:s0], [sflag:$0x1] =	stream.linear.gather [hbm4b:s1+s0], $0xBB80, $0x38;
	[tilespmem:$0x1A180] =	vst v63  }
0x1c: {  	s28 =	rddreg [dreg:$0x5];
	s3 =	simm.s32 $0xCB80  }
0x1d: {  	[tilespmem:s3], [sflag:$0x2] =	stream.strided.gather [hbm4b:s28+s17], $0x3000, s18, s17, $0x38;
	[tilespmem:$0x1A180] =	vst v63  }
0x1e: {  	_ =	swait.ge [sflag:s20], $0xBB80  }
0x1f: {  	[sflag:s20] =	ssyncset.done $0x0  }
0x20: {  	[sflag:s20] =	ssyncadd.s32 $0xFFFF4480  }
0x21: {  	_ =	swait.ge [sflag:s21], $0x3000  }
0x22: {  	s31 =	simm.s32 $0xFB80;
	s1 =	simm.s32 $0x0;
	[sflag:s21] =	ssyncset.done $0x0  }
0x23: {  	s3 =	simm.s32 $0x0;
	s29 =	rddreg [dreg:$0x6];
	[sflag:s21] =	ssyncadd.s32 $0xFFFFD000  }
0x24: {  	[tilespmem:s31], [sflag:$0x3] =	stream.strided.gather [hbm4b:s29+s17], $0x3000, s18, s17, $0x38;
	[tilespmem:$0x1A180] =	vst v63  }
.LBB2_3:
0x25: {  	s4 =	sshll.u32 s1, $0x2;
	s5 =	sand.u32 $0x7, s0  }
0x26: {  	s4 =	sand.u32 $0xFFFFF000, s4;
	s5 =	sshll.u32 s5, $0x6  }
0x27: {  	s4 =	sor.u32 s5, s4  }
0x28: {  	v3 =	vimm.f32 $0.0e+00;
	s4 =	sshrl.u32 s4, $0x2  }
0x29: {  	v0 =	vadd.f32 v3, v3;
	s24 =	sadd.s32 $0xCD80, s4  }
0x2a: {  	v1 =	vld [tilespmem:s24+$0xFFFFFE00]  }
0x2b: {  	v0 =	vadd.f32 v3, v0  }
0x2c: {  	v2 =	vld [tilespmem:s24+$0xFFFFFE80]  }
0x2d: {  	v0 =	vadd.f32 v3, v0  }
0x2e: {  	s28 =	simm.s32 $0x0;
	v4 =	vld [tilespmem:s24+$0xFFFFFF00]  }
0x2f: {  	v0 =	vadd.f32 v3, v0;
	v1 =	vadd.s32 s28, v1  }
0x30: {  	s29 =	simm.s32 $0x3E8;
	v5 =	vld [tilespmem:s24+$0xFFFFFF80]  }
0x31: {  	v0 =	vadd.f32 v3, v0;
	v2 =	vadd.s32 s29, v2  }
0x32: {  	s31 =	simm.s32 $0x7D0;
	v6 =	vld [tilespmem:s24+$0x0]  }
0x33: {  	v7 =	vld [tilespmem:s24+$0x80];
	v4 =	vadd.s32 s31, v4;
	v8 =	vadd.f32 v3, v0  }
0x34: {  	s6 =	simm.s32 $0xBB8;
	v9 =	vld.idx.msk [tilespmem:v1+s2+$0x0], $0xffff  }
0x35: {  	v5 =	vadd.s32 s6, v5;
	v0 =	vld [tilespmem:s24+$0x100];
	v8 =	vadd.f32 v3, v8  }
0x36: {  	s9 =	simm.s32 $0xFA0;
	v2 =	vld.idx.msk [tilespmem:v2+s2+$0x0], $0xffff  }
0x37: {  	v6 =	vadd.s32 s9, v6;
	v1 =	vld [tilespmem:s24+$0x180];
	v8 =	vadd.f32 v3, v8  }
0x38: {  	s10 =	simm.s32 $0x1388;
	s8 =	simm.s32 $0x1B58;
	s6 =	sadd.s32 $0x800, s24;
	v4 =	vld.idx.msk [tilespmem:v4+s2+$0x0], $0xffff  }
0x39: {  	s5 =	simm.s32 $0x3A98;
	s4 =	sshll.u32 s3, $0x4;
	s9 =	simm.s32 $0x59D8;
	v7 =	vadd.s32 s10, v7;
	v3 =	vld [tilespmem:s6+$0xFFFFFE00];
	v8 =	vadd.f32 v9, v8  }
.LBB2_4:
0x3a: {  	p2 =	sne.s32 s9, $0xB798;
	v5 =	vld.idx.msk [tilespmem:v5+s2+$0x0], $0xffff;
	s10 =	sadd.s32 $0xFFFFFC18, s8  }
0x3b: {  	v9 =	vld [tilespmem:s6+$0xFFFFFE80];
	v2 =	vadd.f32 v2, v8;
	v0 =	vadd.s32 s10, v0  }
0x3c: {  	v6 =	vld.idx.msk [tilespmem:v6+s2+$0x0], $0xffff  }
0x3d: {  	v1 =	vadd.s32 s8, v1;
	s8 =	smov.u32 s5;
	s5 =	smov.u32 s9;
	v8 =	vld [tilespmem:s6+$0xFFFFFF00];
	v2 =	vadd.f32 v4, v2  }
0x3e: {  	s10 =	sadd.s32 $0xFFFFE4A8, s8;
	v4 =	vld.idx.msk [tilespmem:v7+s2+$0x0], $0xffff  }
0x3f: {  	v3 =	vadd.s32 s10, v3;
	v7 =	vld [tilespmem:s6+$0xFFFFFF80];
	v2 =	vadd.f32 v5, v2  }
0x40: {  	s10 =	sadd.s32 $0xFFFFE890, s8;
	v10 =	vld.idx.msk [tilespmem:v0+s2+$0x0], $0xffff  }
0x41: {  	v9 =	vadd.s32 s10, v9;
	v11 =	vld [tilespmem:s6+$0x0];
	v0 =	vadd.f32 v6, v2  }
0x42: {  	s10 =	sadd.s32 $0xFFFFEC78, s8;
	v12 =	vld.idx.msk [tilespmem:v1+s2+$0x0], $0xffff  }
0x43: {  	v8 =	vadd.s32 s10, v8;
	v13 =	vld [tilespmem:s6+$0x80];
	v1 =	vadd.f32 v4, v0  }
0x44: {  	s10 =	sadd.s32 $0xFFFFF060, s8;
	v14 =	vld.idx.msk [tilespmem:v3+s2+$0x0], $0xffff  }
.Ltmp1:
0x45: {  	v5 =	vadd.s32 s10, v7;
	v0 =	vld [tilespmem:s6+$0x100];
	v3 =	vadd.f32 v10, v1;
	(pc) =	sbr.rel @p2 .LBB2_4-.Ltmp1, $4  }
0x46: {  	s10 =	sadd.s32 $0xFFFFF448, s8;
	v2 =	vld.idx.msk [tilespmem:v9+s2+$0x0], $0xffff  }
0x47: {  	v6 =	vadd.s32 s10, v11;
	v1 =	vld [tilespmem:s6+$0x180];
	v7 =	vadd.f32 v12, v3  }
0x48: {  	s10 =	sadd.s32 $0xFFFFF830, s8;
	s6 =	sadd.s32 $0x800, s6;
	v4 =	vld.idx.msk [tilespmem:v8+s2+$0x0], $0xffff  }
0x49: {  	s9 =	sadd.s32 $0x1F40, s9;
	v3 =	vld [tilespmem:s6+$0xFFFFFE00];
	v8 =	vadd.f32 v14, v7;
	v7 =	vadd.s32 s10, v13  }
0x4a: {  	_ =	sdelay $0x3  }
0x4b: {  	v5 =	vld.idx.msk [tilespmem:v5+s2+$0x0], $0xffff;
	s9 =	sadd.s32 $0xFFFFFC18, s8  }
0x4c: {  	v9 =	vld [tilespmem:s6+$0xFFFFFE80];
	v2 =	vadd.f32 v2, v8;
	v0 =	vadd.s32 s9, v0  }
0x4d: {  	v6 =	vld.idx.msk [tilespmem:v6+s2+$0x0], $0xffff  }
0x4e: {  	v43 =	vld [tilespmem:s6+$0xFFFFFF00];
	v1 =	vadd.s32 s8, v1;
	v2 =	vadd.f32 v4, v2  }
0x4f: {  	s16 =	sadd.s32 $0xFFFFE4A8, s5;
	v44 =	vld.idx.msk [tilespmem:v7+s2+$0x0], $0xffff  }
0x50: {  	v45 =	vld [tilespmem:s6+$0xFFFFFF80];
	v3 =	vadd.s32 s16, v3;
	v2 =	vadd.f32 v5, v2  }
0x51: {  	s19 =	sadd.s32 $0xFFFFE890, s5;
	v0 =	vld.idx.msk [tilespmem:v0+s2+$0x0], $0xffff  }
0x52: {  	v47 =	vld [tilespmem:s6+$0x0];
	v46 =	vadd.s32 s19, v9;
	v2 =	vadd.f32 v6, v2  }
0x53: {  	s22 =	sadd.s32 $0xFFFFEC78, s5;
	v1 =	vld.idx.msk [tilespmem:v1+s2+$0x0], $0xffff  }
0x54: {  	v49 =	vld [tilespmem:s6+$0x80];
	v48 =	vadd.s32 s22, v43;
	v2 =	vadd.f32 v44, v2  }
0x55: {  	s24 =	sadd.s32 $0xFFFFF060, s5;
	v3 =	vld.idx.msk [tilespmem:v3+s2+$0x0], $0xffff  }
0x56: {  	v51 =	vld [tilespmem:s6+$0x100];
	v50 =	vadd.s32 s24, v45;
	v0 =	vadd.f32 v0, v2  }
0x57: {  	s28 =	sadd.s32 $0xFFFFF448, s5;
	v52 =	vld.idx.msk [tilespmem:v46+s2+$0x0], $0xffff  }
0x58: {  	v54 =	vld [tilespmem:s6+$0x180];
	v53 =	vadd.s32 s28, v47;
	v0 =	vadd.f32 v1, v0  }
0x59: {  	s29 =	sadd.s32 $0xFFFFF830, s5;
	v55 =	vld.idx.msk [tilespmem:v48+s2+$0x0], $0xffff  }
0x5a: {  	v56 =	vadd.s32 s29, v49;
	v0 =	vadd.f32 v3, v0  }
0x5b: {  	s31 =	sadd.s32 $0xFFFFFC18, s5;
	v57 =	vld.idx.msk [tilespmem:v50+s2+$0x0], $0xffff  }
0x5c: {  	v58 =	vadd.s32 s31, v51;
	v0 =	vadd.f32 v52, v0  }
0x5d: {  	v59 =	vld.idx.msk [tilespmem:v53+s2+$0x0], $0xffff  }
0x5e: {  	v60 =	vadd.s32 s5, v54;
	v0 =	vadd.f32 v55, v0  }
0x5f: {  	v61 =	vld.idx.msk [tilespmem:v56+s2+$0x0], $0xffff  }
0x60: {  	v0 =	vadd.f32 v57, v0  }
0x61: {  	v62 =	vld.idx.msk [tilespmem:v58+s2+$0x0], $0xffff  }
0x62: {  	v0 =	vadd.f32 v59, v0  }
0x63: {  	v63 =	vld.idx.msk [tilespmem:v60+s2+$0x0], $0xffff  }
0x64: {  	s3 =	sadd.s32 $0x1, s3;
	v0 =	vadd.f32 v61, v0  }
0x65: {  	p2 =	sne.s32 s3, $0x10  }
.Ltmp2:
0x66: {  	v0 =	vadd.f32 v62, v0;
	(pc) =	sbr.rel @p2 .LBB2_3-.Ltmp2, $3  }
0x67: {  	_ = 	snop  }
0x68: {  	v0 =	vadd.f32 v63, v0;
	_ =	sdelay $0x1  }
0x69: {  	s1 =	sadd.s32 $0x80, s1;
	s0 =	sadd.s32 $0x1, s0;
	[tilespmem:s4+$0x19B80] =	vst v0  }
0x6a: {  	_ =	swait.ge [sflag:s23], $0x3000  }
0x6b: {  	[sflag:s23] =	ssyncset.done $0x0  }
0x6c: {  	s1 =	simm.s32 $0xCB80;
	s0 =	rddreg [dreg:$0x7];
	[sflag:s23] =	ssyncadd.s32 $0xFFFFD000  }
0x6d: {  	[tilespmem:s1], [sflag:$0x2] =	stream.strided.gather [hbm4b:s0+s17], $0x3000, s18, s17, $0x38;
	[tilespmem:$0x1A180] =	vst v63  }
0x6e: {  	s3 =	simm.s32 $0x0;
	s0 =	simm.s32 $0x0;
	s1 =	simm.s32 $0x0  }
.LBB2_7:
0x6f: {  	s4 =	sshll.u32 s1, $0x2;
	s5 =	sand.u32 $0x7, s0  }
0x70: {  	s4 =	sand.u32 $0xFFFFF000, s4;
	s5 =	sshll.u32 s5, $0x6  }
0x71: {  	s4 =	sor.u32 s5, s4  }
0x72: {  	v3 =	vimm.f32 $0.0e+00;
	s4 =	sshrl.u32 s4, $0x2  }
0x73: {  	v0 =	vadd.f32 v3, v3;
	s6 =	sadd.s32 $0xFD80, s4  }
0x74: {  	v1 =	vld [tilespmem:s6+$0xFFFFFE00]  }
0x75: {  	v0 =	vadd.f32 v3, v0  }
0x76: {  	v2 =	vld [tilespmem:s6+$0xFFFFFE80]  }
0x77: {  	v0 =	vadd.f32 v3, v0  }
0x78: {  	s28 =	simm.s32 $0x0;
	v4 =	vld [tilespmem:s6+$0xFFFFFF00]  }
0x79: {  	v0 =	vadd.f32 v3, v0;
	v1 =	vadd.s32 s28, v1  }
0x7a: {  	s29 =	simm.s32 $0x3E8;
	v5 =	vld [tilespmem:s6+$0xFFFFFF80]  }
0x7b: {  	v0 =	vadd.f32 v3, v0;
	v2 =	vadd.s32 s29, v2  }
0x7c: {  	s31 =	simm.s32 $0x7D0;
	v6 =	vld [tilespmem:s6+$0x0]  }
0x7d: {  	v7 =	vld [tilespmem:s6+$0x80];
	v4 =	vadd.s32 s31, v4;
	v8 =	vadd.f32 v3, v0  }
0x7e: {  	s8 =	simm.s32 $0xBB8;
	v9 =	vld.idx.msk [tilespmem:v1+s2+$0x0], $0xffff  }
0x7f: {  	v5 =	vadd.s32 s8, v5;
	v0 =	vld [tilespmem:s6+$0x100];
	v8 =	vadd.f32 v3, v8  }
0x80: {  	s10 =	simm.s32 $0xFA0;
	v2 =	vld.idx.msk [tilespmem:v2+s2+$0x0], $0xffff  }
0x81: {  	s11 =	simm.s32 $0x1388;
	v6 =	vadd.s32 s10, v6;
	v1 =	vld [tilespmem:s6+$0x180];
	v8 =	vadd.f32 v3, v8  }
0x82: {  	s9 =	simm.s32 $0x1B58;
	s4 =	sshll.u32 s3, $0x4;
	s8 =	sadd.s32 $0x800, s6;
	v4 =	vld.idx.msk [tilespmem:v4+s2+$0x0], $0xffff  }
0x83: {  	s5 =	sand.u32 $0x70, s4;
	s10 =	simm.s32 $0x59D8;
	v7 =	vadd.s32 s11, v7;
	s6 =	simm.s32 $0x3A98;
	v3 =	vld [tilespmem:s8+$0xFFFFFE00];
	v8 =	vadd.f32 v9, v8  }
.LBB2_8:
0x84: {  	p2 =	sne.s32 s10, $0xB798;
	v5 =	vld.idx.msk [tilespmem:v5+s2+$0x0], $0xffff;
	s11 =	sadd.s32 $0xFFFFFC18, s9  }
0x85: {  	v9 =	vld [tilespmem:s8+$0xFFFFFE80];
	v2 =	vadd.f32 v2, v8;
	v0 =	vadd.s32 s11, v0  }
0x86: {  	v6 =	vld.idx.msk [tilespmem:v6+s2+$0x0], $0xffff  }
0x87: {  	v1 =	vadd.s32 s9, v1;
	s9 =	smov.u32 s6;
	s6 =	smov.u32 s10;
	v8 =	vld [tilespmem:s8+$0xFFFFFF00];
	v2 =	vadd.f32 v4, v2  }
0x88: {  	s11 =	sadd.s32 $0xFFFFE4A8, s9;
	v4 =	vld.idx.msk [tilespmem:v7+s2+$0x0], $0xffff  }
0x89: {  	v3 =	vadd.s32 s11, v3;
	v7 =	vld [tilespmem:s8+$0xFFFFFF80];
	v2 =	vadd.f32 v5, v2  }
0x8a: {  	s11 =	sadd.s32 $0xFFFFE890, s9;
	v10 =	vld.idx.msk [tilespmem:v0+s2+$0x0], $0xffff  }
0x8b: {  	v9 =	vadd.s32 s11, v9;
	v11 =	vld [tilespmem:s8+$0x0];
	v0 =	vadd.f32 v6, v2  }
0x8c: {  	s11 =	sadd.s32 $0xFFFFEC78, s9;
	v12 =	vld.idx.msk [tilespmem:v1+s2+$0x0], $0xffff  }
0x8d: {  	v8 =	vadd.s32 s11, v8;
	v13 =	vld [tilespmem:s8+$0x80];
	v1 =	vadd.f32 v4, v0  }
0x8e: {  	s11 =	sadd.s32 $0xFFFFF060, s9;
	v14 =	vld.idx.msk [tilespmem:v3+s2+$0x0], $0xffff  }
.Ltmp3:
0x8f: {  	v5 =	vadd.s32 s11, v7;
	v0 =	vld [tilespmem:s8+$0x100];
	v3 =	vadd.f32 v10, v1;
	(pc) =	sbr.rel @p2 .LBB2_8-.Ltmp3, $4  }
0x90: {  	s11 =	sadd.s32 $0xFFFFF448, s9;
	v2 =	vld.idx.msk [tilespmem:v9+s2+$0x0], $0xffff  }
0x91: {  	v6 =	vadd.s32 s11, v11;
	v1 =	vld [tilespmem:s8+$0x180];
	v7 =	vadd.f32 v12, v3  }
0x92: {  	s11 =	sadd.s32 $0xFFFFF830, s9;
	s8 =	sadd.s32 $0x800, s8;
	v4 =	vld.idx.msk [tilespmem:v8+s2+$0x0], $0xffff  }
0x93: {  	s10 =	sadd.s32 $0x1F40, s10;
	v3 =	vld [tilespmem:s8+$0xFFFFFE00];
	v8 =	vadd.f32 v14, v7;
	v7 =	vadd.s32 s11, v13  }
0x94: {  	_ =	sdelay $0x3  }
0x95: {  	v5 =	vld.idx.msk [tilespmem:v5+s2+$0x0], $0xffff;
	s10 =	sadd.s32 $0xFFFFFC18, s9  }
0x96: {  	v9 =	vld [tilespmem:s8+$0xFFFFFE80];
	v2 =	vadd.f32 v2, v8;
	v0 =	vadd.s32 s10, v0  }
0x97: {  	v6 =	vld.idx.msk [tilespmem:v6+s2+$0x0], $0xffff  }
0x98: {  	v43 =	vld [tilespmem:s8+$0xFFFFFF00];
	v1 =	vadd.s32 s9, v1;
	v2 =	vadd.f32 v4, v2  }
0x99: {  	s16 =	sadd.s32 $0xFFFFE4A8, s6;
	v44 =	vld.idx.msk [tilespmem:v7+s2+$0x0], $0xffff  }
0x9a: {  	v45 =	vld [tilespmem:s8+$0xFFFFFF80];
	v3 =	vadd.s32 s16, v3;
	v2 =	vadd.f32 v5, v2  }
0x9b: {  	s19 =	sadd.s32 $0xFFFFE890, s6;
	v0 =	vld.idx.msk [tilespmem:v0+s2+$0x0], $0xffff  }
0x9c: {  	v47 =	vld [tilespmem:s8+$0x0];
	v46 =	vadd.s32 s19, v9;
	v2 =	vadd.f32 v6, v2  }
0x9d: {  	s22 =	sadd.s32 $0xFFFFEC78, s6;
	v1 =	vld.idx.msk [tilespmem:v1+s2+$0x0], $0xffff  }
0x9e: {  	v49 =	vld [tilespmem:s8+$0x80];
	v48 =	vadd.s32 s22, v43;
	v2 =	vadd.f32 v44, v2  }
0x9f: {  	s24 =	sadd.s32 $0xFFFFF060, s6;
	v3 =	vld.idx.msk [tilespmem:v3+s2+$0x0], $0xffff  }
0xa0: {  	v51 =	vld [tilespmem:s8+$0x100];
	v50 =	vadd.s32 s24, v45;
	v0 =	vadd.f32 v0, v2  }
0xa1: {  	s28 =	sadd.s32 $0xFFFFF448, s6;
	v52 =	vld.idx.msk [tilespmem:v46+s2+$0x0], $0xffff  }
0xa2: {  	v54 =	vld [tilespmem:s8+$0x180];
	v53 =	vadd.s32 s28, v47;
	v0 =	vadd.f32 v1, v0  }
0xa3: {  	s29 =	sadd.s32 $0xFFFFF830, s6;
	v55 =	vld.idx.msk [tilespmem:v48+s2+$0x0], $0xffff  }
0xa4: {  	v56 =	vadd.s32 s29, v49;
	v0 =	vadd.f32 v3, v0  }
0xa5: {  	s31 =	sadd.s32 $0xFFFFFC18, s6;
	v57 =	vld.idx.msk [tilespmem:v50+s2+$0x0], $0xffff  }
0xa6: {  	v58 =	vadd.s32 s31, v51;
	v0 =	vadd.f32 v52, v0  }
0xa7: {  	v59 =	vld.idx.msk [tilespmem:v53+s2+$0x0], $0xffff  }
0xa8: {  	v60 =	vadd.s32 s6, v54;
	v0 =	vadd.f32 v55, v0  }
0xa9: {  	v61 =	vld.idx.msk [tilespmem:v56+s2+$0x0], $0xffff  }
0xaa: {  	v0 =	vadd.f32 v57, v0  }
0xab: {  	v62 =	vld.idx.msk [tilespmem:v58+s2+$0x0], $0xffff  }
0xac: {  	v0 =	vadd.f32 v59, v0  }
0xad: {  	v63 =	vld.idx.msk [tilespmem:v60+s2+$0x0], $0xffff  }
0xae: {  	s3 =	sadd.s32 $0x1, s3;
	v0 =	vadd.f32 v61, v0  }
0xaf: {  	p2 =	sne.s32 s3, $0x10  }
.Ltmp4:
0xb0: {  	v0 =	vadd.f32 v62, v0;
	(pc) =	sbr.rel @p2 .LBB2_7-.Ltmp4, $4  }
0xb1: {  	_ = 	snop  }
0xb2: {  	s4 =	sand.u32 $0x80, s4;
	v0 =	vadd.f32 v63, v0  }
0xb3: {  	s4 =	sor.u32 s5, s4  }
0xb4: {  	s1 =	sadd.s32 $0x80, s1;
	s0 =	sadd.s32 $0x1, s0;
	[tilespmem:s4+$0x19C80] =	vst v0  }
0xb5: {  	s0 =	rddreg [dreg:$0x8];
	s1 =	simm.s32 $0x19B80  }
0xb6: {  	[spmem:s0] =	stream.linear.scatter [tilespmem:s1], [sflag:$0x5], $0x200, $0x38;
	[tilespmem:$0x1A180] =	vst v63  }
0xb7: {  	_ =	swait.ge [sflag:s25], $0x200  }
0xb8: {  	[sflag:s25] =	ssyncset.done $0x0  }
0xb9: {  	[sflag:s25] =	ssyncadd.s32 $0xFFFFFE00  }
0xba: {  	s31 =	simm.s32 $0xFB80;
	_ =	swait.ge [sflag:s21], $0x3000  }
0xbb: {  	s3 =	simm.s32 $0x0;
	s0 =	simm.s32 $0x0;
	[sflag:s21] =	ssyncset.done $0x0  }
0xbc: {  	s1 =	simm.s32 $0x0;
	s29 =	rddreg [dreg:$0x9];
	[sflag:s21] =	ssyncadd.s32 $0xFFFFD000  }
0xbd: {  	[tilespmem:s31], [sflag:$0x3] =	stream.strided.gather [hbm4b:s29+s17], $0x3000, s18, s17, $0x38;
	[tilespmem:$0x1A180] =	vst v63  }
.LBB2_11:
0xbe: {  	s4 =	sshll.u32 s1, $0x2;
	s5 =	sand.u32 $0x7, s0  }
0xbf: {  	s4 =	sand.u32 $0xFFFFF000, s4;
	s5 =	sshll.u32 s5, $0x6  }
0xc0: {  	s4 =	sor.u32 s5, s4  }
0xc1: {  	v3 =	vimm.f32 $0.0e+00;
	s4 =	sshrl.u32 s4, $0x2  }
0xc2: {  	v0 =	vadd.f32 v3, v3;
	s6 =	sadd.s32 $0xCD80, s4  }
0xc3: {  	v1 =	vld [tilespmem:s6+$0xFFFFFE00]  }
0xc4: {  	v0 =	vadd.f32 v3, v0  }
0xc5: {  	v2 =	vld [tilespmem:s6+$0xFFFFFE80]  }
0xc6: {  	v0 =	vadd.f32 v3, v0  }
0xc7: {  	s28 =	simm.s32 $0x0;
	v4 =	vld [tilespmem:s6+$0xFFFFFF00]  }
0xc8: {  	v0 =	vadd.f32 v3, v0;
	v1 =	vadd.s32 s28, v1  }
0xc9: {  	s29 =	simm.s32 $0x3E8;
	v5 =	vld [tilespmem:s6+$0xFFFFFF80]  }
0xca: {  	v0 =	vadd.f32 v3, v0;
	v2 =	vadd.s32 s29, v2  }
0xcb: {  	s31 =	simm.s32 $0x7D0;
	v6 =	vld [tilespmem:s6+$0x0]  }
0xcc: {  	v7 =	vld [tilespmem:s6+$0x80];
	v4 =	vadd.s32 s31, v4;
	v8 =	vadd.f32 v3, v0  }
0xcd: {  	s8 =	simm.s32 $0xBB8;
	v9 =	vld.idx.msk [tilespmem:v1+s2+$0x0], $0xffff  }
0xce: {  	v5 =	vadd.s32 s8, v5;
	v0 =	vld [tilespmem:s6+$0x100];
	v8 =	vadd.f32 v3, v8  }
0xcf: {  	s10 =	simm.s32 $0xFA0;
	v2 =	vld.idx.msk [tilespmem:v2+s2+$0x0], $0xffff  }
0xd0: {  	s11 =	simm.s32 $0x1388;
	v6 =	vadd.s32 s10, v6;
	v1 =	vld [tilespmem:s6+$0x180];
	v8 =	vadd.f32 v3, v8  }
0xd1: {  	s9 =	simm.s32 $0x1B58;
	s4 =	sshll.u32 s3, $0x4;
	s8 =	sadd.s32 $0x800, s6;
	v4 =	vld.idx.msk [tilespmem:v4+s2+$0x0], $0xffff  }
0xd2: {  	s5 =	sand.u32 $0x70, s4;
	s10 =	simm.s32 $0x59D8;
	v7 =	vadd.s32 s11, v7;
	s6 =	simm.s32 $0x3A98;
	v3 =	vld [tilespmem:s8+$0xFFFFFE00];
	v8 =	vadd.f32 v9, v8  }
.LBB2_12:
0xd3: {  	p2 =	sne.s32 s10, $0xB798;
	v5 =	vld.idx.msk [tilespmem:v5+s2+$0x0], $0xffff;
	s11 =	sadd.s32 $0xFFFFFC18, s9  }
0xd4: {  	v9 =	vld [tilespmem:s8+$0xFFFFFE80];
	v2 =	vadd.f32 v2, v8;
	v0 =	vadd.s32 s11, v0  }
0xd5: {  	v6 =	vld.idx.msk [tilespmem:v6+s2+$0x0], $0xffff  }
0xd6: {  	v1 =	vadd.s32 s9, v1;
	s9 =	smov.u32 s6;
	s6 =	smov.u32 s10;
	v8 =	vld [tilespmem:s8+$0xFFFFFF00];
	v2 =	vadd.f32 v4, v2  }
0xd7: {  	s11 =	sadd.s32 $0xFFFFE4A8, s9;
	v4 =	vld.idx.msk [tilespmem:v7+s2+$0x0], $0xffff  }
0xd8: {  	v3 =	vadd.s32 s11, v3;
	v7 =	vld [tilespmem:s8+$0xFFFFFF80];
	v2 =	vadd.f32 v5, v2  }
0xd9: {  	s11 =	sadd.s32 $0xFFFFE890, s9;
	v10 =	vld.idx.msk [tilespmem:v0+s2+$0x0], $0xffff  }
0xda: {  	v9 =	vadd.s32 s11, v9;
	v11 =	vld [tilespmem:s8+$0x0];
	v0 =	vadd.f32 v6, v2  }
0xdb: {  	s11 =	sadd.s32 $0xFFFFEC78, s9;
	v12 =	vld.idx.msk [tilespmem:v1+s2+$0x0], $0xffff  }
0xdc: {  	v8 =	vadd.s32 s11, v8;
	v13 =	vld [tilespmem:s8+$0x80];
	v1 =	vadd.f32 v4, v0  }
0xdd: {  	s11 =	sadd.s32 $0xFFFFF060, s9;
	v14 =	vld.idx.msk [tilespmem:v3+s2+$0x0], $0xffff  }
.Ltmp5:
0xde: {  	v5 =	vadd.s32 s11, v7;
	v0 =	vld [tilespmem:s8+$0x100];
	v3 =	vadd.f32 v10, v1;
	(pc) =	sbr.rel @p2 .LBB2_12-.Ltmp5, $4  }
0xdf: {  	s11 =	sadd.s32 $0xFFFFF448, s9;
	v2 =	vld.idx.msk [tilespmem:v9+s2+$0x0], $0xffff  }
0xe0: {  	v6 =	vadd.s32 s11, v11;
	v1 =	vld [tilespmem:s8+$0x180];
	v7 =	vadd.f32 v12, v3  }
0xe1: {  	s11 =	sadd.s32 $0xFFFFF830, s9;
	s8 =	sadd.s32 $0x800, s8;
	v4 =	vld.idx.msk [tilespmem:v8+s2+$0x0], $0xffff  }
0xe2: {  	s10 =	sadd.s32 $0x1F40, s10;
	v3 =	vld [tilespmem:s8+$0xFFFFFE00];
	v8 =	vadd.f32 v14, v7;
	v7 =	vadd.s32 s11, v13  }
0xe3: {  	_ =	sdelay $0x3  }
0xe4: {  	v5 =	vld.idx.msk [tilespmem:v5+s2+$0x0], $0xffff;
	s10 =	sadd.s32 $0xFFFFFC18, s9  }
0xe5: {  	v9 =	vld [tilespmem:s8+$0xFFFFFE80];
	v2 =	vadd.f32 v2, v8;
	v0 =	vadd.s32 s10, v0  }
0xe6: {  	v6 =	vld.idx.msk [tilespmem:v6+s2+$0x0], $0xffff  }
0xe7: {  	v43 =	vld [tilespmem:s8+$0xFFFFFF00];
	v1 =	vadd.s32 s9, v1;
	v2 =	vadd.f32 v4, v2  }
0xe8: {  	s16 =	sadd.s32 $0xFFFFE4A8, s6;
	v44 =	vld.idx.msk [tilespmem:v7+s2+$0x0], $0xffff  }
0xe9: {  	v45 =	vld [tilespmem:s8+$0xFFFFFF80];
	v3 =	vadd.s32 s16, v3;
	v2 =	vadd.f32 v5, v2  }
0xea: {  	s19 =	sadd.s32 $0xFFFFE890, s6;
	v0 =	vld.idx.msk [tilespmem:v0+s2+$0x0], $0xffff  }
0xeb: {  	v47 =	vld [tilespmem:s8+$0x0];
	v46 =	vadd.s32 s19, v9;
	v2 =	vadd.f32 v6, v2  }
0xec: {  	s22 =	sadd.s32 $0xFFFFEC78, s6;
	v1 =	vld.idx.msk [tilespmem:v1+s2+$0x0], $0xffff  }
0xed: {  	v49 =	vld [tilespmem:s8+$0x80];
	v48 =	vadd.s32 s22, v43;
	v2 =	vadd.f32 v44, v2  }
0xee: {  	s24 =	sadd.s32 $0xFFFFF060, s6;
	v3 =	vld.idx.msk [tilespmem:v3+s2+$0x0], $0xffff  }
0xef: {  	v51 =	vld [tilespmem:s8+$0x100];
	v50 =	vadd.s32 s24, v45;
	v0 =	vadd.f32 v0, v2  }
0xf0: {  	s28 =	sadd.s32 $0xFFFFF448, s6;
	v52 =	vld.idx.msk [tilespmem:v46+s2+$0x0], $0xffff  }
0xf1: {  	v54 =	vld [tilespmem:s8+$0x180];
	v53 =	vadd.s32 s28, v47;
	v0 =	vadd.f32 v1, v0  }
0xf2: {  	s29 =	sadd.s32 $0xFFFFF830, s6;
	v55 =	vld.idx.msk [tilespmem:v48+s2+$0x0], $0xffff  }
0xf3: {  	v56 =	vadd.s32 s29, v49;
	v0 =	vadd.f32 v3, v0  }
0xf4: {  	s31 =	sadd.s32 $0xFFFFFC18, s6;
	v57 =	vld.idx.msk [tilespmem:v50+s2+$0x0], $0xffff  }
0xf5: {  	v58 =	vadd.s32 s31, v51;
	v0 =	vadd.f32 v52, v0  }
0xf6: {  	v59 =	vld.idx.msk [tilespmem:v53+s2+$0x0], $0xffff  }
0xf7: {  	v60 =	vadd.s32 s6, v54;
	v0 =	vadd.f32 v55, v0  }
0xf8: {  	v61 =	vld.idx.msk [tilespmem:v56+s2+$0x0], $0xffff  }
0xf9: {  	v0 =	vadd.f32 v57, v0  }
0xfa: {  	v62 =	vld.idx.msk [tilespmem:v58+s2+$0x0], $0xffff  }
0xfb: {  	v0 =	vadd.f32 v59, v0  }
0xfc: {  	v63 =	vld.idx.msk [tilespmem:v60+s2+$0x0], $0xffff  }
0xfd: {  	s3 =	sadd.s32 $0x1, s3;
	v0 =	vadd.f32 v61, v0  }
0xfe: {  	p2 =	sne.s32 s3, $0x10  }
.Ltmp6:
0xff: {  	v0 =	vadd.f32 v62, v0;
	(pc) =	sbr.rel @p2 .LBB2_11-.Ltmp6, $4  }
0x100: {  	_ = 	snop  }
0x101: {  	s4 =	sand.u32 $0x80, s4;
	v0 =	vadd.f32 v63, v0  }
0x102: {  	s4 =	sor.u32 s5, s4  }
0x103: {  	s1 =	sadd.s32 $0x80, s1;
	s0 =	sadd.s32 $0x1, s0;
	[tilespmem:s4+$0x19D80] =	vst v0  }
0x104: {  	_ =	swait.ge [sflag:s23], $0x3000  }
0x105: {  	s0 =	simm.s32 $0x0;
	[sflag:s23] =	ssyncset.done $0x0  }
0x106: {  	s1 =	simm.s32 $0x0;
	s3 =	simm.s32 $0x0;
	[sflag:s23] =	ssyncadd.s32 $0xFFFFD000  }
.LBB2_15:
0x107: {  	s4 =	sshll.u32 s1, $0x2;
	s5 =	sand.u32 $0x7, s0  }
0x108: {  	s4 =	sand.u32 $0xFFFFF000, s4;
	s5 =	sshll.u32 s5, $0x6  }
0x109: {  	s4 =	sor.u32 s5, s4  }
0x10a: {  	v3 =	vimm.f32 $0.0e+00;
	s4 =	sshrl.u32 s4, $0x2  }
0x10b: {  	v0 =	vadd.f32 v3, v3;
	s6 =	sadd.s32 $0xFD80, s4  }
0x10c: {  	v1 =	vld [tilespmem:s6+$0xFFFFFE00]  }
0x10d: {  	v0 =	vadd.f32 v3, v0  }
0x10e: {  	v2 =	vld [tilespmem:s6+$0xFFFFFE80]  }
0x10f: {  	v0 =	vadd.f32 v3, v0  }
0x110: {  	s28 =	simm.s32 $0x0;
	v4 =	vld [tilespmem:s6+$0xFFFFFF00]  }
0x111: {  	v0 =	vadd.f32 v3, v0;
	v1 =	vadd.s32 s28, v1  }
0x112: {  	s29 =	simm.s32 $0x3E8;
	v5 =	vld [tilespmem:s6+$0xFFFFFF80]  }
0x113: {  	v0 =	vadd.f32 v3, v0;
	v2 =	vadd.s32 s29, v2  }
0x114: {  	s31 =	simm.s32 $0x7D0;
	v6 =	vld [tilespmem:s6+$0x0]  }
0x115: {  	v7 =	vld [tilespmem:s6+$0x80];
	v4 =	vadd.s32 s31, v4;
	v8 =	vadd.f32 v3, v0  }
0x116: {  	s8 =	simm.s32 $0xBB8;
	v9 =	vld.idx.msk [tilespmem:v1+s2+$0x0], $0xffff  }
0x117: {  	v5 =	vadd.s32 s8, v5;
	v0 =	vld [tilespmem:s6+$0x100];
	v8 =	vadd.f32 v3, v8  }
0x118: {  	s10 =	simm.s32 $0xFA0;
	v2 =	vld.idx.msk [tilespmem:v2+s2+$0x0], $0xffff  }
0x119: {  	s11 =	simm.s32 $0x1388;
	v6 =	vadd.s32 s10, v6;
	v1 =	vld [tilespmem:s6+$0x180];
	v8 =	vadd.f32 v3, v8  }
0x11a: {  	s9 =	simm.s32 $0x1B58;
	s4 =	sshll.u32 s3, $0x4;
	s8 =	sadd.s32 $0x800, s6;
	v4 =	vld.idx.msk [tilespmem:v4+s2+$0x0], $0xffff  }
0x11b: {  	s5 =	sand.u32 $0x70, s4;
	s10 =	simm.s32 $0x59D8;
	v7 =	vadd.s32 s11, v7;
	s6 =	simm.s32 $0x3A98;
	v3 =	vld [tilespmem:s8+$0xFFFFFE00];
	v8 =	vadd.f32 v9, v8  }
.LBB2_16:
0x11c: {  	p2 =	sne.s32 s10, $0xB798;
	v5 =	vld.idx.msk [tilespmem:v5+s2+$0x0], $0xffff;
	s11 =	sadd.s32 $0xFFFFFC18, s9  }
0x11d: {  	v9 =	vld [tilespmem:s8+$0xFFFFFE80];
	v2 =	vadd.f32 v2, v8;
	v0 =	vadd.s32 s11, v0  }
0x11e: {  	v6 =	vld.idx.msk [tilespmem:v6+s2+$0x0], $0xffff  }
0x11f: {  	v1 =	vadd.s32 s9, v1;
	s9 =	smov.u32 s6;
	s6 =	smov.u32 s10;
	v8 =	vld [tilespmem:s8+$0xFFFFFF00];
	v2 =	vadd.f32 v4, v2  }
0x120: {  	s11 =	sadd.s32 $0xFFFFE4A8, s9;
	v4 =	vld.idx.msk [tilespmem:v7+s2+$0x0], $0xffff  }
0x121: {  	v3 =	vadd.s32 s11, v3;
	v7 =	vld [tilespmem:s8+$0xFFFFFF80];
	v2 =	vadd.f32 v5, v2  }
0x122: {  	s11 =	sadd.s32 $0xFFFFE890, s9;
	v10 =	vld.idx.msk [tilespmem:v0+s2+$0x0], $0xffff  }
0x123: {  	v9 =	vadd.s32 s11, v9;
	v11 =	vld [tilespmem:s8+$0x0];
	v0 =	vadd.f32 v6, v2  }
0x124: {  	s11 =	sadd.s32 $0xFFFFEC78, s9;
	v12 =	vld.idx.msk [tilespmem:v1+s2+$0x0], $0xffff  }
0x125: {  	v8 =	vadd.s32 s11, v8;
	v13 =	vld [tilespmem:s8+$0x80];
	v1 =	vadd.f32 v4, v0  }
0x126: {  	s11 =	sadd.s32 $0xFFFFF060, s9;
	v14 =	vld.idx.msk [tilespmem:v3+s2+$0x0], $0xffff  }
.Ltmp7:
0x127: {  	v5 =	vadd.s32 s11, v7;
	v0 =	vld [tilespmem:s8+$0x100];
	v3 =	vadd.f32 v10, v1;
	(pc) =	sbr.rel @p2 .LBB2_16-.Ltmp7, $4  }
0x128: {  	s11 =	sadd.s32 $0xFFFFF448, s9;
	v2 =	vld.idx.msk [tilespmem:v9+s2+$0x0], $0xffff  }
0x129: {  	v6 =	vadd.s32 s11, v11;
	v1 =	vld [tilespmem:s8+$0x180];
	v7 =	vadd.f32 v12, v3  }
0x12a: {  	s11 =	sadd.s32 $0xFFFFF830, s9;
	s8 =	sadd.s32 $0x800, s8;
	v4 =	vld.idx.msk [tilespmem:v8+s2+$0x0], $0xffff  }
0x12b: {  	s10 =	sadd.s32 $0x1F40, s10;
	v3 =	vld [tilespmem:s8+$0xFFFFFE00];
	v8 =	vadd.f32 v14, v7;
	v7 =	vadd.s32 s11, v13  }
0x12c: {  	_ =	sdelay $0x3  }
0x12d: {  	v5 =	vld.idx.msk [tilespmem:v5+s2+$0x0], $0xffff;
	s10 =	sadd.s32 $0xFFFFFC18, s9  }
0x12e: {  	v9 =	vld [tilespmem:s8+$0xFFFFFE80];
	v2 =	vadd.f32 v2, v8;
	v0 =	vadd.s32 s10, v0  }
0x12f: {  	v6 =	vld.idx.msk [tilespmem:v6+s2+$0x0], $0xffff  }
0x130: {  	v43 =	vld [tilespmem:s8+$0xFFFFFF00];
	v1 =	vadd.s32 s9, v1;
	v2 =	vadd.f32 v4, v2  }
0x131: {  	s16 =	sadd.s32 $0xFFFFE4A8, s6;
	v44 =	vld.idx.msk [tilespmem:v7+s2+$0x0], $0xffff  }
0x132: {  	v45 =	vld [tilespmem:s8+$0xFFFFFF80];
	v3 =	vadd.s32 s16, v3;
	v2 =	vadd.f32 v5, v2  }
0x133: {  	s19 =	sadd.s32 $0xFFFFE890, s6;
	v0 =	vld.idx.msk [tilespmem:v0+s2+$0x0], $0xffff  }
0x134: {  	v47 =	vld [tilespmem:s8+$0x0];
	v46 =	vadd.s32 s19, v9;
	v2 =	vadd.f32 v6, v2  }
0x135: {  	s22 =	sadd.s32 $0xFFFFEC78, s6;
	v1 =	vld.idx.msk [tilespmem:v1+s2+$0x0], $0xffff  }
0x136: {  	v49 =	vld [tilespmem:s8+$0x80];
	v48 =	vadd.s32 s22, v43;
	v2 =	vadd.f32 v44, v2  }
0x137: {  	s24 =	sadd.s32 $0xFFFFF060, s6;
	v3 =	vld.idx.msk [tilespmem:v3+s2+$0x0], $0xffff  }
0x138: {  	v51 =	vld [tilespmem:s8+$0x100];
	v50 =	vadd.s32 s24, v45;
	v0 =	vadd.f32 v0, v2  }
0x139: {  	s28 =	sadd.s32 $0xFFFFF448, s6;
	v52 =	vld.idx.msk [tilespmem:v46+s2+$0x0], $0xffff  }
0x13a: {  	v54 =	vld [tilespmem:s8+$0x180];
	v53 =	vadd.s32 s28, v47;
	v0 =	vadd.f32 v1, v0  }
0x13b: {  	s29 =	sadd.s32 $0xFFFFF830, s6;
	v55 =	vld.idx.msk [tilespmem:v48+s2+$0x0], $0xffff  }
0x13c: {  	v56 =	vadd.s32 s29, v49;
	v0 =	vadd.f32 v3, v0  }
0x13d: {  	s31 =	sadd.s32 $0xFFFFFC18, s6;
	v57 =	vld.idx.msk [tilespmem:v50+s2+$0x0], $0xffff  }
0x13e: {  	v58 =	vadd.s32 s31, v51;
	v0 =	vadd.f32 v52, v0  }
0x13f: {  	v59 =	vld.idx.msk [tilespmem:v53+s2+$0x0], $0xffff  }
0x140: {  	v60 =	vadd.s32 s6, v54;
	v0 =	vadd.f32 v55, v0  }
0x141: {  	v61 =	vld.idx.msk [tilespmem:v56+s2+$0x0], $0xffff  }
0x142: {  	v0 =	vadd.f32 v57, v0  }
0x143: {  	v62 =	vld.idx.msk [tilespmem:v58+s2+$0x0], $0xffff  }
0x144: {  	v0 =	vadd.f32 v59, v0  }
0x145: {  	v63 =	vld.idx.msk [tilespmem:v60+s2+$0x0], $0xffff  }
0x146: {  	s3 =	sadd.s32 $0x1, s3;
	v0 =	vadd.f32 v61, v0  }
0x147: {  	p2 =	sne.s32 s3, $0x10  }
.Ltmp8:
0x148: {  	v0 =	vadd.f32 v62, v0;
	(pc) =	sbr.rel @p2 .LBB2_15-.Ltmp8, $4  }
0x149: {  	_ = 	snop  }
0x14a: {  	s4 =	sand.u32 $0x80, s4;
	v0 =	vadd.f32 v63, v0  }
0x14b: {  	s4 =	sor.u32 s5, s4  }
0x14c: {  	s1 =	sadd.s32 $0x80, s1;
	s0 =	sadd.s32 $0x1, s0;
	[tilespmem:s4+$0x19E80] =	vst v0  }
.Ltmp9:
0x14d: {  	(pc) =	sbr.rel @p1 .LBB2_35-.Ltmp9, $1  }
0x14e: {  	_ =	sdelay $0x3  }
.LBB2_19:
0x14f: {  	s31 =	simm.s32 $0x0;
	s0 =	rddreg [dreg:$0xa]  }
0x150: {  	[tilespmem:s31], [sflag:$0x1] =	stream.linear.gather [hbm4b:s0+s31], $0xCB20, $0x38;
	[tilespmem:$0x1A180] =	vst v63  }
0x151: {  	s24 =	rddreg [dreg:$0xb];
	s1 =	simm.s32 $0x12B80  }
0x152: {  	[tilespmem:s1], [sflag:$0x2] =	stream.strided.gather [hbm4b:s24+s17], $0x3800, s18, s17, $0x38;
	[tilespmem:$0x1A180] =	vst v63  }
0x153: {  	_ =	swait.ge [sflag:s20], $0xCB20  }
0x154: {  	[sflag:s20] =	ssyncset.done $0x0  }
0x155: {  	[sflag:s20] =	ssyncadd.s32 $0xFFFF34E0  }
0x156: {  	_ =	swait.ge [sflag:s21], $0x3800  }
0x157: {  	s29 =	simm.s32 $0x16380;
	[sflag:s21] =	ssyncset.done $0x0  }
0x158: {  	s0 =	simm.s32 $0x0;
	s28 =	rddreg [dreg:$0xc];
	[sflag:s21] =	ssyncadd.s32 $0xFFFFC800  }
0x159: {  	[tilespmem:s29], [sflag:$0x3] =	stream.strided.gather [hbm4b:s28+s17], $0x3800, s18, s17, $0x38;
	[tilespmem:$0x1A180] =	vst v63  }
.LBB2_20:
0x15a: {  	v1 =	vimm.f32 $0.0e+00  }
0x15b: {  	v0 =	vadd.f32 v1, v1;
	_ =	sdelay $0x1  }
0x15c: {  	v0 =	vadd.f32 v1, v0;
	_ =	sdelay $0x1  }
0x15d: {  	s1 =	sshll.u32 s0, $0x7;
	s3 =	sshll.u32 s0, $0x4;
	s29 =	simm.s32 $0x600;
	v2 =	vadd.f32 v1, v0  }
0x15e: {  	s8 =	simm.s32 $0x3E8;
	s10 =	simm.s32 $0x7D0;
	s5 =	simm.s32 $0xBB8  }
0x15f: {  	s4 =	simm.s32 $0xFA0;
	s9 =	sand.u32 $0x3800, s31;
	s11 =	simm.s32 $0x100;
	v2 =	vadd.f32 v1, v2  }
0x160: {  	s24 =	simm.s32 $0x80;
	s13 =	simm.s32 $0x200;
	s6 =	sand.u32 $0x70, s3  }
0x161: {  	s14 =	simm.s32 $0x100;
	s15 =	simm.s32 $0x300;
	s16 =	simm.s32 $0x180;
	v0 =	vmov s6;
	v2 =	vadd.f32 v1, v2  }
0x162: {  	s19 =	simm.s32 $0x1B58;
	s1 =	sand.u32 $0x400, s1;
	s22 =	sand.u32 $0x7800, s11  }
0x163: {  	s11 =	sand.u32 $0x380, s24;
	s7 =	sand.u32 $0x7800, s13;
	s28 =	sor.u32 $0x12B80, s1;
	v2 =	vadd.f32 v1, v2  }
0x164: {  	s13 =	sand.u32 $0x380, s14;
	s9 =	sadd.s32 s9, s28;
	s6 =	sand.u32 $0x380, s31  }
0x165: {  	s24 =	sand.u32 $0x380, s16;
	s12 =	sadd.s32 s6, s9;
	s9 =	sadd.s32 s22, s28;
	v2 =	vadd.f32 v1, v2  }
0x166: {  	s16 =	simm.s32 $0x200;
	s1 =	simm.s32 $0x32C8;
	s11 =	sadd.s32 s11, s9;
	v3 =	vld.idx.msk [tilespmem:v0+s12+$0x0 ss:$0x1], $0xffff  }
0x167: {  	s14 =	sadd.s32 s7, s28;
	s7 =	simm.s32 $0x400;
	s22 =	simm.s32 $0x1770;
	v4 =	vld.idx.msk [tilespmem:v0+s11+$0x0 ss:$0x1], $0xffff;
	v2 =	vadd.f32 v1, v2  }
0x168: {  	s9 =	simm.s32 $0x1388;
	s12 =	sadd.s32 s13, s14;
	s13 =	sand.u32 $0x7800, s15  }
0x169: {  	s15 =	sand.u32 $0x7800, s7;
	s7 =	simm.s32 $0x500;
	s13 =	sadd.s32 s13, s28;
	v5 =	vld.idx.msk [tilespmem:v0+s12+$0x0 ss:$0x1], $0xffff;
	v2 =	vadd.f32 v1, v2  }
0x16a: {  	s11 =	sadd.s32 s24, s13;
	s24 =	sand.u32 $0x380, s16;
	s13 =	sadd.s32 s15, s28  }
0x16b: {  	s15 =	sand.u32 $0x7800, s7;
	s16 =	simm.s32 $0x280;
	s12 =	sadd.s32 s24, s13;
	v3 =	vadd.s32 s31, v3;
	v2 =	vadd.f32 v1, v2  }
0x16c: {  	s14 =	sand.u32 $0x380, s16;
	s13 =	sadd.s32 s15, s28;
	s15 =	simm.s32 $0x600;
	v7 =	vld.idx.msk [tilespmem:v0+s11+$0x0 ss:$0x1], $0xffff;
	v4 =	vadd.s32 s8, v4  }
0x16d: {  	s16 =	simm.s32 $0x700;
	s24 =	sadd.s32 s14, s13;
	s7 =	sand.u32 $0x7800, s15;
	v2 =	vadd.f32 v1, v2  }
0x16e: {  	s14 =	simm.s32 $0x300;
	v9 =	vld.idx.msk [tilespmem:v0+s12+$0x0 ss:$0x1], $0xffff;
	s12 =	simm.s32 $0x380;
	s13 =	simm.s32 $0x800;
	v5 =	vadd.s32 s10, v5  }
0x16f: {  	s15 =	sand.u32 $0x380, s14;
	s11 =	sadd.s32 s7, s28;
	v10 =	vld.idx.msk [tilespmem:v0+s24+$0x0 ss:$0x1], $0xffff;
	s7 =	sand.u32 $0x7800, s16;
	v8 =	vadd.f32 v1, v2  }
0x170: {  	s16 =	simm.s32 $0x480;
	s8 =	simm.s32 $0x6590;
	s24 =	sadd.s32 s15, s11;
	v3 =	vld.idx.msk [tilespmem:v3+s2+$0x0], $0xffff  }
0x171: {  	s11 =	sand.u32 $0x380, s12;
	s10 =	sadd.s32 s7, s28;
	s15 =	sand.u32 $0x7800, s13;
	v6 =	vld.idx.msk [tilespmem:v4+s2+$0x0], $0xffff;
	v11 =	vadd.f32 v1, v8;
	v8 =	vadd.s32 s5, v7  }
0x172: {  	s12 =	sand.u32 $0x380, s16;
	s14 =	sadd.s32 s11, s10;
	v2 =	vld.idx.msk [tilespmem:v0+s24+$0x0 ss:$0x1], $0xffff;
	s24 =	simm.s32 $0x900  }
0x173: {  	s10 =	sadd.s32 s15, s28;
	s11 =	simm.s32 $0x500;
	v4 =	vld.idx.msk [tilespmem:v5+s2+$0x0], $0xffff;
	s13 =	sand.u32 $0x7800, s24;
	v7 =	vadd.s32 s4, v9  }
0x174: {  	s6 =	sadd.s32 s6, s10;
	s10 =	simm.s32 $0xA00;
	v1 =	vld.idx.msk [tilespmem:v0+s14+$0x0 ss:$0x1], $0xffff;
	s13 =	sadd.s32 s13, s28  }
0x175: {  	v5 =	vadd.s32 s9, v10;
	s5 =	simm.s32 $0x0;
	s4 =	simm.s32 $0x0;
	v9 =	vadd.f32 v3, v11;
	v3 =	vld.idx.msk [tilespmem:v0+s6+$0x0 ss:$0x1], $0xffff;
	s6 =	simm.s32 $0x0  }
.LBB2_21:
0x176: {  	p2 =	sne.s32 s8, $0x9858;
	v8 =	vld.idx.msk [tilespmem:v8+s2+$0x0], $0xffff;
	s9 =	sadd.s32 s12, s13;
	s10 =	sand.u32 $0x7800, s10  }
0x177: {  	v2 =	vadd.s32 s22, v2;
	v6 =	vadd.f32 v6, v9;
	v9 =	vld.idx.msk [tilespmem:v0+s9+$0x0 ss:$0x1], $0xffff;
	s9 =	sand.u32 $0x380, s11;
	s10 =	sadd.s32 s10, s28;
	s11 =	sadd.s32 $0xB00, s5  }
0x178: {  	v7 =	vld.idx.msk [tilespmem:v7+s2+$0x0], $0xffff;
	s9 =	sadd.s32 s9, s10;
	s10 =	sand.u32 $0x7800, s11;
	s11 =	sadd.s32 $0xFFFFFF80, s29  }
0x179: {  	v1 =	vadd.s32 s19, v1;
	v4 =	vadd.f32 v4, v6;
	v6 =	vld.idx.msk [tilespmem:v0+s9+$0x0 ss:$0x1], $0xffff;
	s9 =	sand.u32 $0x380, s11;
	s10 =	sadd.s32 s10, s28;
	s11 =	sadd.s32 $0xC00, s5  }
0x17a: {  	s12 =	sadd.s32 $0x1F40, s4;
	v5 =	vld.idx.msk [tilespmem:v5+s2+$0x0], $0xffff;
	s9 =	sadd.s32 s9, s10;
	s10 =	sand.u32 $0x7800, s11  }
0x17b: {  	s13 =	smov.u32 s4;
	v3 =	vadd.s32 s12, v3;
	v4 =	vadd.f32 v8, v4;
	v8 =	vld.idx.msk [tilespmem:v0+s9+$0x0 ss:$0x1], $0xffff;
	s9 =	sand.u32 $0x380, s29;
	s10 =	sadd.s32 s10, s28  }
0x17c: {  	s4 =	smov.u32 s1;
	s11 =	sadd.s32 $0x2328, s13;
	v2 =	vld.idx.msk [tilespmem:v2+s2+$0x0], $0xffff;
	s9 =	sadd.s32 s9, s10  }
0x17d: {  	s6 =	sadd.s32 $0x280, s6;
	s1 =	smov.u32 s8;
	s5 =	sadd.s32 $0xD00, s5;
	v4 =	vadd.f32 v7, v4;
	v7 =	vadd.s32 s11, v9;
	v9 =	vld.idx.msk [tilespmem:v0+s9+$0x0 ss:$0x1], $0xffff  }
0x17e: {  	s14 =	sadd.s32 $0x3E8, s4;
	s29 =	sadd.s32 $0x680, s29;
	s10 =	sadd.s32 $0x2710, s13;
	v1 =	vld.idx.msk [tilespmem:v1+s2+$0x0], $0xffff  }
0x17f: {  	s12 =	sadd.s32 $0x7D0, s4;
	s11 =	sadd.s32 $0xBB8, s4;
	s9 =	sadd.s32 $0xFA0, s4;
	v4 =	vadd.f32 v5, v4;
	v5 =	vadd.s32 s10, v6  }
0x180: {  	s19 =	sadd.s32 $0x2AF8, s13;
	s15 =	sand.u32 $0x3800, s5;
	s13 =	sadd.s32 $0x2EE0, s13;
	v3 =	vld.idx.msk [tilespmem:v3+s2+$0x0], $0xffff  }
0x181: {  	s22 =	sadd.s32 $0x100, s5;
	s15 =	sadd.s32 s15, s28;
	s10 =	sand.u32 $0x380, s6;
	v2 =	vadd.f32 v2, v4;
	v4 =	vadd.s32 s19, v8  }
0x182: {  	s15 =	sadd.s32 s10, s15;
	s19 =	sand.u32 $0x7800, s22;
	s22 =	sadd.s32 $0xFFFFFA80, s29;
	v6 =	vld.idx.msk [tilespmem:v7+s2+$0x0], $0xffff  }
0x183: {  	s19 =	sadd.s32 s19, s28;
	v7 =	vld.idx.msk [tilespmem:v0+s15+$0x0 ss:$0x1], $0xffff;
	s15 =	sand.u32 $0x380, s22;
	s22 =	sadd.s32 $0x200, s5;
	v1 =	vadd.f32 v1, v2;
	v2 =	vadd.s32 s13, v9  }
0x184: {  	s13 =	sadd.s32 s15, s19;
	s15 =	sand.u32 $0x7800, s22;
	s19 =	sadd.s32 $0xFFFFFB00, s29;
	v5 =	vld.idx.msk [tilespmem:v5+s2+$0x0], $0xffff  }
0x185: {  	v8 =	vld.idx.msk [tilespmem:v0+s13+$0x0 ss:$0x1], $0xffff;
	s19 =	sand.u32 $0x380, s19;
	s15 =	sadd.s32 s15, s28;
	s13 =	sadd.s32 $0x1388, s4;
	v1 =	vadd.f32 v3, v1  }
0x186: {  	s22 =	sadd.s32 $0x1770, s4;
	s15 =	sadd.s32 s19, s15;
	s19 =	sadd.s32 $0x300, s5;
	v3 =	vld.idx.msk [tilespmem:v4+s2+$0x0], $0xffff  }
0x187: {  	s16 =	sadd.s32 $0xFFFFFB80, s29;
	v4 =	vld.idx.msk [tilespmem:v0+s15+$0x0 ss:$0x1], $0xffff;
	s15 =	sand.u32 $0x7800, s19;
	s19 =	sadd.s32 $0x1B58, s4;
	v1 =	vadd.f32 v6, v1  }
0x188: {  	s24 =	sadd.s32 $0x400, s5;
	s16 =	sand.u32 $0x380, s16;
	s15 =	sadd.s32 s15, s28;
	v2 =	vld.idx.msk [tilespmem:v2+s2+$0x0], $0xffff  }
0x189: {  	s15 =	sadd.s32 s16, s15;
	s16 =	sand.u32 $0x7800, s24;
	s24 =	sadd.s32 $0xFFFFFC00, s29;
	v1 =	vadd.f32 v5, v1  }
0x18a: {  	v5 =	vadd.s32 s4, v7;
	v6 =	vld.idx.msk [tilespmem:v0+s15+$0x0 ss:$0x1], $0xffff;
	s15 =	sand.u32 $0x380, s24;
	s16 =	sadd.s32 s16, s28;
	s24 =	sadd.s32 $0x500, s5  }
0x18b: {  	s15 =	sadd.s32 s15, s16;
	s16 =	sand.u32 $0x7800, s24;
	s24 =	sadd.s32 $0xFFFFFC80, s29;
	v1 =	vadd.f32 v3, v1  }
0x18c: {  	v3 =	vadd.s32 s14, v8;
	v7 =	vld.idx.msk [tilespmem:v0+s15+$0x0 ss:$0x1], $0xffff;
	s14 =	sand.u32 $0x380, s24;
	s15 =	sadd.s32 s16, s28;
	s16 =	sadd.s32 $0x600, s5  }
0x18d: {  	s14 =	sadd.s32 s14, s15;
	s15 =	sand.u32 $0x7800, s16;
	s16 =	sadd.s32 $0xFFFFFD00, s29;
	v9 =	vadd.f32 v2, v1  }
0x18e: {  	v4 =	vadd.s32 s12, v4;
	v10 =	vld.idx.msk [tilespmem:v0+s14+$0x0 ss:$0x1], $0xffff;
	s12 =	sand.u32 $0x380, s16;
	s14 =	sadd.s32 s15, s28;
	s15 =	sadd.s32 $0x700, s5  }
0x18f: {  	s12 =	sadd.s32 s12, s14;
	s14 =	sand.u32 $0x7800, s15;
	s15 =	sadd.s32 $0xFFFFFD80, s29  }
0x190: {  	v5 =	vld.idx.msk [tilespmem:v5+s2+$0x0], $0xffff;
	v8 =	vadd.s32 s11, v6;
	s11 =	sand.u32 $0x380, s15  }
.Ltmp10:
0x191: {  	v2 =	vld.idx.msk [tilespmem:v0+s12+$0x0 ss:$0x1], $0xffff;
	s12 =	sadd.s32 s14, s28;
	s14 =	sadd.s32 $0x800, s5;
	(pc) =	sbr.rel @p2 .LBB2_21-.Ltmp10, $4  }
0x192: {  	v6 =	vld.idx.msk [tilespmem:v3+s2+$0x0], $0xffff;
	s11 =	sadd.s32 s11, s12;
	s12 =	sand.u32 $0x7800, s14;
	s14 =	sadd.s32 $0xFFFFFE80, s29  }
0x193: {  	v7 =	vadd.s32 s9, v7;
	v1 =	vld.idx.msk [tilespmem:v0+s11+$0x0 ss:$0x1], $0xffff;
	s9 =	sadd.s32 s12, s28;
	s12 =	sadd.s32 $0x900, s5;
	s11 =	sadd.s32 $0xFFFFFF00, s29  }
0x194: {  	v4 =	vld.idx.msk [tilespmem:v4+s2+$0x0], $0xffff;
	s9 =	sadd.s32 s10, s9;
	s15 =	sand.u32 $0x7800, s12;
	s10 =	sadd.s32 $0xA00, s5  }
0x195: {  	s8 =	sadd.s32 $0x32C8, s8;
	s12 =	sand.u32 $0x380, s14;
	v9 =	vadd.f32 v5, v9;
	v5 =	vadd.s32 s13, v10;
	v3 =	vld.idx.msk [tilespmem:v0+s9+$0x0 ss:$0x1], $0xffff;
	s13 =	sadd.s32 s15, s28  }
0x196: {  	_ = 	snop  }
0x197: {  	s8 =	sand.u32 $0x7800, s10;
	s9 =	sand.u32 $0x380, s11;
	s7 =	sadd.s32 s12, s13  }
0x198: {  	s13 =	sadd.s32 $0xB00, s5;
	s15 =	sadd.s32 $0xFFFFFF80, s29;
	s16 =	sadd.s32 $0xC00, s5  }
0x199: {  	v2 =	vadd.s32 s22, v2;
	s22 =	sadd.s32 $0x1F40, s4;
	s24 =	sand.u32 $0x380, s29;
	s10 =	sadd.s32 $0x7D0, s1  }
0x19a: {  	v8 =	vld.idx.msk [tilespmem:v8+s2+$0x0], $0xffff;
	s8 =	sadd.s32 s8, s28;
	s14 =	sand.u32 $0x7800, s13;
	s11 =	sand.u32 $0x380, s15  }
0x19b: {  	s12 =	sand.u32 $0x7800, s16;
	v6 =	vadd.f32 v6, v9;
	v25 =	vld.idx.msk [tilespmem:v0+s7+$0x0 ss:$0x1], $0xffff;
	s7 =	sadd.s32 $0x280, s6;
	s6 =	sadd.s32 $0xD00, s5  }
0x19c: {  	v7 =	vld.idx.msk [tilespmem:v7+s2+$0x0], $0xffff;
	s15 =	sadd.s32 $0x2710, s4;
	s5 =	sadd.s32 $0x680, s29;
	s8 =	sadd.s32 s9, s8  }
0x19d: {  	v5 =	vld.idx.msk [tilespmem:v5+s2+$0x0], $0xffff;
	s9 =	sadd.s32 s14, s28;
	s12 =	sadd.s32 s12, s28;
	s14 =	sadd.s32 $0x2328, s4;
	v1 =	vadd.s32 s19, v1;
	v4 =	vadd.f32 v4, v6  }
0x19e: {  	s16 =	sand.u32 $0x3800, s6;
	s19 =	sadd.s32 $0x2EE0, s4;
	s9 =	sadd.s32 s11, s9;
	v26 =	vld.idx.msk [tilespmem:v0+s8+$0x0 ss:$0x1], $0xffff  }
0x19f: {  	s29 =	sadd.s32 $0x200, s6;
	s12 =	sadd.s32 s24, s12;
	s11 =	sadd.s32 $0x3E8, s1;
	v3 =	vadd.s32 s22, v3;
	v27 =	vld.idx.msk [tilespmem:v0+s9+$0x0 ss:$0x1], $0xffff;
	v4 =	vadd.f32 v8, v4  }
0x1a0: {  	s8 =	sadd.s32 $0xFA0, s1;
	s13 =	sadd.s32 s16, s28;
	s16 =	sadd.s32 $0x100, s6;
	v2 =	vld.idx.msk [tilespmem:v2+s2+$0x0], $0xffff  }
0x1a1: {  	s9 =	sadd.s32 $0xBB8, s1;
	v28 =	vld.idx.msk [tilespmem:v0+s12+$0x0 ss:$0x1], $0xffff;
	v9 =	vadd.s32 s14, v25;
	s14 =	sadd.s32 $0x2AF8, s4;
	s4 =	sand.u32 $0x380, s7;
	v4 =	vadd.f32 v7, v4  }
0x1a2: {  	s22 =	sadd.s32 $0xFFFFFA80, s5;
	v1 =	vld.idx.msk [tilespmem:v1+s2+$0x0], $0xffff;
	s12 =	sadd.s32 s4, s13;
	s13 =	sand.u32 $0x7800, s16  }
0x1a3: {  	s24 =	sand.u32 $0x380, s22;
	s16 =	sand.u32 $0x7800, s29;
	v6 =	vadd.s32 s15, v26;
	s13 =	sadd.s32 s13, s28;
	v30 =	vld.idx.msk [tilespmem:v0+s12+$0x0 ss:$0x1], $0xffff;
	v4 =	vadd.f32 v5, v4  }
0x1a4: {  	s7 =	sadd.s32 $0xFFFFFB00, s5;
	s29 =	sadd.s32 s16, s28;
	v3 =	vld.idx.msk [tilespmem:v3+s2+$0x0], $0xffff;
	s13 =	sadd.s32 s24, s13  }
0x1a5: {  	s12 =	sadd.s32 $0x1388, s1;
	v29 =	vadd.s32 s14, v27;
	s24 =	sand.u32 $0x380, s7;
	s7 =	sadd.s32 $0x300, s6;
	v32 =	vld.idx.msk [tilespmem:v0+s13+$0x0 ss:$0x1], $0xffff;
	v2 =	vadd.f32 v2, v4  }
0x1a6: {  	v7 =	vadd.s32 s19, v28;
	s22 =	sadd.s32 s24, s29;
	s24 =	sand.u32 $0x7800, s7;
	s29 =	sadd.s32 $0xFFFFFB80, s5;
	v31 =	vld.idx.msk [tilespmem:v9+s2+$0x0], $0xffff  }
0x1a7: {  	s7 =	sadd.s32 $0x400, s6;
	s15 =	sand.u32 $0x380, s29;
	s14 =	sadd.s32 s24, s28;
	v34 =	vld.idx.msk [tilespmem:v0+s22+$0x0 ss:$0x1], $0xffff;
	v1 =	vadd.f32 v1, v2  }
0x1a8: {  	s22 =	sand.u32 $0x7800, s7;
	s24 =	sadd.s32 $0xFFFFFC00, s5;
	s19 =	sadd.s32 s15, s14;
	v33 =	vld.idx.msk [tilespmem:v6+s2+$0x0], $0xffff  }
0x1a9: {  	s29 =	sadd.s32 $0x500, s6;
	s15 =	sand.u32 $0x380, s24;
	s14 =	sadd.s32 s22, s28;
	v36 =	vadd.s32 s1, v30;
	v37 =	vld.idx.msk [tilespmem:v0+s19+$0x0 ss:$0x1], $0xffff;
	v1 =	vadd.f32 v3, v1  }
0x1aa: {  	s16 =	sand.u32 $0x7800, s29;
	s24 =	sadd.s32 $0x600, s6;
	s19 =	sadd.s32 $0xFFFFFC80, s5;
	v35 =	vld.idx.msk [tilespmem:v29+s2+$0x0], $0xffff  }
0x1ab: {  	s7 =	sadd.s32 s15, s14;
	s14 =	sadd.s32 s16, s28;
	v38 =	vld.idx.msk [tilespmem:v7+s2+$0x0], $0xffff;
	s22 =	sand.u32 $0x380, s19;
	v39 =	vadd.s32 s11, v32;
	v1 =	vadd.f32 v31, v1  }
0x1ac: {  	s29 =	sand.u32 $0x7800, s24;
	v40 =	vld.idx.msk [tilespmem:v0+s7+$0x0 ss:$0x1], $0xffff;
	s7 =	sadd.s32 $0xFFFFFD00, s5;
	s11 =	sadd.s32 s22, s14  }
0x1ad: {  	s15 =	sadd.s32 $0x700, s6;
	s14 =	sadd.s32 s29, s28;
	v41 =	vadd.s32 s10, v34;
	v42 =	vld.idx.msk [tilespmem:v0+s11+$0x0 ss:$0x1], $0xffff;
	s11 =	sand.u32 $0x380, s7;
	v1 =	vadd.f32 v33, v1  }
0x1ae: {  	s16 =	sand.u32 $0x7800, s15;
	s19 =	sadd.s32 $0xFFFFFD80, s5;
	s10 =	sadd.s32 s11, s14;
	v5 =	vld.idx.msk [tilespmem:v36+s2+$0x0], $0xffff  }
0x1af: {  	s22 =	sand.u32 $0x380, s19;
	s24 =	sadd.s32 s16, s28;
	s29 =	sadd.s32 $0x800, s6;
	v43 =	vadd.s32 s9, v37;
	v44 =	vld.idx.msk [tilespmem:v0+s10+$0x0 ss:$0x1], $0xffff;
	v1 =	vadd.f32 v35, v1  }
0x1b0: {  	s13 =	sadd.s32 $0x1770, s1;
	s7 =	sand.u32 $0x7800, s29;
	s9 =	sadd.s32 s22, s24;
	v7 =	vld.idx.msk [tilespmem:v39+s2+$0x0], $0xffff  }
0x1b1: {  	s15 =	sadd.s32 $0x900, s6;
	s16 =	sadd.s32 $0xFFFFFE80, s5;
	s14 =	sadd.s32 s7, s28;
	v45 =	vadd.s32 s8, v40;
	v46 =	vld.idx.msk [tilespmem:v0+s9+$0x0 ss:$0x1], $0xffff;
	v1 =	vadd.f32 v38, v1  }
0x1b2: {  	s19 =	sand.u32 $0x7800, s15;
	s29 =	sadd.s32 $0xFFFFFF00, s5;
	s4 =	sadd.s32 s4, s14;
	v2 =	vld.idx.msk [tilespmem:v41+s2+$0x0], $0xffff  }
0x1b3: {  	s22 =	sadd.s32 $0xA00, s6;
	s24 =	sand.u32 $0x380, s16;
	v10 =	vld.idx.msk [tilespmem:v0+s4+$0x0 ss:$0x1], $0xffff;
	s8 =	sadd.s32 s19, s28;
	v6 =	vadd.s32 s12, v42;
	v1 =	vadd.f32 v5, v1  }
0x1b4: {  	s11 =	sadd.s32 $0x1B58, s1;
	s7 =	sand.u32 $0x7800, s22;
	s4 =	sadd.s32 s24, s8;
	v3 =	vld.idx.msk [tilespmem:v43+s2+$0x0], $0xffff  }
0x1b5: {  	s10 =	sadd.s32 $0xB00, s6;
	s9 =	sand.u32 $0x380, s29;
	s8 =	sadd.s32 s7, s28;
	v48 =	vld.idx.msk [tilespmem:v0+s4+$0x0 ss:$0x1], $0xffff;
	v47 =	vadd.s32 s13, v44;
	v1 =	vadd.f32 v7, v1  }
0x1b6: {  	s4 =	sadd.s32 s9, s8;
	s12 =	sand.u32 $0x7800, s10;
	s13 =	sadd.s32 $0xFFFFFF80, s5;
	v4 =	vld.idx.msk [tilespmem:v45+s2+$0x0], $0xffff  }
0x1b7: {  	s6 =	sadd.s32 $0xC00, s6;
	v50 =	vld.idx.msk [tilespmem:v0+s4+$0x0 ss:$0x1], $0xffff;
	s8 =	sadd.s32 s12, s28;
	v49 =	vadd.s32 s11, v46;
	s14 =	sand.u32 $0x380, s13;
	v1 =	vadd.f32 v2, v1  }
0x1b8: {  	s15 =	sadd.s32 $0x1F40, s1;
	s6 =	sand.u32 $0x7800, s6;
	s4 =	sadd.s32 s14, s8;
	v51 =	vld.idx.msk [tilespmem:v6+s2+$0x0], $0xffff  }
0x1b9: {  	s16 =	sand.u32 $0x380, s5;
	s19 =	sadd.s32 s6, s28;
	v52 =	vadd.s32 s15, v10;
	v53 =	vld.idx.msk [tilespmem:v0+s4+$0x0 ss:$0x1], $0xffff;
	v1 =	vadd.f32 v3, v1  }
0x1ba: {  	s22 =	sadd.s32 $0x2328, s1;
	s4 =	sadd.s32 s16, s19;
	v54 =	vld.idx.msk [tilespmem:v47+s2+$0x0], $0xffff  }
0x1bb: {  	v55 =	vadd.s32 s22, v48;
	v56 =	vld.idx.msk [tilespmem:v0+s4+$0x0 ss:$0x1], $0xffff;
	v1 =	vadd.f32 v4, v1  }
0x1bc: {  	s24 =	sadd.s32 $0x2710, s1;
	v57 =	vld.idx.msk [tilespmem:v49+s2+$0x0], $0xffff  }
0x1bd: {  	v58 =	vadd.s32 s24, v50;
	v1 =	vadd.f32 v51, v1  }
0x1be: {  	s28 =	sadd.s32 $0x2AF8, s1;
	v59 =	vld.idx.msk [tilespmem:v52+s2+$0x0], $0xffff  }
0x1bf: {  	v60 =	vadd.s32 s28, v53;
	v1 =	vadd.f32 v54, v1  }
0x1c0: {  	s29 =	sadd.s32 $0x2EE0, s1;
	v61 =	vld.idx.msk [tilespmem:v55+s2+$0x0], $0xffff  }
0x1c1: {  	v0 =	vadd.s32 s29, v56;
	v1 =	vadd.f32 v57, v1  }
0x1c2: {  	v62 =	vld.idx.msk [tilespmem:v58+s2+$0x0], $0xffff  }
0x1c3: {  	v1 =	vadd.f32 v59, v1  }
0x1c4: {  	v63 =	vld.idx.msk [tilespmem:v60+s2+$0x0], $0xffff  }
0x1c5: {  	v1 =	vadd.f32 v61, v1  }
0x1c6: {  	v0 =	vld.idx.msk [tilespmem:v0+s2+$0x0], $0xffff  }
0x1c7: {  	s0 =	sadd.s32 $0x1, s0;
	v1 =	vadd.f32 v62, v1  }
0x1c8: {  	p2 =	sne.s32 s0, $0x10  }
.Ltmp11:
0x1c9: {  	v1 =	vadd.f32 v63, v1;
	(pc) =	sbr.rel @p2 .LBB2_20-.Ltmp11, $3  }
0x1ca: {  	_ = 	snop  }
0x1cb: {  	v0 =	vadd.f32 v0, v1;
	_ =	sdelay $0x1  }
0x1cc: {  	[tilespmem:s3+$0x19B80] =	vst v0  }
0x1cd: {  	_ =	swait.ge [sflag:s23], $0x3800  }
0x1ce: {  	[sflag:s23] =	ssyncset.done $0x0  }
0x1cf: {  	s1 =	simm.s32 $0x12B80;
	s0 =	rddreg [dreg:$0xd];
	[sflag:s23] =	ssyncadd.s32 $0xFFFFC800  }
0x1d0: {  	[tilespmem:s1], [sflag:$0x2] =	stream.strided.gather [hbm4b:s0+s17], $0x3800, s18, s17, $0x38;
	[tilespmem:$0x1A180] =	vst v63  }
0x1d1: {  	s31 =	simm.s32 $0x0;
	s0 =	simm.s32 $0x0  }
.LBB2_24:
0x1d2: {  	v1 =	vimm.f32 $0.0e+00  }
0x1d3: {  	v0 =	vadd.f32 v1, v1;
	_ =	sdelay $0x1  }
0x1d4: {  	v0 =	vadd.f32 v1, v0;
	_ =	sdelay $0x1  }
0x1d5: {  	s1 =	sshll.u32 s0, $0x7;
	s3 =	sshll.u32 s0, $0x4;
	s28 =	simm.s32 $0x32C8;
	v2 =	vadd.f32 v1, v0  }
0x1d6: {  	s11 =	simm.s32 $0x3E8;
	s12 =	simm.s32 $0x7D0;
	s6 =	simm.s32 $0xBB8  }
0x1d7: {  	s5 =	simm.s32 $0xFA0;
	s9 =	sand.u32 $0x3800, s31;
	s8 =	sand.u32 $0x380, s31;
	v2 =	vadd.f32 v1, v2  }
0x1d8: {  	s10 =	simm.s32 $0x100;
	s4 =	sand.u32 $0x400, s1;
	s1 =	sand.u32 $0x70, s3  }
0x1d9: {  	s13 =	simm.s32 $0x80;
	s14 =	simm.s32 $0x200;
	s24 =	simm.s32 $0x100;
	v0 =	vmov s1;
	v2 =	vadd.f32 v1, v2  }
0x1da: {  	s7 =	simm.s32 $0x300;
	s16 =	simm.s32 $0x180;
	s19 =	simm.s32 $0x400  }
0x1db: {  	s10 =	sand.u32 $0x7800, s10;
	s13 =	sand.u32 $0x380, s13;
	s29 =	sor.u32 $0x16380, s4;
	v2 =	vadd.f32 v1, v2  }
0x1dc: {  	s22 =	sand.u32 $0x7800, s14;
	s14 =	sand.u32 $0x380, s24;
	s9 =	sadd.s32 s9, s29  }
0x1dd: {  	s16 =	sand.u32 $0x380, s16;
	s10 =	sadd.s32 s10, s29;
	s9 =	sadd.s32 s8, s9;
	v2 =	vadd.f32 v1, v2  }
0x1de: {  	s24 =	sand.u32 $0x7800, s19;
	s19 =	simm.s32 $0x500;
	s13 =	sadd.s32 s13, s10;
	v3 =	vld.idx.msk [tilespmem:v0+s9+$0x0 ss:$0x1], $0xffff  }
0x1df: {  	s4 =	simm.s32 $0x600;
	s15 =	sadd.s32 s22, s29;
	s22 =	simm.s32 $0x1B58;
	v4 =	vld.idx.msk [tilespmem:v0+s13+$0x0 ss:$0x1], $0xffff;
	v2 =	vadd.f32 v1, v2  }
0x1e0: {  	s10 =	simm.s32 $0x1388;
	s14 =	sadd.s32 s14, s15;
	s15 =	sand.u32 $0x7800, s7  }
0x1e1: {  	s7 =	simm.s32 $0x200;
	s15 =	sadd.s32 s15, s29;
	s9 =	simm.s32 $0x1770;
	v5 =	vld.idx.msk [tilespmem:v0+s14+$0x0 ss:$0x1], $0xffff;
	v2 =	vadd.f32 v1, v2  }
0x1e2: {  	s13 =	sadd.s32 s16, s15;
	s16 =	sand.u32 $0x380, s7;
	s15 =	sadd.s32 s24, s29  }
0x1e3: {  	s24 =	sand.u32 $0x7800, s19;
	s7 =	simm.s32 $0x280;
	s19 =	simm.s32 $0x600;
	v3 =	vadd.s32 s31, v3;
	v2 =	vadd.f32 v1, v2  }
0x1e4: {  	s14 =	sadd.s32 s16, s15;
	s16 =	sand.u32 $0x380, s7;
	s15 =	sadd.s32 s24, s29;
	v7 =	vld.idx.msk [tilespmem:v0+s13+$0x0 ss:$0x1], $0xffff;
	v4 =	vadd.s32 s11, v4  }
0x1e5: {  	s11 =	sadd.s32 s16, s15;
	s16 =	sand.u32 $0x7800, s19;
	s19 =	simm.s32 $0x300;
	v2 =	vadd.f32 v1, v2  }
0x1e6: {  	s7 =	simm.s32 $0x700;
	v9 =	vld.idx.msk [tilespmem:v0+s14+$0x0 ss:$0x1], $0xffff;
	v5 =	vadd.s32 s12, v5;
	s24 =	sand.u32 $0x380, s19;
	s13 =	sadd.s32 s16, s29  }
0x1e7: {  	v10 =	vld.idx.msk [tilespmem:v0+s11+$0x0 ss:$0x1], $0xffff;
	s19 =	sand.u32 $0x7800, s7;
	s7 =	simm.s32 $0x800;
	s11 =	simm.s32 $0xA00;
	v8 =	vadd.f32 v1, v2  }
0x1e8: {  	s16 =	sadd.s32 s24, s13;
	s24 =	simm.s32 $0x380;
	s12 =	sadd.s32 s19, s29;
	v3 =	vld.idx.msk [tilespmem:v3+s2+$0x0], $0xffff  }
0x1e9: {  	s15 =	sand.u32 $0x7800, s7;
	s19 =	simm.s32 $0x900;
	s13 =	sand.u32 $0x380, s24;
	v6 =	vld.idx.msk [tilespmem:v4+s2+$0x0], $0xffff;
	v11 =	vadd.f32 v1, v8;
	v8 =	vadd.s32 s6, v7  }
0x1ea: {  	s14 =	sadd.s32 s15, s29;
	s24 =	sand.u32 $0x7800, s19;
	s19 =	simm.s32 $0x6590;
	v2 =	vld.idx.msk [tilespmem:v0+s16+$0x0 ss:$0x1], $0xffff  }
0x1eb: {  	s13 =	sadd.s32 s13, s12;
	s12 =	simm.s32 $0x500;
	v4 =	vld.idx.msk [tilespmem:v5+s2+$0x0], $0xffff;
	s16 =	simm.s32 $0x480;
	v7 =	vadd.s32 s5, v9  }
0x1ec: {  	s8 =	sadd.s32 s8, s14;
	s14 =	sadd.s32 s24, s29;
	v1 =	vld.idx.msk [tilespmem:v0+s13+$0x0 ss:$0x1], $0xffff;
	s13 =	sand.u32 $0x380, s16  }
0x1ed: {  	v5 =	vadd.s32 s10, v10;
	s6 =	simm.s32 $0x0;
	s5 =	simm.s32 $0x0;
	v9 =	vadd.f32 v3, v11;
	v3 =	vld.idx.msk [tilespmem:v0+s8+$0x0 ss:$0x1], $0xffff;
	s8 =	simm.s32 $0x0  }
.LBB2_25:
0x1ee: {  	p2 =	sne.s32 s19, $0x9858;
	v8 =	vld.idx.msk [tilespmem:v8+s2+$0x0], $0xffff;
	s10 =	sadd.s32 s13, s14;
	s11 =	sand.u32 $0x7800, s11  }
0x1ef: {  	v2 =	vadd.s32 s9, v2;
	s9 =	sand.u32 $0x380, s12;
	v6 =	vadd.f32 v6, v9;
	v9 =	vld.idx.msk [tilespmem:v0+s10+$0x0 ss:$0x1], $0xffff;
	s10 =	sadd.s32 s11, s29;
	s11 =	sadd.s32 $0xB00, s6  }
0x1f0: {  	v7 =	vld.idx.msk [tilespmem:v7+s2+$0x0], $0xffff;
	s9 =	sadd.s32 s9, s10;
	s10 =	sand.u32 $0x7800, s11;
	s11 =	sadd.s32 $0xFFFFFF80, s4  }
0x1f1: {  	v1 =	vadd.s32 s22, v1;
	v4 =	vadd.f32 v4, v6;
	v6 =	vld.idx.msk [tilespmem:v0+s9+$0x0 ss:$0x1], $0xffff;
	s9 =	sand.u32 $0x380, s11;
	s10 =	sadd.s32 s10, s29;
	s11 =	sadd.s32 $0xC00, s6  }
0x1f2: {  	s12 =	sadd.s32 $0x1F40, s5;
	v5 =	vld.idx.msk [tilespmem:v5+s2+$0x0], $0xffff;
	s9 =	sadd.s32 s9, s10;
	s10 =	sand.u32 $0x7800, s11  }
0x1f3: {  	v3 =	vadd.s32 s12, v3;
	s11 =	smov.u32 s5;
	v4 =	vadd.f32 v8, v4;
	v8 =	vld.idx.msk [tilespmem:v0+s9+$0x0 ss:$0x1], $0xffff;
	s9 =	sand.u32 $0x380, s4;
	s10 =	sadd.s32 s10, s29  }
0x1f4: {  	s5 =	smov.u32 s28;
	s12 =	sadd.s32 $0x2328, s11;
	v2 =	vld.idx.msk [tilespmem:v2+s2+$0x0], $0xffff;
	s9 =	sadd.s32 s9, s10  }
0x1f5: {  	s8 =	sadd.s32 $0x280, s8;
	s6 =	sadd.s32 $0xD00, s6;
	s28 =	smov.u32 s19;
	v4 =	vadd.f32 v7, v4;
	v7 =	vadd.s32 s12, v9;
	v9 =	vld.idx.msk [tilespmem:v0+s9+$0x0 ss:$0x1], $0xffff  }
0x1f6: {  	s15 =	sadd.s32 $0x3E8, s5;
	s4 =	sadd.s32 $0x680, s4;
	s9 =	sadd.s32 $0x2710, s11;
	v1 =	vld.idx.msk [tilespmem:v1+s2+$0x0], $0xffff  }
0x1f7: {  	s13 =	sadd.s32 $0x7D0, s5;
	s10 =	sadd.s32 $0xFA0, s5;
	s12 =	sadd.s32 $0xBB8, s5;
	v4 =	vadd.f32 v5, v4;
	v5 =	vadd.s32 s9, v6  }
0x1f8: {  	s14 =	sadd.s32 $0x2AF8, s11;
	s16 =	sadd.s32 $0x2EE0, s11;
	s9 =	sand.u32 $0x3800, s6;
	v3 =	vld.idx.msk [tilespmem:v3+s2+$0x0], $0xffff  }
0x1f9: {  	s22 =	sadd.s32 $0x100, s6;
	s11 =	sand.u32 $0x380, s8;
	s9 =	sadd.s32 s9, s29;
	v2 =	vadd.f32 v2, v4;
	v4 =	vadd.s32 s14, v8  }
0x1fa: {  	s9 =	sadd.s32 s11, s9;
	s14 =	sand.u32 $0x7800, s22;
	s22 =	sadd.s32 $0xFFFFFA80, s4;
	v6 =	vld.idx.msk [tilespmem:v7+s2+$0x0], $0xffff  }
0x1fb: {  	s14 =	sadd.s32 s14, s29;
	v7 =	vld.idx.msk [tilespmem:v0+s9+$0x0 ss:$0x1], $0xffff;
	s9 =	sand.u32 $0x380, s22;
	s22 =	sadd.s32 $0x200, s6;
	v1 =	vadd.f32 v1, v2;
	v2 =	vadd.s32 s16, v9  }
0x1fc: {  	s16 =	sadd.s32 $0xFFFFFB00, s4;
	s9 =	sadd.s32 s9, s14;
	s14 =	sand.u32 $0x7800, s22;
	v5 =	vld.idx.msk [tilespmem:v5+s2+$0x0], $0xffff  }
0x1fd: {  	v8 =	vld.idx.msk [tilespmem:v0+s9+$0x0 ss:$0x1], $0xffff;
	s9 =	sand.u32 $0x380, s16;
	s16 =	sadd.s32 s14, s29;
	s14 =	sadd.s32 $0x1388, s5;
	v1 =	vadd.f32 v3, v1  }
0x1fe: {  	s22 =	sadd.s32 $0x300, s6;
	s16 =	sadd.s32 s9, s16;
	s9 =	sadd.s32 $0x1770, s5;
	v3 =	vld.idx.msk [tilespmem:v4+s2+$0x0], $0xffff  }
0x1ff: {  	s24 =	sadd.s32 $0xFFFFFB80, s4;
	v4 =	vld.idx.msk [tilespmem:v0+s16+$0x0 ss:$0x1], $0xffff;
	s16 =	sand.u32 $0x7800, s22;
	s22 =	sadd.s32 $0x1B58, s5;
	v1 =	vadd.f32 v6, v1  }
0x200: {  	s7 =	sadd.s32 $0x400, s6;
	s24 =	sand.u32 $0x380, s24;
	s16 =	sadd.s32 s16, s29;
	v2 =	vld.idx.msk [tilespmem:v2+s2+$0x0], $0xffff  }
0x201: {  	s7 =	sand.u32 $0x7800, s7;
	s16 =	sadd.s32 s24, s16;
	s24 =	sadd.s32 $0xFFFFFC00, s4;
	v1 =	vadd.f32 v5, v1  }
0x202: {  	s7 =	sadd.s32 s7, s29;
	v5 =	vadd.s32 s5, v7;
	v6 =	vld.idx.msk [tilespmem:v0+s16+$0x0 ss:$0x1], $0xffff;
	s16 =	sand.u32 $0x380, s24;
	s24 =	sadd.s32 $0x500, s6  }
0x203: {  	s7 =	sadd.s32 s16, s7;
	s16 =	sand.u32 $0x7800, s24;
	s24 =	sadd.s32 $0xFFFFFC80, s4;
	v1 =	vadd.f32 v3, v1  }
0x204: {  	v3 =	vadd.s32 s15, v8;
	v7 =	vld.idx.msk [tilespmem:v0+s7+$0x0 ss:$0x1], $0xffff;
	s7 =	sand.u32 $0x380, s24;
	s15 =	sadd.s32 s16, s29;
	s16 =	sadd.s32 $0x600, s6  }
0x205: {  	s7 =	sadd.s32 s7, s15;
	s15 =	sand.u32 $0x7800, s16;
	s16 =	sadd.s32 $0xFFFFFD00, s4;
	v9 =	vadd.f32 v2, v1  }
0x206: {  	v4 =	vadd.s32 s13, v4;
	v10 =	vld.idx.msk [tilespmem:v0+s7+$0x0 ss:$0x1], $0xffff;
	s7 =	sand.u32 $0x380, s16;
	s13 =	sadd.s32 s15, s29;
	s15 =	sadd.s32 $0x700, s6  }
0x207: {  	v5 =	vld.idx.msk [tilespmem:v5+s2+$0x0], $0xffff;
	s7 =	sadd.s32 s7, s13;
	s13 =	sand.u32 $0x7800, s15;
	s15 =	sadd.s32 $0xFFFFFD80, s4  }
0x208: {  	v2 =	vld.idx.msk [tilespmem:v0+s7+$0x0 ss:$0x1], $0xffff;
	s7 =	sand.u32 $0x380, s15  }
.Ltmp12:
0x209: {  	v8 =	vadd.s32 s12, v6;
	s12 =	sadd.s32 s13, s29;
	s13 =	sadd.s32 $0x800, s6;
	(pc) =	sbr.rel @p2 .LBB2_25-.Ltmp12, $4  }
0x20a: {  	v6 =	vld.idx.msk [tilespmem:v3+s2+$0x0], $0xffff;
	s7 =	sadd.s32 s7, s12;
	s12 =	sand.u32 $0x7800, s13;
	s13 =	sadd.s32 $0xFFFFFE80, s4  }
0x20b: {  	v7 =	vadd.s32 s10, v7;
	s10 =	sadd.s32 $0x900, s6;
	v1 =	vld.idx.msk [tilespmem:v0+s7+$0x0 ss:$0x1], $0xffff;
	s7 =	sadd.s32 s12, s29;
	s12 =	sadd.s32 $0xFFFFFF00, s4  }
0x20c: {  	s10 =	sand.u32 $0x7800, s10;
	v4 =	vld.idx.msk [tilespmem:v4+s2+$0x0], $0xffff;
	s7 =	sadd.s32 s11, s7;
	s11 =	sadd.s32 $0xA00, s6  }
0x20d: {  	s19 =	sadd.s32 $0x32C8, s19;
	s13 =	sand.u32 $0x380, s13;
	v9 =	vadd.f32 v5, v9;
	v5 =	vadd.s32 s14, v10;
	v3 =	vld.idx.msk [tilespmem:v0+s7+$0x0 ss:$0x1], $0xffff;
	s14 =	sadd.s32 s10, s29  }
0x20e: {  	_ =	sdelay $0x1  }
0x20f: {  	s7 =	sand.u32 $0x7800, s11;
	s10 =	sand.u32 $0x380, s12;
	s16 =	sadd.s32 s13, s14  }
0x210: {  	s19 =	sadd.s32 $0xB00, s6;
	s13 =	sadd.s32 $0xFFFFFF80, s4;
	s14 =	sadd.s32 $0xC00, s6  }
0x211: {  	v8 =	vld.idx.msk [tilespmem:v8+s2+$0x0], $0xffff;
	s15 =	sadd.s32 $0x1F40, s5;
	s6 =	sadd.s32 $0xD00, s6;
	s11 =	sadd.s32 $0x3E8, s28  }
0x212: {  	v2 =	vadd.s32 s9, v2;
	v7 =	vld.idx.msk [tilespmem:v7+s2+$0x0], $0xffff;
	s9 =	sadd.s32 $0xBB8, s28;
	s7 =	sadd.s32 s7, s29;
	s24 =	sand.u32 $0x7800, s19  }
0x213: {  	s12 =	sand.u32 $0x380, s13;
	s13 =	sand.u32 $0x7800, s14;
	v6 =	vadd.f32 v6, v9;
	v25 =	vld.idx.msk [tilespmem:v0+s16+$0x0 ss:$0x1], $0xffff;
	s16 =	sand.u32 $0x380, s4  }
0x214: {  	v5 =	vld.idx.msk [tilespmem:v5+s2+$0x0], $0xffff;
	s19 =	sadd.s32 $0x2328, s5;
	s7 =	sadd.s32 s10, s7;
	s10 =	sadd.s32 s24, s29  }
0x215: {  	s4 =	sadd.s32 $0x680, s4;
	s13 =	sadd.s32 s13, s29;
	v1 =	vadd.s32 s22, v1;
	s12 =	sadd.s32 s12, s10;
	v4 =	vadd.f32 v4, v6;
	v26 =	vld.idx.msk [tilespmem:v0+s7+$0x0 ss:$0x1], $0xffff  }
0x216: {  	s14 =	sadd.s32 $0x2AF8, s5;
	s22 =	sadd.s32 $0x280, s8;
	s13 =	sadd.s32 s16, s13;
	v27 =	vld.idx.msk [tilespmem:v0+s12+$0x0 ss:$0x1], $0xffff  }
0x217: {  	s8 =	sadd.s32 $0xFA0, s28;
	s24 =	sand.u32 $0x3800, s6;
	s10 =	sadd.s32 $0x7D0, s28;
	v3 =	vadd.s32 s15, v3;
	v28 =	vld.idx.msk [tilespmem:v0+s13+$0x0 ss:$0x1], $0xffff;
	v4 =	vadd.f32 v8, v4  }
0x218: {  	s16 =	sadd.s32 $0x2EE0, s5;
	s15 =	sadd.s32 $0x2710, s5;
	s5 =	sand.u32 $0x380, s22;
	v2 =	vld.idx.msk [tilespmem:v2+s2+$0x0], $0xffff  }
0x219: {  	s13 =	sadd.s32 s24, s29;
	s22 =	sadd.s32 $0xFFFFFA80, s4;
	v9 =	vadd.s32 s19, v25;
	s19 =	sadd.s32 $0x100, s6;
	v4 =	vadd.f32 v7, v4  }
0x21a: {  	s24 =	sadd.s32 $0x200, s6;
	s7 =	sadd.s32 s5, s13;
	v1 =	vld.idx.msk [tilespmem:v1+s2+$0x0], $0xffff;
	s12 =	sand.u32 $0x7800, s19  }
0x21b: {  	s13 =	sand.u32 $0x380, s22;
	s22 =	sadd.s32 $0x300, s6;
	v30 =	vld.idx.msk [tilespmem:v0+s7+$0x0 ss:$0x1], $0xffff;
	v6 =	vadd.s32 s15, v26;
	s12 =	sadd.s32 s12, s29;
	v4 =	vadd.f32 v5, v4  }
0x21c: {  	s19 =	sadd.s32 $0xFFFFFB00, s4;
	v3 =	vld.idx.msk [tilespmem:v3+s2+$0x0], $0xffff;
	v29 =	vadd.s32 s14, v27;
	s13 =	sadd.s32 s13, s12;
	s14 =	sand.u32 $0x7800, s24  }
0x21d: {  	s15 =	sand.u32 $0x380, s19;
	v7 =	vadd.s32 s16, v28;
	s16 =	sadd.s32 $0xFFFFFB80, s4;
	s19 =	sadd.s32 s14, s29;
	v32 =	vld.idx.msk [tilespmem:v0+s13+$0x0 ss:$0x1], $0xffff;
	v2 =	vadd.f32 v2, v4  }
0x21e: {  	s12 =	sadd.s32 $0x1388, s28;
	s14 =	sand.u32 $0x380, s16;
	v31 =	vld.idx.msk [tilespmem:v9+s2+$0x0], $0xffff;
	s24 =	sadd.s32 s15, s19  }
0x21f: {  	s16 =	sadd.s32 $0x500, s6;
	s15 =	sand.u32 $0x7800, s22;
	s19 =	sadd.s32 $0x400, s6;
	v34 =	vld.idx.msk [tilespmem:v0+s24+$0x0 ss:$0x1], $0xffff;
	v1 =	vadd.f32 v1, v2  }
0x220: {  	v36 =	vadd.s32 s28, v30;
	s13 =	sadd.s32 s15, s29;
	s24 =	sand.u32 $0x7800, s19;
	s15 =	sadd.s32 $0xFFFFFC00, s4;
	v33 =	vld.idx.msk [tilespmem:v6+s2+$0x0], $0xffff  }
0x221: {  	s22 =	sadd.s32 s14, s13;
	s14 =	sand.u32 $0x380, s15;
	s13 =	sadd.s32 s24, s29;
	v35 =	vld.idx.msk [tilespmem:v29+s2+$0x0], $0xffff;
	v1 =	vadd.f32 v3, v1  }
0x222: {  	s24 =	sadd.s32 $0xFFFFFC80, s4;
	v37 =	vld.idx.msk [tilespmem:v0+s22+$0x0 ss:$0x1], $0xffff;
	s19 =	sadd.s32 s14, s13;
	s22 =	sand.u32 $0x7800, s16  }
0x223: {  	v38 =	vld.idx.msk [tilespmem:v7+s2+$0x0], $0xffff;
	s15 =	sand.u32 $0x380, s24;
	s16 =	sadd.s32 $0x600, s6;
	v39 =	vadd.s32 s11, v32;
	s13 =	sadd.s32 s22, s29;
	v1 =	vadd.f32 v31, v1  }
0x224: {  	s24 =	sadd.s32 $0xFFFFFD00, s4;
	v40 =	vld.idx.msk [tilespmem:v0+s19+$0x0 ss:$0x1], $0xffff;
	s22 =	sand.u32 $0x7800, s16;
	s19 =	sadd.s32 s15, s13  }
0x225: {  	s11 =	sadd.s32 s22, s29;
	s13 =	sadd.s32 $0x700, s6;
	v5 =	vld.idx.msk [tilespmem:v36+s2+$0x0], $0xffff;
	v41 =	vadd.s32 s10, v34;
	s10 =	sand.u32 $0x380, s24;
	v1 =	vadd.f32 v33, v1  }
0x226: {  	s15 =	sadd.s32 $0xFFFFFD80, s4;
	v42 =	vld.idx.msk [tilespmem:v0+s19+$0x0 ss:$0x1], $0xffff;
	s14 =	sand.u32 $0x7800, s13;
	s7 =	sadd.s32 s10, s11  }
0x227: {  	s22 =	sadd.s32 $0x800, s6;
	s16 =	sand.u32 $0x380, s15;
	s19 =	sadd.s32 s14, s29;
	v43 =	vadd.s32 s9, v37;
	v44 =	vld.idx.msk [tilespmem:v0+s7+$0x0 ss:$0x1], $0xffff;
	v1 =	vadd.f32 v35, v1  }
0x228: {  	s24 =	sand.u32 $0x7800, s22;
	s15 =	sadd.s32 $0xFFFFFE80, s4;
	s7 =	sadd.s32 s16, s19;
	v7 =	vld.idx.msk [tilespmem:v39+s2+$0x0], $0xffff  }
0x229: {  	s11 =	sadd.s32 $0x1770, s28;
	s13 =	sadd.s32 s24, s29;
	s14 =	sadd.s32 $0x900, s6;
	v45 =	vadd.s32 s8, v40;
	v46 =	vld.idx.msk [tilespmem:v0+s7+$0x0 ss:$0x1], $0xffff;
	v1 =	vadd.f32 v38, v1  }
0x22a: {  	s10 =	sadd.s32 $0x1B58, s28;
	s5 =	sadd.s32 s5, s13;
	s16 =	sand.u32 $0x7800, s14;
	v2 =	vld.idx.msk [tilespmem:v41+s2+$0x0], $0xffff  }
0x22b: {  	s22 =	sand.u32 $0x380, s15;
	s19 =	sadd.s32 $0xA00, s6;
	v10 =	vld.idx.msk [tilespmem:v0+s5+$0x0 ss:$0x1], $0xffff;
	s7 =	sadd.s32 s16, s29;
	v6 =	vadd.s32 s12, v42;
	v1 =	vadd.f32 v5, v1  }
0x22c: {  	s24 =	sadd.s32 $0xFFFFFF00, s4;
	s8 =	sand.u32 $0x7800, s19;
	s5 =	sadd.s32 s22, s7;
	v3 =	vld.idx.msk [tilespmem:v43+s2+$0x0], $0xffff  }
0x22d: {  	s9 =	sand.u32 $0x380, s24;
	s7 =	sadd.s32 s8, s29;
	v48 =	vld.idx.msk [tilespmem:v0+s5+$0x0 ss:$0x1], $0xffff;
	v47 =	vadd.s32 s11, v44;
	s11 =	sadd.s32 $0xB00, s6;
	v1 =	vadd.f32 v7, v1  }
0x22e: {  	s13 =	sadd.s32 $0xFFFFFF80, s4;
	s5 =	sadd.s32 s9, s7;
	v4 =	vld.idx.msk [tilespmem:v45+s2+$0x0], $0xffff;
	s12 =	sand.u32 $0x7800, s11  }
0x22f: {  	s14 =	sand.u32 $0x380, s13;
	v50 =	vld.idx.msk [tilespmem:v0+s5+$0x0 ss:$0x1], $0xffff;
	s6 =	sadd.s32 $0xC00, s6;
	v49 =	vadd.s32 s10, v46;
	s7 =	sadd.s32 s12, s29;
	v1 =	vadd.f32 v2, v1  }
0x230: {  	s15 =	sadd.s32 $0x1F40, s28;
	s6 =	sand.u32 $0x7800, s6;
	v51 =	vld.idx.msk [tilespmem:v6+s2+$0x0], $0xffff;
	s5 =	sadd.s32 s14, s7  }
0x231: {  	s4 =	sand.u32 $0x380, s4;
	v52 =	vadd.s32 s15, v10;
	s16 =	sadd.s32 s6, s29;
	v53 =	vld.idx.msk [tilespmem:v0+s5+$0x0 ss:$0x1], $0xffff;
	v1 =	vadd.f32 v3, v1  }
0x232: {  	s19 =	sadd.s32 $0x2328, s28;
	s4 =	sadd.s32 s4, s16;
	v54 =	vld.idx.msk [tilespmem:v47+s2+$0x0], $0xffff  }
0x233: {  	v55 =	vadd.s32 s19, v48;
	v56 =	vld.idx.msk [tilespmem:v0+s4+$0x0 ss:$0x1], $0xffff;
	v1 =	vadd.f32 v4, v1  }
0x234: {  	s22 =	sadd.s32 $0x2710, s28;
	v57 =	vld.idx.msk [tilespmem:v49+s2+$0x0], $0xffff  }
0x235: {  	v58 =	vadd.s32 s22, v50;
	v1 =	vadd.f32 v51, v1  }
0x236: {  	s24 =	sadd.s32 $0x2AF8, s28;
	v59 =	vld.idx.msk [tilespmem:v52+s2+$0x0], $0xffff  }
0x237: {  	v60 =	vadd.s32 s24, v53;
	v1 =	vadd.f32 v54, v1  }
0x238: {  	s29 =	sadd.s32 $0x2EE0, s28;
	v61 =	vld.idx.msk [tilespmem:v55+s2+$0x0], $0xffff  }
0x239: {  	v0 =	vadd.s32 s29, v56;
	v1 =	vadd.f32 v57, v1  }
0x23a: {  	v62 =	vld.idx.msk [tilespmem:v58+s2+$0x0], $0xffff  }
0x23b: {  	v1 =	vadd.f32 v59, v1  }
0x23c: {  	v63 =	vld.idx.msk [tilespmem:v60+s2+$0x0], $0xffff  }
0x23d: {  	v1 =	vadd.f32 v61, v1  }
0x23e: {  	v0 =	vld.idx.msk [tilespmem:v0+s2+$0x0], $0xffff  }
0x23f: {  	s0 =	sadd.s32 $0x1, s0;
	v1 =	vadd.f32 v62, v1  }
0x240: {  	p2 =	sne.s32 s0, $0x10  }
.Ltmp13:
0x241: {  	v1 =	vadd.f32 v63, v1;
	(pc) =	sbr.rel @p2 .LBB2_24-.Ltmp13, $4  }
0x242: {  	_ = 	snop  }
0x243: {  	s3 =	sand.u32 $0x80, s3;
	v0 =	vadd.f32 v0, v1  }
0x244: {  	s1 =	sor.u32 s1, s3  }
0x245: {  	[tilespmem:s1+$0x19C80] =	vst v0  }
0x246: {  	s0 =	rddreg [dreg:$0x8];
	s1 =	simm.s32 $0x19B80  }
0x247: {  	[spmem:s0] =	stream.linear.scatter [tilespmem:s1], [sflag:$0x5], $0x200, $0x38;
	[tilespmem:$0x1A180] =	vst v63  }
0x248: {  	_ =	swait.ge [sflag:s25], $0x200  }
0x249: {  	[sflag:s25] =	ssyncset.done $0x0  }
0x24a: {  	[sflag:s25] =	ssyncadd.s32 $0xFFFFFE00  }
0x24b: {  	_ =	swait.ge [sflag:s21], $0x3800  }
0x24c: {  	s29 =	simm.s32 $0x16380;
	s31 =	simm.s32 $0x0;
	[sflag:s21] =	ssyncset.done $0x0  }
0x24d: {  	s0 =	simm.s32 $0x0;
	s28 =	rddreg [dreg:$0xe];
	[sflag:s21] =	ssyncadd.s32 $0xFFFFC800  }
0x24e: {  	[tilespmem:s29], [sflag:$0x3] =	stream.strided.gather [hbm4b:s28+s17], $0x3800, s18, s17, $0x38;
	[tilespmem:$0x1A180] =	vst v63  }
.LBB2_28:
0x24f: {  	v1 =	vimm.f32 $0.0e+00  }
0x250: {  	v0 =	vadd.f32 v1, v1;
	_ =	sdelay $0x1  }
0x251: {  	v0 =	vadd.f32 v1, v0;
	_ =	sdelay $0x1  }
0x252: {  	s1 =	sshll.u32 s0, $0x7;
	s3 =	sshll.u32 s0, $0x4;
	s28 =	simm.s32 $0x32C8;
	v2 =	vadd.f32 v1, v0  }
0x253: {  	s7 =	simm.s32 $0x3E8;
	s11 =	simm.s32 $0x7D0;
	s6 =	simm.s32 $0xBB8  }
0x254: {  	s5 =	simm.s32 $0xFA0;
	s9 =	sand.u32 $0x3800, s31;
	s8 =	sand.u32 $0x380, s31;
	v2 =	vadd.f32 v1, v2  }
0x255: {  	s10 =	simm.s32 $0x100;
	s4 =	sand.u32 $0x400, s1;
	s1 =	sand.u32 $0x70, s3  }
0x256: {  	s12 =	simm.s32 $0x80;
	s13 =	simm.s32 $0x200;
	s22 =	simm.s32 $0x100;
	v0 =	vmov s1;
	v2 =	vadd.f32 v1, v2  }
0x257: {  	s24 =	simm.s32 $0x300;
	s15 =	simm.s32 $0x180;
	s16 =	simm.s32 $0x400  }
0x258: {  	s10 =	sand.u32 $0x7800, s10;
	s12 =	sand.u32 $0x380, s12;
	s29 =	sor.u32 $0x12B80, s4;
	v2 =	vadd.f32 v1, v2  }
0x259: {  	s19 =	sand.u32 $0x7800, s13;
	s13 =	sand.u32 $0x380, s22;
	s9 =	sadd.s32 s9, s29  }
0x25a: {  	s22 =	simm.s32 $0x1B58;
	s10 =	sadd.s32 s10, s29;
	s9 =	sadd.s32 s8, s9;
	v2 =	vadd.f32 v1, v2  }
0x25b: {  	s15 =	sand.u32 $0x380, s15;
	s4 =	simm.s32 $0x600;
	s12 =	sadd.s32 s12, s10;
	v3 =	vld.idx.msk [tilespmem:v0+s9+$0x0 ss:$0x1], $0xffff  }
0x25c: {  	s14 =	sadd.s32 s19, s29;
	s19 =	sand.u32 $0x7800, s16;
	s16 =	simm.s32 $0x500;
	v4 =	vld.idx.msk [tilespmem:v0+s12+$0x0 ss:$0x1], $0xffff;
	v2 =	vadd.f32 v1, v2  }
0x25d: {  	s10 =	simm.s32 $0x1388;
	s13 =	sadd.s32 s13, s14;
	s14 =	sand.u32 $0x7800, s24  }
0x25e: {  	s24 =	simm.s32 $0x200;
	s14 =	sadd.s32 s14, s29;
	s9 =	simm.s32 $0x1770;
	v5 =	vld.idx.msk [tilespmem:v0+s13+$0x0 ss:$0x1], $0xffff;
	v2 =	vadd.f32 v1, v2  }
0x25f: {  	s12 =	sadd.s32 s15, s14;
	s15 =	sand.u32 $0x380, s24;
	s14 =	sadd.s32 s19, s29  }
0x260: {  	s19 =	sand.u32 $0x7800, s16;
	s24 =	simm.s32 $0x280;
	s16 =	simm.s32 $0x600;
	v3 =	vadd.s32 s31, v3;
	v2 =	vadd.f32 v1, v2  }
0x261: {  	s13 =	sadd.s32 s15, s14;
	s15 =	sand.u32 $0x380, s24;
	s14 =	sadd.s32 s19, s29;
	v7 =	vld.idx.msk [tilespmem:v0+s12+$0x0 ss:$0x1], $0xffff;
	v4 =	vadd.s32 s7, v4  }
0x262: {  	s7 =	sadd.s32 s15, s14;
	s15 =	sand.u32 $0x7800, s16;
	s16 =	simm.s32 $0x300;
	v2 =	vadd.f32 v1, v2  }
0x263: {  	s24 =	simm.s32 $0x700;
	v9 =	vld.idx.msk [tilespmem:v0+s13+$0x0 ss:$0x1], $0xffff;
	v5 =	vadd.s32 s11, v5;
	s19 =	sand.u32 $0x380, s16;
	s12 =	sadd.s32 s15, s29  }
0x264: {  	v10 =	vld.idx.msk [tilespmem:v0+s7+$0x0 ss:$0x1], $0xffff;
	s15 =	sand.u32 $0x7800, s24;
	s16 =	simm.s32 $0x380;
	s13 =	sadd.s32 s19, s12;
	v8 =	vadd.f32 v1, v2  }
0x265: {  	s12 =	sand.u32 $0x380, s16;
	s11 =	sadd.s32 s15, s29;
	s19 =	simm.s32 $0x800;
	v3 =	vld.idx.msk [tilespmem:v3+s2+$0x0], $0xffff  }
0x266: {  	s15 =	simm.s32 $0x900;
	s24 =	sadd.s32 s12, s11;
	s14 =	sand.u32 $0x7800, s19;
	v6 =	vld.idx.msk [tilespmem:v4+s2+$0x0], $0xffff;
	v11 =	vadd.f32 v1, v8;
	v8 =	vadd.s32 s6, v7  }
0x267: {  	s12 =	simm.s32 $0x500;
	s19 =	simm.s32 $0x6590;
	s11 =	sadd.s32 s14, s29;
	v2 =	vld.idx.msk [tilespmem:v0+s13+$0x0 ss:$0x1], $0xffff  }
0x268: {  	s16 =	sadd.s32 s8, s11;
	s11 =	simm.s32 $0xA00;
	v4 =	vld.idx.msk [tilespmem:v5+s2+$0x0], $0xffff;
	s13 =	simm.s32 $0x480;
	v7 =	vadd.s32 s5, v9  }
0x269: {  	s8 =	simm.s32 $0x0;
	s13 =	sand.u32 $0x380, s13;
	v1 =	vld.idx.msk [tilespmem:v0+s24+$0x0 ss:$0x1], $0xffff;
	s24 =	sand.u32 $0x7800, s15  }
0x26a: {  	v5 =	vadd.s32 s10, v10;
	s6 =	simm.s32 $0x0;
	s5 =	simm.s32 $0x0;
	s14 =	sadd.s32 s24, s29;
	v9 =	vadd.f32 v3, v11;
	v3 =	vld.idx.msk [tilespmem:v0+s16+$0x0 ss:$0x1], $0xffff  }
.LBB2_29:
0x26b: {  	p2 =	sne.s32 s19, $0x9858;
	v8 =	vld.idx.msk [tilespmem:v8+s2+$0x0], $0xffff;
	s7 =	sadd.s32 s13, s14;
	s10 =	sand.u32 $0x7800, s11  }
0x26c: {  	v2 =	vadd.s32 s9, v2;
	v6 =	vadd.f32 v6, v9;
	v9 =	vld.idx.msk [tilespmem:v0+s7+$0x0 ss:$0x1], $0xffff;
	s7 =	sand.u32 $0x380, s12;
	s9 =	sadd.s32 s10, s29;
	s10 =	sadd.s32 $0xB00, s6  }
0x26d: {  	v7 =	vld.idx.msk [tilespmem:v7+s2+$0x0], $0xffff;
	s7 =	sadd.s32 s7, s9;
	s9 =	sand.u32 $0x7800, s10;
	s10 =	sadd.s32 $0xFFFFFF80, s4  }
0x26e: {  	v1 =	vadd.s32 s22, v1;
	v4 =	vadd.f32 v4, v6;
	v6 =	vld.idx.msk [tilespmem:v0+s7+$0x0 ss:$0x1], $0xffff;
	s7 =	sand.u32 $0x380, s10;
	s9 =	sadd.s32 s9, s29;
	s10 =	sadd.s32 $0xC00, s6  }
0x26f: {  	s11 =	sadd.s32 $0x1F40, s5;
	v5 =	vld.idx.msk [tilespmem:v5+s2+$0x0], $0xffff;
	s7 =	sadd.s32 s7, s9;
	s9 =	sand.u32 $0x7800, s10  }
0x270: {  	v3 =	vadd.s32 s11, v3;
	s11 =	smov.u32 s5;
	v4 =	vadd.f32 v8, v4;
	v8 =	vld.idx.msk [tilespmem:v0+s7+$0x0 ss:$0x1], $0xffff;
	s7 =	sand.u32 $0x380, s4;
	s9 =	sadd.s32 s9, s29  }
0x271: {  	s5 =	smov.u32 s28;
	s10 =	sadd.s32 $0x2328, s11;
	v2 =	vld.idx.msk [tilespmem:v2+s2+$0x0], $0xffff;
	s7 =	sadd.s32 s7, s9  }
0x272: {  	s8 =	sadd.s32 $0x280, s8;
	s6 =	sadd.s32 $0xD00, s6;
	s28 =	smov.u32 s19;
	v4 =	vadd.f32 v7, v4;
	v7 =	vadd.s32 s10, v9;
	v9 =	vld.idx.msk [tilespmem:v0+s7+$0x0 ss:$0x1], $0xffff  }
0x273: {  	s15 =	sadd.s32 $0x3E8, s5;
	s4 =	sadd.s32 $0x680, s4;
	s7 =	sadd.s32 $0x2710, s11;
	v1 =	vld.idx.msk [tilespmem:v1+s2+$0x0], $0xffff  }
0x274: {  	s13 =	sadd.s32 $0x7D0, s5;
	s12 =	sadd.s32 $0xBB8, s5;
	s10 =	sadd.s32 $0xFA0, s5;
	v4 =	vadd.f32 v5, v4;
	v5 =	vadd.s32 s7, v6  }
0x275: {  	s14 =	sadd.s32 $0x2EE0, s11;
	s9 =	sadd.s32 $0x2AF8, s11;
	s7 =	sand.u32 $0x3800, s6;
	v3 =	vld.idx.msk [tilespmem:v3+s2+$0x0], $0xffff  }
0x276: {  	s16 =	sadd.s32 $0x100, s6;
	s11 =	sand.u32 $0x380, s8;
	s7 =	sadd.s32 s7, s29;
	v2 =	vadd.f32 v2, v4;
	v4 =	vadd.s32 s9, v8  }
0x277: {  	s7 =	sadd.s32 s11, s7;
	s9 =	sand.u32 $0x7800, s16;
	s16 =	sadd.s32 $0xFFFFFA80, s4;
	v6 =	vld.idx.msk [tilespmem:v7+s2+$0x0], $0xffff  }
0x278: {  	s9 =	sadd.s32 s9, s29;
	v7 =	vld.idx.msk [tilespmem:v0+s7+$0x0 ss:$0x1], $0xffff;
	s7 =	sand.u32 $0x380, s16;
	s16 =	sadd.s32 $0x200, s6;
	v1 =	vadd.f32 v1, v2;
	v2 =	vadd.s32 s14, v9  }
0x279: {  	s14 =	sadd.s32 $0xFFFFFB00, s4;
	s7 =	sadd.s32 s7, s9;
	s9 =	sand.u32 $0x7800, s16;
	v5 =	vld.idx.msk [tilespmem:v5+s2+$0x0], $0xffff  }
0x27a: {  	v8 =	vld.idx.msk [tilespmem:v0+s7+$0x0 ss:$0x1], $0xffff;
	s7 =	sand.u32 $0x380, s14;
	s9 =	sadd.s32 s9, s29;
	s14 =	sadd.s32 $0x1388, s5;
	v1 =	vadd.f32 v3, v1  }
0x27b: {  	s16 =	sadd.s32 $0x300, s6;
	s7 =	sadd.s32 s7, s9;
	s9 =	sadd.s32 $0x1770, s5;
	v3 =	vld.idx.msk [tilespmem:v4+s2+$0x0], $0xffff  }
0x27c: {  	s22 =	sadd.s32 $0x1B58, s5;
	v4 =	vld.idx.msk [tilespmem:v0+s7+$0x0 ss:$0x1], $0xffff;
	s7 =	sand.u32 $0x7800, s16;
	s16 =	sadd.s32 $0xFFFFFB80, s4;
	v1 =	vadd.f32 v6, v1  }
0x27d: {  	s24 =	sadd.s32 $0x400, s6;
	s16 =	sand.u32 $0x380, s16;
	s7 =	sadd.s32 s7, s29;
	v2 =	vld.idx.msk [tilespmem:v2+s2+$0x0], $0xffff  }
0x27e: {  	s7 =	sadd.s32 s16, s7;
	s16 =	sand.u32 $0x7800, s24;
	s24 =	sadd.s32 $0xFFFFFC00, s4;
	v1 =	vadd.f32 v5, v1  }
0x27f: {  	v5 =	vadd.s32 s5, v7;
	v6 =	vld.idx.msk [tilespmem:v0+s7+$0x0 ss:$0x1], $0xffff;
	s7 =	sand.u32 $0x380, s24;
	s16 =	sadd.s32 s16, s29;
	s24 =	sadd.s32 $0x500, s6  }
0x280: {  	s7 =	sadd.s32 s7, s16;
	s16 =	sand.u32 $0x7800, s24;
	s24 =	sadd.s32 $0xFFFFFC80, s4;
	v1 =	vadd.f32 v3, v1  }
0x281: {  	v3 =	vadd.s32 s15, v8;
	v7 =	vld.idx.msk [tilespmem:v0+s7+$0x0 ss:$0x1], $0xffff;
	s7 =	sand.u32 $0x380, s24;
	s15 =	sadd.s32 s16, s29;
	s16 =	sadd.s32 $0x600, s6  }
0x282: {  	s7 =	sadd.s32 s7, s15;
	s15 =	sand.u32 $0x7800, s16;
	s16 =	sadd.s32 $0xFFFFFD00, s4;
	v9 =	vadd.f32 v2, v1  }
0x283: {  	v4 =	vadd.s32 s13, v4;
	v10 =	vld.idx.msk [tilespmem:v0+s7+$0x0 ss:$0x1], $0xffff;
	s7 =	sand.u32 $0x380, s16;
	s13 =	sadd.s32 s15, s29;
	s15 =	sadd.s32 $0x700, s6  }
0x284: {  	v5 =	vld.idx.msk [tilespmem:v5+s2+$0x0], $0xffff;
	s7 =	sadd.s32 s7, s13;
	s13 =	sand.u32 $0x7800, s15;
	s15 =	sadd.s32 $0xFFFFFD80, s4  }
0x285: {  	v2 =	vld.idx.msk [tilespmem:v0+s7+$0x0 ss:$0x1], $0xffff;
	s7 =	sand.u32 $0x380, s15  }
.Ltmp14:
0x286: {  	v8 =	vadd.s32 s12, v6;
	s12 =	sadd.s32 s13, s29;
	s13 =	sadd.s32 $0x800, s6;
	(pc) =	sbr.rel @p2 .LBB2_29-.Ltmp14, $4  }
0x287: {  	v6 =	vld.idx.msk [tilespmem:v3+s2+$0x0], $0xffff;
	s7 =	sadd.s32 s7, s12;
	s12 =	sand.u32 $0x7800, s13;
	s13 =	sadd.s32 $0xFFFFFE80, s4  }
0x288: {  	v7 =	vadd.s32 s10, v7;
	s10 =	sadd.s32 $0x900, s6;
	v1 =	vld.idx.msk [tilespmem:v0+s7+$0x0 ss:$0x1], $0xffff;
	s7 =	sadd.s32 s12, s29;
	s12 =	sadd.s32 $0xFFFFFF00, s4  }
0x289: {  	s10 =	sand.u32 $0x7800, s10;
	v4 =	vld.idx.msk [tilespmem:v4+s2+$0x0], $0xffff;
	s7 =	sadd.s32 s11, s7;
	s11 =	sadd.s32 $0xA00, s6  }
0x28a: {  	s19 =	sadd.s32 $0x32C8, s19;
	s13 =	sand.u32 $0x380, s13;
	v9 =	vadd.f32 v5, v9;
	v5 =	vadd.s32 s14, v10;
	v3 =	vld.idx.msk [tilespmem:v0+s7+$0x0 ss:$0x1], $0xffff;
	s14 =	sadd.s32 s10, s29  }
0x28b: {  	_ =	sdelay $0x1  }
0x28c: {  	s7 =	sand.u32 $0x7800, s11;
	s10 =	sand.u32 $0x380, s12;
	s16 =	sadd.s32 s13, s14  }
0x28d: {  	s19 =	sadd.s32 $0xB00, s6;
	s13 =	sadd.s32 $0xFFFFFF80, s4;
	s14 =	sadd.s32 $0xC00, s6  }
0x28e: {  	v8 =	vld.idx.msk [tilespmem:v8+s2+$0x0], $0xffff;
	s15 =	sadd.s32 $0x1F40, s5;
	s6 =	sadd.s32 $0xD00, s6;
	s11 =	sadd.s32 $0x3E8, s28  }
0x28f: {  	v2 =	vadd.s32 s9, v2;
	v7 =	vld.idx.msk [tilespmem:v7+s2+$0x0], $0xffff;
	s9 =	sadd.s32 $0xBB8, s28;
	s7 =	sadd.s32 s7, s29;
	s24 =	sand.u32 $0x7800, s19  }
0x290: {  	s12 =	sand.u32 $0x380, s13;
	s13 =	sand.u32 $0x7800, s14;
	v6 =	vadd.f32 v6, v9;
	v25 =	vld.idx.msk [tilespmem:v0+s16+$0x0 ss:$0x1], $0xffff;
	s16 =	sand.u32 $0x380, s4  }
0x291: {  	v5 =	vld.idx.msk [tilespmem:v5+s2+$0x0], $0xffff;
	s19 =	sadd.s32 $0x2328, s5;
	s7 =	sadd.s32 s10, s7;
	s10 =	sadd.s32 s24, s29  }
0x292: {  	s4 =	sadd.s32 $0x680, s4;
	s13 =	sadd.s32 s13, s29;
	v1 =	vadd.s32 s22, v1;
	s12 =	sadd.s32 s12, s10;
	v4 =	vadd.f32 v4, v6;
	v26 =	vld.idx.msk [tilespmem:v0+s7+$0x0 ss:$0x1], $0xffff  }
0x293: {  	s14 =	sadd.s32 $0x2AF8, s5;
	s22 =	sadd.s32 $0x280, s8;
	s13 =	sadd.s32 s16, s13;
	v27 =	vld.idx.msk [tilespmem:v0+s12+$0x0 ss:$0x1], $0xffff  }
0x294: {  	s8 =	sadd.s32 $0xFA0, s28;
	s24 =	sand.u32 $0x3800, s6;
	s10 =	sadd.s32 $0x7D0, s28;
	v3 =	vadd.s32 s15, v3;
	v28 =	vld.idx.msk [tilespmem:v0+s13+$0x0 ss:$0x1], $0xffff;
	v4 =	vadd.f32 v8, v4  }
0x295: {  	s16 =	sadd.s32 $0x2EE0, s5;
	s15 =	sadd.s32 $0x2710, s5;
	s5 =	sand.u32 $0x380, s22;
	v2 =	vld.idx.msk [tilespmem:v2+s2+$0x0], $0xffff  }
0x296: {  	s13 =	sadd.s32 s24, s29;
	s22 =	sadd.s32 $0xFFFFFA80, s4;
	v9 =	vadd.s32 s19, v25;
	s19 =	sadd.s32 $0x100, s6;
	v4 =	vadd.f32 v7, v4  }
0x297: {  	s24 =	sadd.s32 $0x200, s6;
	s7 =	sadd.s32 s5, s13;
	v1 =	vld.idx.msk [tilespmem:v1+s2+$0x0], $0xffff;
	s12 =	sand.u32 $0x7800, s19  }
0x298: {  	s13 =	sand.u32 $0x380, s22;
	s22 =	sadd.s32 $0x300, s6;
	v30 =	vld.idx.msk [tilespmem:v0+s7+$0x0 ss:$0x1], $0xffff;
	v6 =	vadd.s32 s15, v26;
	s12 =	sadd.s32 s12, s29;
	v4 =	vadd.f32 v5, v4  }
0x299: {  	s19 =	sadd.s32 $0xFFFFFB00, s4;
	v3 =	vld.idx.msk [tilespmem:v3+s2+$0x0], $0xffff;
	v29 =	vadd.s32 s14, v27;
	s13 =	sadd.s32 s13, s12;
	s14 =	sand.u32 $0x7800, s24  }
0x29a: {  	s15 =	sand.u32 $0x380, s19;
	v7 =	vadd.s32 s16, v28;
	s16 =	sadd.s32 $0xFFFFFB80, s4;
	s19 =	sadd.s32 s14, s29;
	v32 =	vld.idx.msk [tilespmem:v0+s13+$0x0 ss:$0x1], $0xffff;
	v2 =	vadd.f32 v2, v4  }
0x29b: {  	s12 =	sadd.s32 $0x1388, s28;
	s14 =	sand.u32 $0x380, s16;
	v31 =	vld.idx.msk [tilespmem:v9+s2+$0x0], $0xffff;
	s24 =	sadd.s32 s15, s19  }
0x29c: {  	s16 =	sadd.s32 $0x500, s6;
	s15 =	sand.u32 $0x7800, s22;
	s19 =	sadd.s32 $0x400, s6;
	v34 =	vld.idx.msk [tilespmem:v0+s24+$0x0 ss:$0x1], $0xffff;
	v1 =	vadd.f32 v1, v2  }
0x29d: {  	v36 =	vadd.s32 s28, v30;
	s13 =	sadd.s32 s15, s29;
	s24 =	sand.u32 $0x7800, s19;
	s15 =	sadd.s32 $0xFFFFFC00, s4;
	v33 =	vld.idx.msk [tilespmem:v6+s2+$0x0], $0xffff  }
0x29e: {  	s22 =	sadd.s32 s14, s13;
	s14 =	sand.u32 $0x380, s15;
	s13 =	sadd.s32 s24, s29;
	v35 =	vld.idx.msk [tilespmem:v29+s2+$0x0], $0xffff;
	v1 =	vadd.f32 v3, v1  }
0x29f: {  	s24 =	sadd.s32 $0xFFFFFC80, s4;
	v37 =	vld.idx.msk [tilespmem:v0+s22+$0x0 ss:$0x1], $0xffff;
	s19 =	sadd.s32 s14, s13;
	s22 =	sand.u32 $0x7800, s16  }
0x2a0: {  	v38 =	vld.idx.msk [tilespmem:v7+s2+$0x0], $0xffff;
	s15 =	sand.u32 $0x380, s24;
	s16 =	sadd.s32 $0x600, s6;
	v39 =	vadd.s32 s11, v32;
	s13 =	sadd.s32 s22, s29;
	v1 =	vadd.f32 v31, v1  }
0x2a1: {  	s24 =	sadd.s32 $0xFFFFFD00, s4;
	v40 =	vld.idx.msk [tilespmem:v0+s19+$0x0 ss:$0x1], $0xffff;
	s22 =	sand.u32 $0x7800, s16;
	s19 =	sadd.s32 s15, s13  }
0x2a2: {  	s11 =	sadd.s32 s22, s29;
	s13 =	sadd.s32 $0x700, s6;
	v5 =	vld.idx.msk [tilespmem:v36+s2+$0x0], $0xffff;
	v41 =	vadd.s32 s10, v34;
	s10 =	sand.u32 $0x380, s24;
	v1 =	vadd.f32 v33, v1  }
0x2a3: {  	s15 =	sadd.s32 $0xFFFFFD80, s4;
	v42 =	vld.idx.msk [tilespmem:v0+s19+$0x0 ss:$0x1], $0xffff;
	s14 =	sand.u32 $0x7800, s13;
	s7 =	sadd.s32 s10, s11  }
0x2a4: {  	s22 =	sadd.s32 $0x800, s6;
	s16 =	sand.u32 $0x380, s15;
	s19 =	sadd.s32 s14, s29;
	v43 =	vadd.s32 s9, v37;
	v44 =	vld.idx.msk [tilespmem:v0+s7+$0x0 ss:$0x1], $0xffff;
	v1 =	vadd.f32 v35, v1  }
0x2a5: {  	s24 =	sand.u32 $0x7800, s22;
	s15 =	sadd.s32 $0xFFFFFE80, s4;
	s7 =	sadd.s32 s16, s19;
	v7 =	vld.idx.msk [tilespmem:v39+s2+$0x0], $0xffff  }
0x2a6: {  	s11 =	sadd.s32 $0x1770, s28;
	s13 =	sadd.s32 s24, s29;
	s14 =	sadd.s32 $0x900, s6;
	v45 =	vadd.s32 s8, v40;
	v46 =	vld.idx.msk [tilespmem:v0+s7+$0x0 ss:$0x1], $0xffff;
	v1 =	vadd.f32 v38, v1  }
0x2a7: {  	s10 =	sadd.s32 $0x1B58, s28;
	s5 =	sadd.s32 s5, s13;
	s16 =	sand.u32 $0x7800, s14;
	v2 =	vld.idx.msk [tilespmem:v41+s2+$0x0], $0xffff  }
0x2a8: {  	s22 =	sand.u32 $0x380, s15;
	s19 =	sadd.s32 $0xA00, s6;
	v10 =	vld.idx.msk [tilespmem:v0+s5+$0x0 ss:$0x1], $0xffff;
	s7 =	sadd.s32 s16, s29;
	v6 =	vadd.s32 s12, v42;
	v1 =	vadd.f32 v5, v1  }
0x2a9: {  	s24 =	sadd.s32 $0xFFFFFF00, s4;
	s8 =	sand.u32 $0x7800, s19;
	s5 =	sadd.s32 s22, s7;
	v3 =	vld.idx.msk [tilespmem:v43+s2+$0x0], $0xffff  }
0x2aa: {  	s9 =	sand.u32 $0x380, s24;
	s7 =	sadd.s32 s8, s29;
	v48 =	vld.idx.msk [tilespmem:v0+s5+$0x0 ss:$0x1], $0xffff;
	v47 =	vadd.s32 s11, v44;
	s11 =	sadd.s32 $0xB00, s6;
	v1 =	vadd.f32 v7, v1  }
0x2ab: {  	s13 =	sadd.s32 $0xFFFFFF80, s4;
	s5 =	sadd.s32 s9, s7;
	v4 =	vld.idx.msk [tilespmem:v45+s2+$0x0], $0xffff;
	s12 =	sand.u32 $0x7800, s11  }
0x2ac: {  	s14 =	sand.u32 $0x380, s13;
	v50 =	vld.idx.msk [tilespmem:v0+s5+$0x0 ss:$0x1], $0xffff;
	s6 =	sadd.s32 $0xC00, s6;
	v49 =	vadd.s32 s10, v46;
	s7 =	sadd.s32 s12, s29;
	v1 =	vadd.f32 v2, v1  }
0x2ad: {  	s15 =	sadd.s32 $0x1F40, s28;
	s6 =	sand.u32 $0x7800, s6;
	v51 =	vld.idx.msk [tilespmem:v6+s2+$0x0], $0xffff;
	s5 =	sadd.s32 s14, s7  }
0x2ae: {  	s4 =	sand.u32 $0x380, s4;
	v52 =	vadd.s32 s15, v10;
	s16 =	sadd.s32 s6, s29;
	v53 =	vld.idx.msk [tilespmem:v0+s5+$0x0 ss:$0x1], $0xffff;
	v1 =	vadd.f32 v3, v1  }
0x2af: {  	s19 =	sadd.s32 $0x2328, s28;
	s4 =	sadd.s32 s4, s16;
	v54 =	vld.idx.msk [tilespmem:v47+s2+$0x0], $0xffff  }
0x2b0: {  	v55 =	vadd.s32 s19, v48;
	v56 =	vld.idx.msk [tilespmem:v0+s4+$0x0 ss:$0x1], $0xffff;
	v1 =	vadd.f32 v4, v1  }
0x2b1: {  	s22 =	sadd.s32 $0x2710, s28;
	v57 =	vld.idx.msk [tilespmem:v49+s2+$0x0], $0xffff  }
0x2b2: {  	v58 =	vadd.s32 s22, v50;
	v1 =	vadd.f32 v51, v1  }
0x2b3: {  	s24 =	sadd.s32 $0x2AF8, s28;
	v59 =	vld.idx.msk [tilespmem:v52+s2+$0x0], $0xffff  }
0x2b4: {  	v60 =	vadd.s32 s24, v53;
	v1 =	vadd.f32 v54, v1  }
0x2b5: {  	s29 =	sadd.s32 $0x2EE0, s28;
	v61 =	vld.idx.msk [tilespmem:v55+s2+$0x0], $0xffff  }
0x2b6: {  	v0 =	vadd.s32 s29, v56;
	v1 =	vadd.f32 v57, v1  }
0x2b7: {  	v62 =	vld.idx.msk [tilespmem:v58+s2+$0x0], $0xffff  }
0x2b8: {  	v1 =	vadd.f32 v59, v1  }
0x2b9: {  	v63 =	vld.idx.msk [tilespmem:v60+s2+$0x0], $0xffff  }
0x2ba: {  	v1 =	vadd.f32 v61, v1  }
0x2bb: {  	v0 =	vld.idx.msk [tilespmem:v0+s2+$0x0], $0xffff  }
0x2bc: {  	s0 =	sadd.s32 $0x1, s0;
	v1 =	vadd.f32 v62, v1  }
0x2bd: {  	p2 =	sne.s32 s0, $0x10  }
.Ltmp15:
0x2be: {  	v1 =	vadd.f32 v63, v1;
	(pc) =	sbr.rel @p2 .LBB2_28-.Ltmp15, $4  }
0x2bf: {  	_ = 	snop  }
0x2c0: {  	s3 =	sand.u32 $0x80, s3;
	v0 =	vadd.f32 v0, v1  }
0x2c1: {  	s1 =	sor.u32 s1, s3  }
0x2c2: {  	[tilespmem:s1+$0x19D80] =	vst v0  }
0x2c3: {  	_ =	swait.ge [sflag:s23], $0x3800  }
0x2c4: {  	[sflag:s23] =	ssyncset.done $0x0  }
0x2c5: {  	s31 =	simm.s32 $0x0;
	s0 =	simm.s32 $0x0;
	[sflag:s23] =	ssyncadd.s32 $0xFFFFC800  }
.LBB2_32:
0x2c6: {  	v1 =	vimm.f32 $0.0e+00  }
0x2c7: {  	v0 =	vadd.f32 v1, v1;
	_ =	sdelay $0x1  }
0x2c8: {  	v0 =	vadd.f32 v1, v0;
	_ =	sdelay $0x1  }
0x2c9: {  	s1 =	sshll.u32 s0, $0x7;
	s3 =	sshll.u32 s0, $0x4;
	s28 =	simm.s32 $0x32C8;
	v2 =	vadd.f32 v1, v0  }
0x2ca: {  	s7 =	simm.s32 $0x3E8;
	s11 =	simm.s32 $0x7D0;
	s6 =	simm.s32 $0xBB8  }
0x2cb: {  	s5 =	simm.s32 $0xFA0;
	s9 =	sand.u32 $0x3800, s31;
	s8 =	sand.u32 $0x380, s31;
	v2 =	vadd.f32 v1, v2  }
0x2cc: {  	s10 =	simm.s32 $0x100;
	s4 =	sand.u32 $0x400, s1;
	s1 =	sand.u32 $0x70, s3  }
0x2cd: {  	s12 =	simm.s32 $0x80;
	s13 =	simm.s32 $0x200;
	s22 =	simm.s32 $0x100;
	v0 =	vmov s1;
	v2 =	vadd.f32 v1, v2  }
0x2ce: {  	s24 =	simm.s32 $0x300;
	s15 =	simm.s32 $0x180;
	s16 =	simm.s32 $0x400  }
0x2cf: {  	s10 =	sand.u32 $0x7800, s10;
	s12 =	sand.u32 $0x380, s12;
	s29 =	sor.u32 $0x16380, s4;
	v2 =	vadd.f32 v1, v2  }
0x2d0: {  	s19 =	sand.u32 $0x7800, s13;
	s13 =	sand.u32 $0x380, s22;
	s9 =	sadd.s32 s9, s29  }
0x2d1: {  	s22 =	simm.s32 $0x1B58;
	s10 =	sadd.s32 s10, s29;
	s9 =	sadd.s32 s8, s9;
	v2 =	vadd.f32 v1, v2  }
0x2d2: {  	s15 =	sand.u32 $0x380, s15;
	s4 =	simm.s32 $0x600;
	s12 =	sadd.s32 s12, s10;
	v3 =	vld.idx.msk [tilespmem:v0+s9+$0x0 ss:$0x1], $0xffff  }
0x2d3: {  	s14 =	sadd.s32 s19, s29;
	s19 =	sand.u32 $0x7800, s16;
	s16 =	simm.s32 $0x500;
	v4 =	vld.idx.msk [tilespmem:v0+s12+$0x0 ss:$0x1], $0xffff;
	v2 =	vadd.f32 v1, v2  }
0x2d4: {  	s10 =	simm.s32 $0x1388;
	s13 =	sadd.s32 s13, s14;
	s14 =	sand.u32 $0x7800, s24  }
0x2d5: {  	s24 =	simm.s32 $0x200;
	s14 =	sadd.s32 s14, s29;
	s9 =	simm.s32 $0x1770;
	v5 =	vld.idx.msk [tilespmem:v0+s13+$0x0 ss:$0x1], $0xffff;
	v2 =	vadd.f32 v1, v2  }
0x2d6: {  	s12 =	sadd.s32 s15, s14;
	s15 =	sand.u32 $0x380, s24;
	s14 =	sadd.s32 s19, s29  }
0x2d7: {  	s19 =	sand.u32 $0x7800, s16;
	s24 =	simm.s32 $0x280;
	s16 =	simm.s32 $0x600;
	v3 =	vadd.s32 s31, v3;
	v2 =	vadd.f32 v1, v2  }
0x2d8: {  	s13 =	sadd.s32 s15, s14;
	s15 =	sand.u32 $0x380, s24;
	s14 =	sadd.s32 s19, s29;
	v7 =	vld.idx.msk [tilespmem:v0+s12+$0x0 ss:$0x1], $0xffff;
	v4 =	vadd.s32 s7, v4  }
0x2d9: {  	s7 =	sadd.s32 s15, s14;
	s15 =	sand.u32 $0x7800, s16;
	s16 =	simm.s32 $0x300;
	v2 =	vadd.f32 v1, v2  }
0x2da: {  	s24 =	simm.s32 $0x700;
	v9 =	vld.idx.msk [tilespmem:v0+s13+$0x0 ss:$0x1], $0xffff;
	v5 =	vadd.s32 s11, v5;
	s19 =	sand.u32 $0x380, s16;
	s12 =	sadd.s32 s15, s29  }
0x2db: {  	v10 =	vld.idx.msk [tilespmem:v0+s7+$0x0 ss:$0x1], $0xffff;
	s15 =	sand.u32 $0x7800, s24;
	s16 =	simm.s32 $0x380;
	s13 =	sadd.s32 s19, s12;
	v8 =	vadd.f32 v1, v2  }
0x2dc: {  	s12 =	sand.u32 $0x380, s16;
	s11 =	sadd.s32 s15, s29;
	s19 =	simm.s32 $0x800;
	v3 =	vld.idx.msk [tilespmem:v3+s2+$0x0], $0xffff  }
0x2dd: {  	s15 =	simm.s32 $0x900;
	s24 =	sadd.s32 s12, s11;
	s14 =	sand.u32 $0x7800, s19;
	v6 =	vld.idx.msk [tilespmem:v4+s2+$0x0], $0xffff;
	v11 =	vadd.f32 v1, v8;
	v8 =	vadd.s32 s6, v7  }
0x2de: {  	s12 =	simm.s32 $0x500;
	s19 =	simm.s32 $0x6590;
	s11 =	sadd.s32 s14, s29;
	v2 =	vld.idx.msk [tilespmem:v0+s13+$0x0 ss:$0x1], $0xffff  }
0x2df: {  	s16 =	sadd.s32 s8, s11;
	s11 =	simm.s32 $0xA00;
	v4 =	vld.idx.msk [tilespmem:v5+s2+$0x0], $0xffff;
	s13 =	simm.s32 $0x480;
	v7 =	vadd.s32 s5, v9  }
0x2e0: {  	s8 =	simm.s32 $0x0;
	s13 =	sand.u32 $0x380, s13;
	v1 =	vld.idx.msk [tilespmem:v0+s24+$0x0 ss:$0x1], $0xffff;
	s24 =	sand.u32 $0x7800, s15  }
0x2e1: {  	v5 =	vadd.s32 s10, v10;
	s6 =	simm.s32 $0x0;
	s5 =	simm.s32 $0x0;
	s14 =	sadd.s32 s24, s29;
	v9 =	vadd.f32 v3, v11;
	v3 =	vld.idx.msk [tilespmem:v0+s16+$0x0 ss:$0x1], $0xffff  }
.LBB2_33:
0x2e2: {  	p2 =	sne.s32 s19, $0x9858;
	v8 =	vld.idx.msk [tilespmem:v8+s2+$0x0], $0xffff;
	s7 =	sadd.s32 s13, s14;
	s10 =	sand.u32 $0x7800, s11  }
0x2e3: {  	v2 =	vadd.s32 s9, v2;
	v6 =	vadd.f32 v6, v9;
	v9 =	vld.idx.msk [tilespmem:v0+s7+$0x0 ss:$0x1], $0xffff;
	s7 =	sand.u32 $0x380, s12;
	s9 =	sadd.s32 s10, s29;
	s10 =	sadd.s32 $0xB00, s6  }
0x2e4: {  	v7 =	vld.idx.msk [tilespmem:v7+s2+$0x0], $0xffff;
	s7 =	sadd.s32 s7, s9;
	s9 =	sand.u32 $0x7800, s10;
	s10 =	sadd.s32 $0xFFFFFF80, s4  }
0x2e5: {  	v1 =	vadd.s32 s22, v1;
	v4 =	vadd.f32 v4, v6;
	v6 =	vld.idx.msk [tilespmem:v0+s7+$0x0 ss:$0x1], $0xffff;
	s7 =	sand.u32 $0x380, s10;
	s9 =	sadd.s32 s9, s29;
	s10 =	sadd.s32 $0xC00, s6  }
0x2e6: {  	s11 =	sadd.s32 $0x1F40, s5;
	v5 =	vld.idx.msk [tilespmem:v5+s2+$0x0], $0xffff;
	s7 =	sadd.s32 s7, s9;
	s9 =	sand.u32 $0x7800, s10  }
0x2e7: {  	v3 =	vadd.s32 s11, v3;
	s11 =	smov.u32 s5;
	v4 =	vadd.f32 v8, v4;
	v8 =	vld.idx.msk [tilespmem:v0+s7+$0x0 ss:$0x1], $0xffff;
	s7 =	sand.u32 $0x380, s4;
	s9 =	sadd.s32 s9, s29  }
0x2e8: {  	s5 =	smov.u32 s28;
	s10 =	sadd.s32 $0x2328, s11;
	v2 =	vld.idx.msk [tilespmem:v2+s2+$0x0], $0xffff;
	s7 =	sadd.s32 s7, s9  }
0x2e9: {  	s8 =	sadd.s32 $0x280, s8;
	s6 =	sadd.s32 $0xD00, s6;
	s28 =	smov.u32 s19;
	v4 =	vadd.f32 v7, v4;
	v7 =	vadd.s32 s10, v9;
	v9 =	vld.idx.msk [tilespmem:v0+s7+$0x0 ss:$0x1], $0xffff  }
0x2ea: {  	s15 =	sadd.s32 $0x3E8, s5;
	s4 =	sadd.s32 $0x680, s4;
	s7 =	sadd.s32 $0x2710, s11;
	v1 =	vld.idx.msk [tilespmem:v1+s2+$0x0], $0xffff  }
0x2eb: {  	s13 =	sadd.s32 $0x7D0, s5;
	s12 =	sadd.s32 $0xBB8, s5;
	s10 =	sadd.s32 $0xFA0, s5;
	v4 =	vadd.f32 v5, v4;
	v5 =	vadd.s32 s7, v6  }
0x2ec: {  	s14 =	sadd.s32 $0x2EE0, s11;
	s9 =	sadd.s32 $0x2AF8, s11;
	s7 =	sand.u32 $0x3800, s6;
	v3 =	vld.idx.msk [tilespmem:v3+s2+$0x0], $0xffff  }
0x2ed: {  	s16 =	sadd.s32 $0x100, s6;
	s11 =	sand.u32 $0x380, s8;
	s7 =	sadd.s32 s7, s29;
	v2 =	vadd.f32 v2, v4;
	v4 =	vadd.s32 s9, v8  }
0x2ee: {  	s7 =	sadd.s32 s11, s7;
	s9 =	sand.u32 $0x7800, s16;
	s16 =	sadd.s32 $0xFFFFFA80, s4;
	v6 =	vld.idx.msk [tilespmem:v7+s2+$0x0], $0xffff  }
0x2ef: {  	s9 =	sadd.s32 s9, s29;
	v7 =	vld.idx.msk [tilespmem:v0+s7+$0x0 ss:$0x1], $0xffff;
	s7 =	sand.u32 $0x380, s16;
	s16 =	sadd.s32 $0x200, s6;
	v1 =	vadd.f32 v1, v2;
	v2 =	vadd.s32 s14, v9  }
0x2f0: {  	s14 =	sadd.s32 $0xFFFFFB00, s4;
	s7 =	sadd.s32 s7, s9;
	s9 =	sand.u32 $0x7800, s16;
	v5 =	vld.idx.msk [tilespmem:v5+s2+$0x0], $0xffff  }
0x2f1: {  	v8 =	vld.idx.msk [tilespmem:v0+s7+$0x0 ss:$0x1], $0xffff;
	s7 =	sand.u32 $0x380, s14;
	s9 =	sadd.s32 s9, s29;
	s14 =	sadd.s32 $0x1388, s5;
	v1 =	vadd.f32 v3, v1  }
0x2f2: {  	s16 =	sadd.s32 $0x300, s6;
	s7 =	sadd.s32 s7, s9;
	s9 =	sadd.s32 $0x1770, s5;
	v3 =	vld.idx.msk [tilespmem:v4+s2+$0x0], $0xffff  }
0x2f3: {  	s22 =	sadd.s32 $0x1B58, s5;
	v4 =	vld.idx.msk [tilespmem:v0+s7+$0x0 ss:$0x1], $0xffff;
	s7 =	sand.u32 $0x7800, s16;
	s16 =	sadd.s32 $0xFFFFFB80, s4;
	v1 =	vadd.f32 v6, v1  }
0x2f4: {  	s24 =	sadd.s32 $0x400, s6;
	s16 =	sand.u32 $0x380, s16;
	s7 =	sadd.s32 s7, s29;
	v2 =	vld.idx.msk [tilespmem:v2+s2+$0x0], $0xffff  }
0x2f5: {  	s7 =	sadd.s32 s16, s7;
	s16 =	sand.u32 $0x7800, s24;
	s24 =	sadd.s32 $0xFFFFFC00, s4;
	v1 =	vadd.f32 v5, v1  }
0x2f6: {  	v5 =	vadd.s32 s5, v7;
	v6 =	vld.idx.msk [tilespmem:v0+s7+$0x0 ss:$0x1], $0xffff;
	s7 =	sand.u32 $0x380, s24;
	s16 =	sadd.s32 s16, s29;
	s24 =	sadd.s32 $0x500, s6  }
0x2f7: {  	s7 =	sadd.s32 s7, s16;
	s16 =	sand.u32 $0x7800, s24;
	s24 =	sadd.s32 $0xFFFFFC80, s4;
	v1 =	vadd.f32 v3, v1  }
0x2f8: {  	v3 =	vadd.s32 s15, v8;
	v7 =	vld.idx.msk [tilespmem:v0+s7+$0x0 ss:$0x1], $0xffff;
	s7 =	sand.u32 $0x380, s24;
	s15 =	sadd.s32 s16, s29;
	s16 =	sadd.s32 $0x600, s6  }
0x2f9: {  	s7 =	sadd.s32 s7, s15;
	s15 =	sand.u32 $0x7800, s16;
	s16 =	sadd.s32 $0xFFFFFD00, s4;
	v9 =	vadd.f32 v2, v1  }
0x2fa: {  	v4 =	vadd.s32 s13, v4;
	v10 =	vld.idx.msk [tilespmem:v0+s7+$0x0 ss:$0x1], $0xffff;
	s7 =	sand.u32 $0x380, s16;
	s13 =	sadd.s32 s15, s29;
	s15 =	sadd.s32 $0x700, s6  }
0x2fb: {  	v5 =	vld.idx.msk [tilespmem:v5+s2+$0x0], $0xffff;
	s7 =	sadd.s32 s7, s13;
	s13 =	sand.u32 $0x7800, s15;
	s15 =	sadd.s32 $0xFFFFFD80, s4  }
0x2fc: {  	v2 =	vld.idx.msk [tilespmem:v0+s7+$0x0 ss:$0x1], $0xffff;
	s7 =	sand.u32 $0x380, s15  }
.Ltmp16:
0x2fd: {  	v8 =	vadd.s32 s12, v6;
	s12 =	sadd.s32 s13, s29;
	s13 =	sadd.s32 $0x800, s6;
	(pc) =	sbr.rel @p2 .LBB2_33-.Ltmp16, $4  }
0x2fe: {  	v6 =	vld.idx.msk [tilespmem:v3+s2+$0x0], $0xffff;
	s7 =	sadd.s32 s7, s12;
	s12 =	sand.u32 $0x7800, s13;
	s13 =	sadd.s32 $0xFFFFFE80, s4  }
0x2ff: {  	v7 =	vadd.s32 s10, v7;
	s10 =	sadd.s32 $0x900, s6;
	v1 =	vld.idx.msk [tilespmem:v0+s7+$0x0 ss:$0x1], $0xffff;
	s7 =	sadd.s32 s12, s29;
	s12 =	sadd.s32 $0xFFFFFF00, s4  }
0x300: {  	s10 =	sand.u32 $0x7800, s10;
	v4 =	vld.idx.msk [tilespmem:v4+s2+$0x0], $0xffff;
	s7 =	sadd.s32 s11, s7;
	s11 =	sadd.s32 $0xA00, s6  }
0x301: {  	s19 =	sadd.s32 $0x32C8, s19;
	s13 =	sand.u32 $0x380, s13;
	v9 =	vadd.f32 v5, v9;
	v5 =	vadd.s32 s14, v10;
	v3 =	vld.idx.msk [tilespmem:v0+s7+$0x0 ss:$0x1], $0xffff;
	s14 =	sadd.s32 s10, s29  }
0x302: {  	_ =	sdelay $0x1  }
0x303: {  	s7 =	sand.u32 $0x7800, s11;
	s10 =	sand.u32 $0x380, s12;
	s16 =	sadd.s32 s13, s14  }
0x304: {  	s19 =	sadd.s32 $0xB00, s6;
	s13 =	sadd.s32 $0xFFFFFF80, s4;
	s14 =	sadd.s32 $0xC00, s6  }
0x305: {  	v8 =	vld.idx.msk [tilespmem:v8+s2+$0x0], $0xffff;
	s15 =	sadd.s32 $0x1F40, s5;
	s6 =	sadd.s32 $0xD00, s6;
	s11 =	sadd.s32 $0x3E8, s28  }
0x306: {  	v2 =	vadd.s32 s9, v2;
	v7 =	vld.idx.msk [tilespmem:v7+s2+$0x0], $0xffff;
	s9 =	sadd.s32 $0xBB8, s28;
	s7 =	sadd.s32 s7, s29;
	s24 =	sand.u32 $0x7800, s19  }
0x307: {  	s12 =	sand.u32 $0x380, s13;
	s13 =	sand.u32 $0x7800, s14;
	v6 =	vadd.f32 v6, v9;
	v25 =	vld.idx.msk [tilespmem:v0+s16+$0x0 ss:$0x1], $0xffff;
	s16 =	sand.u32 $0x380, s4  }
0x308: {  	v5 =	vld.idx.msk [tilespmem:v5+s2+$0x0], $0xffff;
	s19 =	sadd.s32 $0x2328, s5;
	s7 =	sadd.s32 s10, s7;
	s10 =	sadd.s32 s24, s29  }
0x309: {  	s4 =	sadd.s32 $0x680, s4;
	s13 =	sadd.s32 s13, s29;
	v1 =	vadd.s32 s22, v1;
	s12 =	sadd.s32 s12, s10;
	v4 =	vadd.f32 v4, v6;
	v26 =	vld.idx.msk [tilespmem:v0+s7+$0x0 ss:$0x1], $0xffff  }
0x30a: {  	s14 =	sadd.s32 $0x2AF8, s5;
	s22 =	sadd.s32 $0x280, s8;
	s13 =	sadd.s32 s16, s13;
	v27 =	vld.idx.msk [tilespmem:v0+s12+$0x0 ss:$0x1], $0xffff  }
0x30b: {  	s8 =	sadd.s32 $0xFA0, s28;
	s24 =	sand.u32 $0x3800, s6;
	s10 =	sadd.s32 $0x7D0, s28;
	v3 =	vadd.s32 s15, v3;
	v28 =	vld.idx.msk [tilespmem:v0+s13+$0x0 ss:$0x1], $0xffff;
	v4 =	vadd.f32 v8, v4  }
0x30c: {  	s16 =	sadd.s32 $0x2EE0, s5;
	s15 =	sadd.s32 $0x2710, s5;
	s5 =	sand.u32 $0x380, s22;
	v2 =	vld.idx.msk [tilespmem:v2+s2+$0x0], $0xffff  }
0x30d: {  	s13 =	sadd.s32 s24, s29;
	s22 =	sadd.s32 $0xFFFFFA80, s4;
	v9 =	vadd.s32 s19, v25;
	s19 =	sadd.s32 $0x100, s6;
	v4 =	vadd.f32 v7, v4  }
0x30e: {  	s24 =	sadd.s32 $0x200, s6;
	s7 =	sadd.s32 s5, s13;
	v1 =	vld.idx.msk [tilespmem:v1+s2+$0x0], $0xffff;
	s12 =	sand.u32 $0x7800, s19  }
0x30f: {  	s13 =	sand.u32 $0x380, s22;
	s22 =	sadd.s32 $0x300, s6;
	v30 =	vld.idx.msk [tilespmem:v0+s7+$0x0 ss:$0x1], $0xffff;
	v6 =	vadd.s32 s15, v26;
	s12 =	sadd.s32 s12, s29;
	v4 =	vadd.f32 v5, v4  }
0x310: {  	s19 =	sadd.s32 $0xFFFFFB00, s4;
	v3 =	vld.idx.msk [tilespmem:v3+s2+$0x0], $0xffff;
	v29 =	vadd.s32 s14, v27;
	s13 =	sadd.s32 s13, s12;
	s14 =	sand.u32 $0x7800, s24  }
0x311: {  	s15 =	sand.u32 $0x380, s19;
	v7 =	vadd.s32 s16, v28;
	s16 =	sadd.s32 $0xFFFFFB80, s4;
	s19 =	sadd.s32 s14, s29;
	v32 =	vld.idx.msk [tilespmem:v0+s13+$0x0 ss:$0x1], $0xffff;
	v2 =	vadd.f32 v2, v4  }
0x312: {  	s12 =	sadd.s32 $0x1388, s28;
	s14 =	sand.u32 $0x380, s16;
	v31 =	vld.idx.msk [tilespmem:v9+s2+$0x0], $0xffff;
	s24 =	sadd.s32 s15, s19  }
0x313: {  	s16 =	sadd.s32 $0x500, s6;
	s15 =	sand.u32 $0x7800, s22;
	s19 =	sadd.s32 $0x400, s6;
	v34 =	vld.idx.msk [tilespmem:v0+s24+$0x0 ss:$0x1], $0xffff;
	v1 =	vadd.f32 v1, v2  }
0x314: {  	v36 =	vadd.s32 s28, v30;
	s13 =	sadd.s32 s15, s29;
	s24 =	sand.u32 $0x7800, s19;
	s15 =	sadd.s32 $0xFFFFFC00, s4;
	v33 =	vld.idx.msk [tilespmem:v6+s2+$0x0], $0xffff  }
0x315: {  	s22 =	sadd.s32 s14, s13;
	s14 =	sand.u32 $0x380, s15;
	s13 =	sadd.s32 s24, s29;
	v35 =	vld.idx.msk [tilespmem:v29+s2+$0x0], $0xffff;
	v1 =	vadd.f32 v3, v1  }
0x316: {  	s24 =	sadd.s32 $0xFFFFFC80, s4;
	v37 =	vld.idx.msk [tilespmem:v0+s22+$0x0 ss:$0x1], $0xffff;
	s19 =	sadd.s32 s14, s13;
	s22 =	sand.u32 $0x7800, s16  }
0x317: {  	v38 =	vld.idx.msk [tilespmem:v7+s2+$0x0], $0xffff;
	s15 =	sand.u32 $0x380, s24;
	s16 =	sadd.s32 $0x600, s6;
	v39 =	vadd.s32 s11, v32;
	s13 =	sadd.s32 s22, s29;
	v1 =	vadd.f32 v31, v1  }
0x318: {  	s24 =	sadd.s32 $0xFFFFFD00, s4;
	v40 =	vld.idx.msk [tilespmem:v0+s19+$0x0 ss:$0x1], $0xffff;
	s22 =	sand.u32 $0x7800, s16;
	s19 =	sadd.s32 s15, s13  }
0x319: {  	s11 =	sadd.s32 s22, s29;
	s13 =	sadd.s32 $0x700, s6;
	v5 =	vld.idx.msk [tilespmem:v36+s2+$0x0], $0xffff;
	v41 =	vadd.s32 s10, v34;
	s10 =	sand.u32 $0x380, s24;
	v1 =	vadd.f32 v33, v1  }
0x31a: {  	s15 =	sadd.s32 $0xFFFFFD80, s4;
	v42 =	vld.idx.msk [tilespmem:v0+s19+$0x0 ss:$0x1], $0xffff;
	s14 =	sand.u32 $0x7800, s13;
	s7 =	sadd.s32 s10, s11  }
0x31b: {  	s22 =	sadd.s32 $0x800, s6;
	s16 =	sand.u32 $0x380, s15;
	s19 =	sadd.s32 s14, s29;
	v43 =	vadd.s32 s9, v37;
	v44 =	vld.idx.msk [tilespmem:v0+s7+$0x0 ss:$0x1], $0xffff;
	v1 =	vadd.f32 v35, v1  }
0x31c: {  	s24 =	sand.u32 $0x7800, s22;
	s15 =	sadd.s32 $0xFFFFFE80, s4;
	s7 =	sadd.s32 s16, s19;
	v7 =	vld.idx.msk [tilespmem:v39+s2+$0x0], $0xffff  }
0x31d: {  	s11 =	sadd.s32 $0x1770, s28;
	s13 =	sadd.s32 s24, s29;
	s14 =	sadd.s32 $0x900, s6;
	v45 =	vadd.s32 s8, v40;
	v46 =	vld.idx.msk [tilespmem:v0+s7+$0x0 ss:$0x1], $0xffff;
	v1 =	vadd.f32 v38, v1  }
0x31e: {  	s10 =	sadd.s32 $0x1B58, s28;
	s5 =	sadd.s32 s5, s13;
	s16 =	sand.u32 $0x7800, s14;
	v2 =	vld.idx.msk [tilespmem:v41+s2+$0x0], $0xffff  }
0x31f: {  	s22 =	sand.u32 $0x380, s15;
	s19 =	sadd.s32 $0xA00, s6;
	v10 =	vld.idx.msk [tilespmem:v0+s5+$0x0 ss:$0x1], $0xffff;
	s7 =	sadd.s32 s16, s29;
	v6 =	vadd.s32 s12, v42;
	v1 =	vadd.f32 v5, v1  }
0x320: {  	s24 =	sadd.s32 $0xFFFFFF00, s4;
	s8 =	sand.u32 $0x7800, s19;
	s5 =	sadd.s32 s22, s7;
	v3 =	vld.idx.msk [tilespmem:v43+s2+$0x0], $0xffff  }
0x321: {  	s9 =	sand.u32 $0x380, s24;
	s7 =	sadd.s32 s8, s29;
	v48 =	vld.idx.msk [tilespmem:v0+s5+$0x0 ss:$0x1], $0xffff;
	v47 =	vadd.s32 s11, v44;
	s11 =	sadd.s32 $0xB00, s6;
	v1 =	vadd.f32 v7, v1  }
0x322: {  	s13 =	sadd.s32 $0xFFFFFF80, s4;
	s5 =	sadd.s32 s9, s7;
	v4 =	vld.idx.msk [tilespmem:v45+s2+$0x0], $0xffff;
	s12 =	sand.u32 $0x7800, s11  }
0x323: {  	s14 =	sand.u32 $0x380, s13;
	v50 =	vld.idx.msk [tilespmem:v0+s5+$0x0 ss:$0x1], $0xffff;
	s6 =	sadd.s32 $0xC00, s6;
	v49 =	vadd.s32 s10, v46;
	s7 =	sadd.s32 s12, s29;
	v1 =	vadd.f32 v2, v1  }
0x324: {  	s15 =	sadd.s32 $0x1F40, s28;
	s6 =	sand.u32 $0x7800, s6;
	v51 =	vld.idx.msk [tilespmem:v6+s2+$0x0], $0xffff;
	s5 =	sadd.s32 s14, s7  }
0x325: {  	s4 =	sand.u32 $0x380, s4;
	v52 =	vadd.s32 s15, v10;
	s16 =	sadd.s32 s6, s29;
	v53 =	vld.idx.msk [tilespmem:v0+s5+$0x0 ss:$0x1], $0xffff;
	v1 =	vadd.f32 v3, v1  }
0x326: {  	s19 =	sadd.s32 $0x2328, s28;
	s4 =	sadd.s32 s4, s16;
	v54 =	vld.idx.msk [tilespmem:v47+s2+$0x0], $0xffff  }
0x327: {  	v55 =	vadd.s32 s19, v48;
	v56 =	vld.idx.msk [tilespmem:v0+s4+$0x0 ss:$0x1], $0xffff;
	v1 =	vadd.f32 v4, v1  }
0x328: {  	s22 =	sadd.s32 $0x2710, s28;
	v57 =	vld.idx.msk [tilespmem:v49+s2+$0x0], $0xffff  }
0x329: {  	v58 =	vadd.s32 s22, v50;
	v1 =	vadd.f32 v51, v1  }
0x32a: {  	s24 =	sadd.s32 $0x2AF8, s28;
	v59 =	vld.idx.msk [tilespmem:v52+s2+$0x0], $0xffff  }
0x32b: {  	v60 =	vadd.s32 s24, v53;
	v1 =	vadd.f32 v54, v1  }
0x32c: {  	s29 =	sadd.s32 $0x2EE0, s28;
	v61 =	vld.idx.msk [tilespmem:v55+s2+$0x0], $0xffff  }
0x32d: {  	v0 =	vadd.s32 s29, v56;
	v1 =	vadd.f32 v57, v1  }
0x32e: {  	v62 =	vld.idx.msk [tilespmem:v58+s2+$0x0], $0xffff  }
0x32f: {  	v1 =	vadd.f32 v59, v1  }
0x330: {  	v63 =	vld.idx.msk [tilespmem:v60+s2+$0x0], $0xffff  }
0x331: {  	v1 =	vadd.f32 v61, v1  }
0x332: {  	v0 =	vld.idx.msk [tilespmem:v0+s2+$0x0], $0xffff  }
0x333: {  	s0 =	sadd.s32 $0x1, s0;
	v1 =	vadd.f32 v62, v1  }
0x334: {  	p2 =	sne.s32 s0, $0x10  }
.Ltmp17:
0x335: {  	v1 =	vadd.f32 v63, v1;
	(pc) =	sbr.rel @p2 .LBB2_32-.Ltmp17, $4  }
0x336: {  	_ = 	snop  }
0x337: {  	s3 =	sand.u32 $0x80, s3;
	v0 =	vadd.f32 v0, v1  }
0x338: {  	s1 =	sor.u32 s1, s3  }
0x339: {  	[tilespmem:s1+$0x19E80] =	vst v0  }
.LBB2_35:
0x33a: {  	[bflag:$0x0] =	sbarrier.arrive $0xFFFF  }
0x33b: {  	s0 =	simm.s32 $0x19B80;
	s1 =	rddreg [dreg:$0xf]  }
0x33c: {  	[tilespmem:s0], [sflag:$0x4] =	stream.linear.gather [spmem:s1], $0x200, $0x38;
	[tilespmem:$0x1A180] =	vst v63  }
0x33d: {  	_ =	swait.ge [sflag:s26], $0x200  }
0x33e: {  	s31 =	simm.s32 $0x0;
	[sflag:s26] =	ssyncset.done $0x0  }
0x33f: {  	s1 =	sand.u32 $0x1F0, s31;
	[sflag:s26] =	ssyncadd.s32 $0xFFFFFE00  }
0x340: {  	v0 =	vld [tilespmem:s1+$0x19D80];
	s1 =	simm.s32 $0x10  }
.LBB2_36:
0x341: {  	p2 =	sne.s32 s1, $0x1F0;
	v1 =	vld [tilespmem:s0+$0x0];
	_ =	sdelay $0x3  }
.Ltmp18:
0x342: {  	(pc) =	sbr.rel @p2 .LBB2_36-.Ltmp18, $3  }
0x343: {  	v0 =	vadd.f32 v0, v1;
	_ =	sdelay $0x1  }
0x344: {  	s3 =	sand.u32 $0x1F0, s1;
	[tilespmem:s0+$0x0] =	vst v0  }
0x345: {  	s1 =	sadd.s32 $0x10, s1;
	s0 =	sadd.s32 $0x10, s0;
	v0 =	vld [tilespmem:s3+$0x19D80]  }
0x346: {  	v1 =	vld [tilespmem:s0+$0x0];
	_ =	sdelay $0x4  }
0x347: {  	v0 =	vadd.f32 v0, v1;
	_ =	sdelay $0x1  }
0x348: {  	s29 =	rddreg [dreg:$0x10];
	s1 =	simm.s32 $0x19B80;
	[tilespmem:s0+$0x0] =	vst v0  }
0x349: {  	[hbm4b:s29+s2] =	stream.linear.scatter [tilespmem:s1], [sflag:$0x5], $0x200, $0x38;
	[tilespmem:$0x1A180] =	vst v63  }
0x34a: {  	_ =	swait.ge [sflag:s25], $0x200  }
0x34b: {  	s30 =	sadd.s32 $0x1, s30;
	s31 =	rddreg [dreg:$0x11]  }
0x34c: {  	p2 =	sne.s32 s30, s31  }
.Ltmp19:
0x34d: {  	_ = 	snop;
	(pc) =	sbr.rel @p2 .LBB2_1-.Ltmp19, $3  }
0x34e: {  	_ =	sdelay $0x1  }
0x34f: {  	[sflag:s25] =	ssyncset.done $0x0  }
0x350: {  	[sflag:s25] =	ssyncadd.s32 $0xFFFFFE00  }
0x351: {  	_ =	sfence.sel $0x180000  }
0x352: {  	[bflag:$0x0] =	sbarrier.arrive $0xFFFF  }
0x353: {  	_ =	strace $0x90000047  }
0x354: {  	s0 =	stileid.u32;
	[bflag:$0x2] =	sbarrier.arrive $0xFFFF  }
0x355: {  	p0 =	sne.s32 s0, $0x0;
	s0 =	rddreg [dreg:$0x4]  }
0x356: {  	s0 =	sadd.s32 @!p0 $0x100000, s0  }
0x357: {  	[sflag:s0] =	ssyncadd.tile.s32 @!p0 $0x1;
	_ =	shalt  }
.Lfunc_end2:
_tile_overlayer_lowered:
.L_overlay_start_2:
0x358: {  	(tag) =	ssettag $0x2  }
0x359: {  	s0 =	rddreg [dreg:$0x0];
	s2 =	stileid.u32  }
0x35a: {  	s1 =	rddreg [dreg:$0x1];
	p0 =	sne.s32 s2, $0x0  }
0x35b: {  	s3 =	rddreg [dreg:$0x2];
	[bflag:$0x3] =	sbarrier.arrive $0xFFFF;
	s2 =	simm.s32 @!p0 $0x1C05  }
0x35c: {  	[timem:s3], [sflag:s2] =	dma.local @!p0 [hbm:s0], s1  }
0x35d: {  	s0 =	simm.s32 @!p0 $0x5  }
0x35e: {  	_ =	swait.ge @!p0 [sflag:s0], s1  }
0x35f: {  	s1 =	ssub.s32 @!p0 $0x0, s1;
	[sflag:s0] =	ssyncset.done @!p0 $0x0  }
0x360: {  	[sflag:s0] =	ssyncadd.s32 @!p0 s1  }
0x361: {  	[bflag:$0x3] =	sbarrier.arrive $0xFFFF  }
0x362: {  	_ =	shalt  }

</sc_bundles>
